<compile_context>
chip_gen: v7x
topology: tpu7x:2x2x1
jax: 0.10.2.dev20260603
libtpu: 0.0.44.dev20260713+nightly
codegen_flags: <defaults>
</compile_context>

<pallas_src>
import jax
import jax.numpy as jnp
from jax import lax
from jax.experimental import pallas as pl
from jax.experimental.pallas import tpu as pltpu
from jax.experimental.pallas import tpu_sc as plsc

_NUM_KEEP_FIRST = 7
_SLIDING_WINDOW_SIZE = 50
_PSP_ALPHA = 0.6
_ITER_ATTR = 0

_BB = 256
_L = 16


def _colsum_body(trg_ref, src_ref, s1_ref, s2_ref):
    i = pl.program_id(0)
    d = trg_ref[...] - src_ref[...]
    p1 = jnp.sum(d, axis=1)
    p2 = jnp.sum(jnp.abs(d), axis=1)

    @pl.when(i == 0)
    def _():
        s1_ref[...] = p1
        s2_ref[...] = p2

    @pl.when(i != 0)
    def _():
        s1_ref[...] = s1_ref[...] + p1
        s2_ref[...] = s2_ref[...] + p2


def _column_sums(trg_t, src_t, rows, cols):
    b = trg_t.shape[1]
    grid = (b // _BB,)
    return pl.pallas_call(
        _colsum_body,
        grid=grid,
        in_specs=[
            pl.BlockSpec((rows, _BB, cols), lambda i: (0, i, 0)),
            pl.BlockSpec((rows, _BB, cols), lambda i: (0, i, 0)),
        ],
        out_specs=[
            pl.BlockSpec((rows, cols), lambda i: (0, 0)),
            pl.BlockSpec((rows, cols), lambda i: (0, 0)),
        ],
        out_shape=[
            jax.ShapeDtypeStruct((rows, cols), jnp.float32),
            jax.ShapeDtypeStruct((rows, cols), jnp.float32),
        ],
    )(trg_t, src_t)


def _make_select(keep, narr, k_sel, scale):
    mesh = plsc.VectorSubcoreMesh(core_axis_name="c", subcore_axis_name="s",
                                  num_cores=1)
    nchunks = keep // _L

    def _scan_hist(hist_v, nb, k_rem):
        carry = jnp.int32(0)
        ones = jnp.ones((_L,), jnp.int32)
        zeros = jnp.zeros((_L,), jnp.int32)
        below_cnt = zeros
        below_max = zeros
        for j in range(nb // _L):
            h = hist_v[pl.ds(j * _L, _L)]
            cs = plsc.cumsum(h) + carry
            lt = cs < k_rem
            below_cnt = below_cnt + jnp.where(lt, ones, zeros)
            below_max = jnp.maximum(below_max, jnp.where(lt, cs, zeros))
            carry = carry + jnp.sum(h)
        return jnp.sum(below_cnt), jnp.max(below_max)

    def body(s1_hbm, s2_hbm, out_hbm, s1_v, s2_v, key_v, hist_v, out_v):
        cid = lax.axis_index("c")
        sid = lax.axis_index("s")

        @pl.when(jnp.logical_and(cid == 0, sid == 0))
        def _():
            pltpu.sync_copy(s1_hbm, s1_v)
            pltpu.sync_copy(s2_hbm, s2_v)

            @pl.loop(0, keep, step=_L)
            def _(c):
                key_v[pl.ds(c, _L)] = plsc.bitcast(
                    jnp.abs(s1_v[pl.ds(c, _L)]), jnp.int32)

            ones = jnp.ones((_L,), jnp.int32)
            zeros = jnp.zeros((_L,), jnp.int32)
            iota = lax.iota(jnp.int32, _L)

            k_rem = jnp.int32(k_sel)
            prefix = jnp.int32(0)
            for r in range(4):
                shift = 24 - 8 * r
                for j in range(256 // _L):
                    hist_v[pl.ds(j * _L, _L)] = zeros
                pfx = prefix

                @pl.loop(0, keep, step=_L)
                def _(c, _r=r, _shift=shift, _pfx=pfx):
                    k = key_v[pl.ds(c, _L)]
                    bin_ = lax.shift_right_logical(k, _shift) & 255
                    if _r == 0:
                        plsc.addupdate_scatter(hist_v, [bin_], ones)
                    else:
                        m = lax.shift_right_logical(k, 32 - 8 * _r) == _pfx
                        plsc.addupdate_scatter(hist_v, [bin_], ones, mask=m)

                b_star, n_below = _scan_hist(hist_v, 256, k_rem)
                k_rem = k_rem - n_below
                prefix = (prefix << 8) | b_star

            t = prefix
            ipfx = jnp.int32(0)
            for r in range(2):
                shift = 6 - 6 * r
                for j in range(64 // _L):
                    hist_v[pl.ds(j * _L, _L)] = zeros
                ip = ipfx

                @pl.loop(0, keep, step=_L)
                def _(c, _r=r, _shift=shift, _ip=ip):
                    k = key_v[pl.ds(c, _L)]
                    idxv = iota + c
                    if _r == 0:
                        m = k == t
                    else:
                        m = jnp.logical_and(
                            k == t, lax.shift_right_logical(idxv, 6) == _ip)
                    bin_ = lax.shift_right_logical(idxv, _shift) & 63
                    plsc.addupdate_scatter(hist_v, [bin_], ones, mask=m)

                b_star, n_below = _scan_hist(hist_v, 64, k_rem)
                k_rem = k_rem - n_below
                ipfx = (ipfx << 6) | b_star

            idx_t = ipfx

            def fbody(i, acc):
                c = i * _L
                k = key_v[pl.ds(c, _L)]
                idxv = iota + c
                sel = jnp.logical_or(
                    k < t, jnp.logical_and(k == t, idxv <= idx_t))
                return acc + jnp.where(sel, s2_v[pl.ds(c, _L)],
                                       jnp.zeros((_L,), jnp.float32))

            acc = lax.fori_loop(0, nchunks, fbody,
                                jnp.zeros((_L,), jnp.float32))
            total = jnp.sum(acc) * scale
            out_v[...] = jnp.zeros((_L,), jnp.float32) + total
            pltpu.sync_copy(out_v, out_hbm)

    return pl.kernel(
        body,
        out_type=jax.ShapeDtypeStruct((_L,), jnp.float32),
        mesh=mesh,
        compiler_params=pltpu.CompilerParams(needs_layout_passes=False),
        scratch_types=[
            pltpu.VMEM((narr,), jnp.float32),
            pltpu.VMEM((narr,), jnp.float32),
            pltpu.VMEM((keep,), jnp.int32),
            pltpu.VMEM((256,), jnp.int32),
            pltpu.VMEM((_L,), jnp.float32),
        ],
    )


def kernel(trg_latents, src_latents, iters):
    b = trg_latents.shape[0]
    cols = trg_latents.shape[2]
    keep = _NUM_KEEP_FIRST * cols
    k_sel = int(_PSP_ALPHA * keep)
    trg_t = jnp.transpose(trg_latents, (1, 0, 2))
    src_t = jnp.transpose(src_latents, (1, 0, 2))
    s1, s2 = _column_sums(trg_t, src_t, _NUM_KEEP_FIRST, cols)
    scale = 1.0 / (b * keep)
    sel = _make_select(keep, keep, k_sel, scale)
    tot = sel(s1.reshape(-1), s2.reshape(-1))
    w = jnp.maximum(0.0, (iters - _SLIDING_WINDOW_SIZE)
                    / (_ITER_ATTR - _SLIDING_WINDOW_SIZE))
    return w * tot[0]

# --- scband reference (transcript-rebuilt; emitter-appended) ---
"""Pipeline reference for scband-psploss-25451976196791 (READ-ONLY COPY).

The authoritative reference and input builder live on the scoring server;
editing this copy changes nothing except your own understanding.
"""

import jax, jax.numpy as jnp
import numpy as np

NUM_KEEP_FIRST = 7
SLIDING_WINDOW_SIZE = 50
PSP_ALPHA = 0.6
ITER_ATTR = 0  # self.iter in the torch module, never updated before forward


def setup_inputs(seed: int = 0) -> dict:
    key = jax.random.key(seed)
    k1, k2 = jax.random.split(key)
    trg_latents = jax.random.normal(k1, (1024, 18, 512), dtype=jnp.float32)
    src_latents = jax.random.normal(k2, (1024, 18, 512), dtype=jnp.float32)
    return {"trg_latents": trg_latents, "src_latents": src_latents, "iters": 25}


def reference(trg_latents, src_latents, iters):
    batch_size = trg_latents.shape[0]
    target_encodings = trg_latents.reshape(batch_size, -1)
    source_encodings = src_latents.reshape(batch_size, -1)
    keep_num = NUM_KEEP_FIRST * 512
    target_encodings = target_encodings[:, 0:keep_num]
    source_encodings = source_encodings[:, 0:keep_num]
    # update_w with a single queue entry: mean over batch, detached
    source_mean = jax.lax.stop_gradient(jnp.mean(source_encodings, axis=0, keepdims=True))
    target_mean = jax.lax.stop_gradient(jnp.mean(target_encodings, axis=0, keepdims=True))
    delta_w = (target_mean - source_mean).flatten()
    num_channel = delta_w.shape[0]
    # dynamic_loss: keep the alpha-fraction of channels with SMALLEST |delta_w|
    order = jnp.argsort(jnp.abs(delta_w))
    chosen_order = order[0:int(PSP_ALPHA * num_channel)]
    cond = jnp.zeros((num_channel,), dtype=target_encodings.dtype).at[chosen_order].set(1.0)
    cond = cond[None, :]
    t = cond * target_encodings
    s = cond * source_encodings
    loss = jnp.mean(jnp.abs(t - s))  # F.l1_loss with mean reduction
    regular_weight = jnp.maximum(0.0, (iters - SLIDING_WINDOW_SIZE) / (ITER_ATTR - SLIDING_WINDOW_SIZE))
    return regular_weight * loss

if __name__ == "__main__":
    import jax
    _d = setup_inputs()
    print(jax.jit(kernel)(*tuple(_d.values())))

</pallas_src>

<mosaic_0001>
#map = affine_map<(d0, d1) -> (0)>
module attributes {stable_mosaic.version = 14 : i64} {
  func.func @body(%arg0: i32, %arg1: i32, %arg2: memref<3584xf32, #tpu.memory_space<hbm>>, %arg3: memref<3584xf32, #tpu.memory_space<hbm>>, %arg4: memref<16xf32, #tpu.memory_space<hbm>>, %arg5: memref<3584xf32, #tpu.memory_space<vmem>>, %arg6: memref<3584xf32, #tpu.memory_space<vmem>>, %arg7: memref<3584xi32, #tpu.memory_space<vmem>>, %arg8: memref<256xi32, #tpu.memory_space<vmem>>, %arg9: memref<16xf32, #tpu.memory_space<vmem>>) attributes {dimension_semantics = [#tpu.dimension_semantics<core_parallel>, #tpu.dimension_semantics<subcore_parallel>], iteration_bounds = array<i64: 1, 16>, scalar_prefetch = 0 : i64, scratch_operands = 5 : i64, tpu.core_type = #tpu.core_type<sc_vector_subcore>, window_params = [{transform_indices = #map}, {transform_indices = #map}, {transform_indices = #map}]} {
    %eq3A = arith.constant 0 : i32
    %eq3A_0 = arith.cmpi eq, %arg0, %eq3A : i32
    %eq3A_1 = arith.constant 0 : i32
    %eq3A_2 = arith.cmpi eq, %arg1, %eq3A_1 : i32
    %and3A = arith.andi %eq3A_0, %eq3A_2 : i1
    %convert_element_type3A = arith.extui %and3A : i1 to i32
    %cond3A = arith.constant 0 : i32
    %cond3A_3 = arith.cmpi ne, %convert_element_type3A, %cond3A : i32
    scf.if %cond3A_3 {
      "tpu.region"() ({
        %run_scoped3A = tpu.sem_alloc : memref<!tpu.dma_semaphore, #tpu.memory_space<semaphore_mem>>
        tpu.enqueue_dma source(%arg2 : memref<3584xf32, #tpu.memory_space<hbm>>) target(%arg5 : memref<3584xf32, #tpu.memory_space<vmem>>) target_semaphore(%run_scoped3A : memref<!tpu.dma_semaphore, #tpu.memory_space<semaphore_mem>>)
        tpu.wait_dma2 semaphore(%run_scoped3A : memref<!tpu.dma_semaphore, #tpu.memory_space<semaphore_mem>>) src(%arg2 : memref<3584xf32, #tpu.memory_space<hbm>>) dst(%arg5 : memref<3584xf32, #tpu.memory_space<vmem>>)
        tpu.yield
      }) : () -> ()
      "tpu.region"() ({
        %run_scoped3A = tpu.sem_alloc : memref<!tpu.dma_semaphore, #tpu.memory_space<semaphore_mem>>
        tpu.enqueue_dma source(%arg3 : memref<3584xf32, #tpu.memory_space<hbm>>) target(%arg6 : memref<3584xf32, #tpu.memory_space<vmem>>) target_semaphore(%run_scoped3A : memref<!tpu.dma_semaphore, #tpu.memory_space<semaphore_mem>>)
        tpu.wait_dma2 semaphore(%run_scoped3A : memref<!tpu.dma_semaphore, #tpu.memory_space<semaphore_mem>>) src(%arg3 : memref<3584xf32, #tpu.memory_space<hbm>>) dst(%arg6 : memref<3584xf32, #tpu.memory_space<vmem>>)
        tpu.yield
      }) : () -> ()
      %scan3A = arith.constant 0 : i32
      %scan3A_4 = arith.constant 224 : i32
      %scan3A_5 = arith.addi %scan3A, %scan3A_4 : i32
      %scan3A_6 = arith.constant 1 : i32
      scf.for %scan3A_1639 = %scan3A to %scan3A_5 step %scan3A_6  : i32 {
        %mul3A_1640 = arith.constant 16 : i32
        %mul3A_1641 = arith.muli %scan3A_1639, %mul3A_1640 : i32
        %add3A_1642 = arith.constant 0 : i32
        %add3A_1643 = arith.addi %add3A_1642, %mul3A_1641 : i32
        %get3A_1644 = arith.index_cast %add3A_1643 : i32 to index
        %get3A_1645 = tpu.vector_load %arg5[%get3A_1644] {strides = array<i32>} : memref<3584xf32, #tpu.memory_space<vmem>>, vector<16xf32>,
        %abs3A = math.absf %get3A_1645 : vector<16xf32>
        %bitcast3A = vector.bitcast %abs3A : vector<16xf32> to vector<16xi32>
        %swap3A_1646 = arith.index_cast %add3A_1643 : i32 to index
        %swap3A_1647 = tpu.vector_load %arg7[%swap3A_1646] {strides = array<i32>} : memref<3584xi32, #tpu.memory_space<vmem>>, vector<16xi32>,
        tpu.vector_store %arg7[%swap3A_1646], %bitcast3A {strides = array<i32>} : memref<3584xi32, #tpu.memory_space<vmem>>, vector<16xi32>,
      }
      %scan3A_7 = arith.constant 224 : i32
      %broadcast_in_dim3A = arith.constant 1 : i32
      %broadcast_in_dim3A_8 = vector.broadcast %broadcast_in_dim3A : i32 to vector<16xi32>
      %broadcast_in_dim3A_9 = arith.constant 0 : i32
      %broadcast_in_dim3A_10 = vector.broadcast %broadcast_in_dim3A_9 : i32 to vector<16xi32>
      %iota3A = tpu.iota {dimensions = array<i32: 0>} : vector<16xi32>
      %swap3A = arith.constant 0 : index
      %swap3A_11 = tpu.vector_load %arg8[%swap3A] {strides = array<i32>} : memref<256xi32, #tpu.memory_space<vmem>>, vector<16xi32>,
      tpu.vector_store %arg8[%swap3A], %broadcast_in_dim3A_10 {strides = array<i32>} : memref<256xi32, #tpu.memory_space<vmem>>, vector<16xi32>,
      %swap3A_12 = arith.constant 16 : index
      %swap3A_13 = tpu.vector_load %arg8[%swap3A_12] {strides = array<i32>} : memref<256xi32, #tpu.memory_space<vmem>>, vector<16xi32>,
      tpu.vector_store %arg8[%swap3A_12], %broadcast_in_dim3A_10 {strides = array<i32>} : memref<256xi32, #tpu.memory_space<vmem>>, vector<16xi32>,
      %swap3A_14 = arith.constant 32 : index
      %swap3A_15 = tpu.vector_load %arg8[%swap3A_14] {strides = array<i32>} : memref<256xi32, #tpu.memory_space<vmem>>, vector<16xi32>,
      tpu.vector_store %arg8[%swap3A_14], %broadcast_in_dim3A_10 {strides = array<i32>} : memref<256xi32, #tpu.memory_space<vmem>>, vector<16xi32>,
      %swap3A_16 = arith.constant 48 : index
      %swap3A_17 = tpu.vector_load %arg8[%swap3A_16] {strides = array<i32>} : memref<256xi32, #tpu.memory_space<vmem>>, vector<16xi32>,
      tpu.vector_store %arg8[%swap3A_16], %broadcast_in_dim3A_10 {strides = array<i32>} : memref<256xi32, #tpu.memory_space<vmem>>, vector<16xi32>,
      %swap3A_18 = arith.constant 64 : index
      %swap3A_19 = tpu.vector_load %arg8[%swap3A_18] {strides = array<i32>} : memref<256xi32, #tpu.memory_space<vmem>>, vector<16xi32>,
      tpu.vector_store %arg8[%swap3A_18], %broadcast_in_dim3A_10 {strides = array<i32>} : memref<256xi32, #tpu.memory_space<vmem>>, vector<16xi32>,
      %swap3A_20 = arith.constant 80 : index
      %swap3A_21 = tpu.vector_load %arg8[%swap3A_20] {strides = array<i32>} : memref<256xi32, #tpu.memory_space<vmem>>, vector<16xi32>,
      tpu.vector_store %arg8[%swap3A_20], %broadcast_in_dim3A_10 {strides = array<i32>} : memref<256xi32, #tpu.memory_space<vmem>>, vector<16xi32>,
      %swap3A_22 = arith.constant 96 : index
      %swap3A_23 = tpu.vector_load %arg8[%swap3A_22] {strides = array<i32>} : memref<256xi32, #tpu.memory_space<vmem>>, vector<16xi32>,
      tpu.vector_store %arg8[%swap3A_22], %broadcast_in_dim3A_10 {strides = array<i32>} : memref<256xi32, #tpu.memory_space<vmem>>, vector<16xi32>,
      %swap3A_24 = arith.constant 112 : index
      %swap3A_25 = tpu.vector_load %arg8[%swap3A_24] {strides = array<i32>} : memref<256xi32, #tpu.memory_space<vmem>>, vector<16xi32>,
      tpu.vector_store %arg8[%swap3A_24], %broadcast_in_dim3A_10 {strides = array<i32>} : memref<256xi32, #tpu.memory_space<vmem>>, vector<16xi32>,
      %swap3A_26 = arith.constant 128 : index
      %swap3A_27 = tpu.vector_load %arg8[%swap3A_26] {strides = array<i32>} : memref<256xi32, #tpu.memory_space<vmem>>, vector<16xi32>,
      tpu.vector_store %arg8[%swap3A_26], %broadcast_in_dim3A_10 {strides = array<i32>} : memref<256xi32, #tpu.memory_space<vmem>>, vector<16xi32>,
      %swap3A_28 = arith.constant 144 : index
      %swap3A_29 = tpu.vector_load %arg8[%swap3A_28] {strides = array<i32>} : memref<256xi32, #tpu.memory_space<vmem>>, vector<16xi32>,
      tpu.vector_store %arg8[%swap3A_28], %broadcast_in_dim3A_10 {strides = array<i32>} : memref<256xi32, #tpu.memory_space<vmem>>, vector<16xi32>,
      %swap3A_30 = arith.constant 160 : index
      %swap3A_31 = tpu.vector_load %arg8[%swap3A_30] {strides = array<i32>} : memref<256xi32, #tpu.memory_space<vmem>>, vector<16xi32>,
      tpu.vector_store %arg8[%swap3A_30], %broadcast_in_dim3A_10 {strides = array<i32>} : memref<256xi32, #tpu.memory_space<vmem>>, vector<16xi32>,
      %swap3A_32 = arith.constant 176 : index
      %swap3A_33 = tpu.vector_load %arg8[%swap3A_32] {strides = array<i32>} : memref<256xi32, #tpu.memory_space<vmem>>, vector<16xi32>,
      tpu.vector_store %arg8[%swap3A_32], %broadcast_in_dim3A_10 {strides = array<i32>} : memref<256xi32, #tpu.memory_space<vmem>>, vector<16xi32>,
      %swap3A_34 = arith.constant 192 : index
      %swap3A_35 = tpu.vector_load %arg8[%swap3A_34] {strides = array<i32>} : memref<256xi32, #tpu.memory_space<vmem>>, vector<16xi32>,
      tpu.vector_store %arg8[%swap3A_34], %broadcast_in_dim3A_10 {strides = array<i32>} : memref<256xi32, #tpu.memory_space<vmem>>, vector<16xi32>,
      %swap3A_36 = arith.constant 208 : index
      %swap3A_37 = tpu.vector_load %arg8[%swap3A_36] {strides = array<i32>} : memref<256xi32, #tpu.memory_space<vmem>>, vector<16xi32>,
      tpu.vector_store %arg8[%swap3A_36], %broadcast_in_dim3A_10 {strides = array<i32>} : memref<256xi32, #tpu.memory_space<vmem>>, vector<16xi32>,
      %swap3A_38 = arith.constant 224 : index
      %swap3A_39 = tpu.vector_load %arg8[%swap3A_38] {strides = array<i32>} : memref<256xi32, #tpu.memory_space<vmem>>, vector<16xi32>,
      tpu.vector_store %arg8[%swap3A_38], %broadcast_in_dim3A_10 {strides = array<i32>} : memref<256xi32, #tpu.memory_space<vmem>>, vector<16xi32>,
      %swap3A_40 = arith.constant 240 : index
      %swap3A_41 = tpu.vector_load %arg8[%swap3A_40] {strides = array<i32>} : memref<256xi32, #tpu.memory_space<vmem>>, vector<16xi32>,
      tpu.vector_store %arg8[%swap3A_40], %broadcast_in_dim3A_10 {strides = array<i32>} : memref<256xi32, #tpu.memory_space<vmem>>, vector<16xi32>,
      %scan3A_42 = arith.constant 0 : i32
      %scan3A_43 = arith.constant 224 : i32
      %scan3A_44 = arith.addi %scan3A_42, %scan3A_43 : i32
      %scan3A_45 = arith.constant 1 : i32
      scf.for %scan3A_1639 = %scan3A_42 to %scan3A_44 step %scan3A_45  : i32 {
        %mul3A_1640 = arith.constant 16 : i32
        %mul3A_1641 = arith.muli %scan3A_1639, %mul3A_1640 : i32
        %add3A_1642 = arith.constant 0 : i32
        %add3A_1643 = arith.addi %add3A_1642, %mul3A_1641 : i32
        %get3A_1644 = arith.index_cast %add3A_1643 : i32 to index
        %get3A_1645 = tpu.vector_load %arg7[%get3A_1644] {strides = array<i32>} : memref<3584xi32, #tpu.memory_space<vmem>>, vector<16xi32>,
        %shift_right_logical3A = arith.constant 24 : i32
        %shift_right_logical3A_1646 = vector.broadcast %shift_right_logical3A : i32 to vector<16xi32>
        %shift_right_logical3A_1647 = arith.shrui %get3A_1645, %shift_right_logical3A_1646 : vector<16xi32>
        %and3A_1648 = arith.constant 255 : i32
        %and3A_1649 = vector.broadcast %and3A_1648 : i32 to vector<16xi32>
        %and3A_1650 = arith.andi %shift_right_logical3A_1647, %and3A_1649 : vector<16xi32>
        tpu.vector_store_idx %arg8[%and3A_1650], %broadcast_in_dim3A_8 {add = true} : memref<256xi32, #tpu.memory_space<vmem>>[vector<16xi32>], vector<16xi32>,
      }
      %scan3A_46 = arith.constant 224 : i32
      %broadcast_in_dim3A_47 = arith.constant 1 : i32
      %broadcast_in_dim3A_48 = vector.broadcast %broadcast_in_dim3A_47 : i32 to vector<16xi32>
      %broadcast_in_dim3A_49 = arith.constant 0 : i32
      %broadcast_in_dim3A_50 = vector.broadcast %broadcast_in_dim3A_49 : i32 to vector<16xi32>
      %get3A = arith.constant 0 : index
      %get3A_51 = tpu.vector_load %arg8[%get3A] {strides = array<i32>} : memref<256xi32, #tpu.memory_space<vmem>>, vector<16xi32>,
      %broadcast_in_dim3A_52 = arith.constant true
      %broadcast_in_dim3A_53 = vector.broadcast %broadcast_in_dim3A_52 : i1 to vector<16xi1>
      %masked_cumsum3A = tpu.scan <sum>, %get3A_51 masked %broadcast_in_dim3A_53 : vector<16xi32>, vector<16xi1> -> vector<16xi32>
      %add3A = arith.constant 0 : i32
      %add3A_54 = vector.broadcast %add3A : i32 to vector<16xi32>
      %add3A_55 = arith.addi %masked_cumsum3A, %add3A_54 : vector<16xi32>
      %lt3A = arith.constant 2150 : i32
      %lt3A_56 = vector.broadcast %lt3A : i32 to vector<16xi32>
      %lt3A_57 = arith.cmpi slt, %add3A_55, %lt3A_56 : vector<16xi32>
      %select_n3A = arith.select %lt3A_57, %broadcast_in_dim3A_48, %broadcast_in_dim3A_50 : vector<16xi1>, vector<16xi32>
      %add3A_58 = arith.addi %broadcast_in_dim3A_50, %select_n3A : vector<16xi32>
      %select_n3A_59 = arith.select %lt3A_57, %add3A_55, %broadcast_in_dim3A_50 : vector<16xi1>, vector<16xi32>
      %max3A = arith.maxsi %broadcast_in_dim3A_50, %select_n3A_59 : vector<16xi32>
      %reduce_sum3A = arith.constant true
      %reduce_sum3A_60 = vector.broadcast %reduce_sum3A : i1 to vector<16xi1>
      %reduce_sum3A_61 = tpu.scan <sum>, %get3A_51 masked %reduce_sum3A_60 : vector<16xi32>, vector<16xi1> -> vector<16xi32>
      %reduce_sum3A_62 = vector.extract %reduce_sum3A_61[15] : i32 from vector<16xi32>
      %add3A_63 = arith.constant 0 : i32
      %add3A_64 = arith.addi %add3A_63, %reduce_sum3A_62 : i32
      %get3A_65 = arith.constant 16 : index
      %get3A_66 = tpu.vector_load %arg8[%get3A_65] {strides = array<i32>} : memref<256xi32, #tpu.memory_space<vmem>>, vector<16xi32>,
      %broadcast_in_dim3A_67 = arith.constant true
      %broadcast_in_dim3A_68 = vector.broadcast %broadcast_in_dim3A_67 : i1 to vector<16xi1>
      %masked_cumsum3A_69 = tpu.scan <sum>, %get3A_66 masked %broadcast_in_dim3A_68 : vector<16xi32>, vector<16xi1> -> vector<16xi32>
      %add3A_70 = vector.broadcast %add3A_64 : i32 to vector<16xi32>
      %add3A_71 = arith.addi %masked_cumsum3A_69, %add3A_70 : vector<16xi32>
      %lt3A_72 = arith.constant 2150 : i32
      %lt3A_73 = vector.broadcast %lt3A_72 : i32 to vector<16xi32>
      %lt3A_74 = arith.cmpi slt, %add3A_71, %lt3A_73 : vector<16xi32>
      %select_n3A_75 = arith.select %lt3A_74, %broadcast_in_dim3A_48, %broadcast_in_dim3A_50 : vector<16xi1>, vector<16xi32>
      %add3A_76 = arith.addi %add3A_58, %select_n3A_75 : vector<16xi32>
      %select_n3A_77 = arith.select %lt3A_74, %add3A_71, %broadcast_in_dim3A_50 : vector<16xi1>, vector<16xi32>
      %max3A_78 = arith.maxsi %max3A, %select_n3A_77 : vector<16xi32>
      %reduce_sum3A_79 = arith.constant true
      %reduce_sum3A_80 = vector.broadcast %reduce_sum3A_79 : i1 to vector<16xi1>
      %reduce_sum3A_81 = tpu.scan <sum>, %get3A_66 masked %reduce_sum3A_80 : vector<16xi32>, vector<16xi1> -> vector<16xi32>
      %reduce_sum3A_82 = vector.extract %reduce_sum3A_81[15] : i32 from vector<16xi32>
      %add3A_83 = arith.addi %add3A_64, %reduce_sum3A_82 : i32
      %get3A_84 = arith.constant 32 : index
      %get3A_85 = tpu.vector_load %arg8[%get3A_84] {strides = array<i32>} : memref<256xi32, #tpu.memory_space<vmem>>, vector<16xi32>,
      %broadcast_in_dim3A_86 = arith.constant true
      %broadcast_in_dim3A_87 = vector.broadcast %broadcast_in_dim3A_86 : i1 to vector<16xi1>
      %masked_cumsum3A_88 = tpu.scan <sum>, %get3A_85 masked %broadcast_in_dim3A_87 : vector<16xi32>, vector<16xi1> -> vector<16xi32>
      %add3A_89 = vector.broadcast %add3A_83 : i32 to vector<16xi32>
      %add3A_90 = arith.addi %masked_cumsum3A_88, %add3A_89 : vector<16xi32>
      %lt3A_91 = arith.constant 2150 : i32
      %lt3A_92 = vector.broadcast %lt3A_91 : i32 to vector<16xi32>
      %lt3A_93 = arith.cmpi slt, %add3A_90, %lt3A_92 : vector<16xi32>
      %select_n3A_94 = arith.select %lt3A_93, %broadcast_in_dim3A_48, %broadcast_in_dim3A_50 : vector<16xi1>, vector<16xi32>
      %add3A_95 = arith.addi %add3A_76, %select_n3A_94 : vector<16xi32>
      %select_n3A_96 = arith.select %lt3A_93, %add3A_90, %broadcast_in_dim3A_50 : vector<16xi1>, vector<16xi32>
      %max3A_97 = arith.maxsi %max3A_78, %select_n3A_96 : vector<16xi32>
      %reduce_sum3A_98 = arith.constant true
      %reduce_sum3A_99 = vector.broadcast %reduce_sum3A_98 : i1 to vector<16xi1>
      %reduce_sum3A_100 = tpu.scan <sum>, %get3A_85 masked %reduce_sum3A_99 : vector<16xi32>, vector<16xi1> -> vector<16xi32>
      %reduce_sum3A_101 = vector.extract %reduce_sum3A_100[15] : i32 from vector<16xi32>
      %add3A_102 = arith.addi %add3A_83, %reduce_sum3A_101 : i32
      %get3A_103 = arith.constant 48 : index
      %get3A_104 = tpu.vector_load %arg8[%get3A_103] {strides = array<i32>} : memref<256xi32, #tpu.memory_space<vmem>>, vector<16xi32>,
      %broadcast_in_dim3A_105 = arith.constant true
      %broadcast_in_dim3A_106 = vector.broadcast %broadcast_in_dim3A_105 : i1 to vector<16xi1>
      %masked_cumsum3A_107 = tpu.scan <sum>, %get3A_104 masked %broadcast_in_dim3A_106 : vector<16xi32>, vector<16xi1> -> vector<16xi32>
      %add3A_108 = vector.broadcast %add3A_102 : i32 to vector<16xi32>
      %add3A_109 = arith.addi %masked_cumsum3A_107, %add3A_108 : vector<16xi32>
      %lt3A_110 = arith.constant 2150 : i32
      %lt3A_111 = vector.broadcast %lt3A_110 : i32 to vector<16xi32>
      %lt3A_112 = arith.cmpi slt, %add3A_109, %lt3A_111 : vector<16xi32>
      %select_n3A_113 = arith.select %lt3A_112, %broadcast_in_dim3A_48, %broadcast_in_dim3A_50 : vector<16xi1>, vector<16xi32>
      %add3A_114 = arith.addi %add3A_95, %select_n3A_113 : vector<16xi32>
      %select_n3A_115 = arith.select %lt3A_112, %add3A_109, %broadcast_in_dim3A_50 : vector<16xi1>, vector<16xi32>
      %max3A_116 = arith.maxsi %max3A_97, %select_n3A_115 : vector<16xi32>
      %reduce_sum3A_117 = arith.constant true
      %reduce_sum3A_118 = vector.broadcast %reduce_sum3A_117 : i1 to vector<16xi1>
      %reduce_sum3A_119 = tpu.scan <sum>, %get3A_104 masked %reduce_sum3A_118 : vector<16xi32>, vector<16xi1> -> vector<16xi32>
      %reduce_sum3A_120 = vector.extract %reduce_sum3A_119[15] : i32 from vector<16xi32>
      %add3A_121 = arith.addi %add3A_102, %reduce_sum3A_120 : i32
      %get3A_122 = arith.constant 64 : index
      %get3A_123 = tpu.vector_load %arg8[%get3A_122] {strides = array<i32>} : memref<256xi32, #tpu.memory_space<vmem>>, vector<16xi32>,
      %broadcast_in_dim3A_124 = arith.constant true
      %broadcast_in_dim3A_125 = vector.broadcast %broadcast_in_dim3A_124 : i1 to vector<16xi1>
      %masked_cumsum3A_126 = tpu.scan <sum>, %get3A_123 masked %broadcast_in_dim3A_125 : vector<16xi32>, vector<16xi1> -> vector<16xi32>
      %add3A_127 = vector.broadcast %add3A_121 : i32 to vector<16xi32>
      %add3A_128 = arith.addi %masked_cumsum3A_126, %add3A_127 : vector<16xi32>
      %lt3A_129 = arith.constant 2150 : i32
      %lt3A_130 = vector.broadcast %lt3A_129 : i32 to vector<16xi32>
      %lt3A_131 = arith.cmpi slt, %add3A_128, %lt3A_130 : vector<16xi32>
      %select_n3A_132 = arith.select %lt3A_131, %broadcast_in_dim3A_48, %broadcast_in_dim3A_50 : vector<16xi1>, vector<16xi32>
      %add3A_133 = arith.addi %add3A_114, %select_n3A_132 : vector<16xi32>
      %select_n3A_134 = arith.select %lt3A_131, %add3A_128, %broadcast_in_dim3A_50 : vector<16xi1>, vector<16xi32>
      %max3A_135 = arith.maxsi %max3A_116, %select_n3A_134 : vector<16xi32>
      %reduce_sum3A_136 = arith.constant true
      %reduce_sum3A_137 = vector.broadcast %reduce_sum3A_136 : i1 to vector<16xi1>
      %reduce_sum3A_138 = tpu.scan <sum>, %get3A_123 masked %reduce_sum3A_137 : vector<16xi32>, vector<16xi1> -> vector<16xi32>
      %reduce_sum3A_139 = vector.extract %reduce_sum3A_138[15] : i32 from vector<16xi32>
      %add3A_140 = arith.addi %add3A_121, %reduce_sum3A_139 : i32
      %get3A_141 = arith.constant 80 : index
      %get3A_142 = tpu.vector_load %arg8[%get3A_141] {strides = array<i32>} : memref<256xi32, #tpu.memory_space<vmem>>, vector<16xi32>,
      %broadcast_in_dim3A_143 = arith.constant true
      %broadcast_in_dim3A_144 = vector.broadcast %broadcast_in_dim3A_143 : i1 to vector<16xi1>
      %masked_cumsum3A_145 = tpu.scan <sum>, %get3A_142 masked %broadcast_in_dim3A_144 : vector<16xi32>, vector<16xi1> -> vector<16xi32>
      %add3A_146 = vector.broadcast %add3A_140 : i32 to vector<16xi32>
      %add3A_147 = arith.addi %masked_cumsum3A_145, %add3A_146 : vector<16xi32>
      %lt3A_148 = arith.constant 2150 : i32
      %lt3A_149 = vector.broadcast %lt3A_148 : i32 to vector<16xi32>
      %lt3A_150 = arith.cmpi slt, %add3A_147, %lt3A_149 : vector<16xi32>
      %select_n3A_151 = arith.select %lt3A_150, %broadcast_in_dim3A_48, %broadcast_in_dim3A_50 : vector<16xi1>, vector<16xi32>
      %add3A_152 = arith.addi %add3A_133, %select_n3A_151 : vector<16xi32>
      %select_n3A_153 = arith.select %lt3A_150, %add3A_147, %broadcast_in_dim3A_50 : vector<16xi1>, vector<16xi32>
      %max3A_154 = arith.maxsi %max3A_135, %select_n3A_153 : vector<16xi32>
      %reduce_sum3A_155 = arith.constant true
      %reduce_sum3A_156 = vector.broadcast %reduce_sum3A_155 : i1 to vector<16xi1>
      %reduce_sum3A_157 = tpu.scan <sum>, %get3A_142 masked %reduce_sum3A_156 : vector<16xi32>, vector<16xi1> -> vector<16xi32>
      %reduce_sum3A_158 = vector.extract %reduce_sum3A_157[15] : i32 from vector<16xi32>
      %add3A_159 = arith.addi %add3A_140, %reduce_sum3A_158 : i32
      %get3A_160 = arith.constant 96 : index
      %get3A_161 = tpu.vector_load %arg8[%get3A_160] {strides = array<i32>} : memref<256xi32, #tpu.memory_space<vmem>>, vector<16xi32>,
      %broadcast_in_dim3A_162 = arith.constant true
      %broadcast_in_dim3A_163 = vector.broadcast %broadcast_in_dim3A_162 : i1 to vector<16xi1>
      %masked_cumsum3A_164 = tpu.scan <sum>, %get3A_161 masked %broadcast_in_dim3A_163 : vector<16xi32>, vector<16xi1> -> vector<16xi32>
      %add3A_165 = vector.broadcast %add3A_159 : i32 to vector<16xi32>
      %add3A_166 = arith.addi %masked_cumsum3A_164, %add3A_165 : vector<16xi32>
      %lt3A_167 = arith.constant 2150 : i32
      %lt3A_168 = vector.broadcast %lt3A_167 : i32 to vector<16xi32>
      %lt3A_169 = arith.cmpi slt, %add3A_166, %lt3A_168 : vector<16xi32>
      %select_n3A_170 = arith.select %lt3A_169, %broadcast_in_dim3A_48, %broadcast_in_dim3A_50 : vector<16xi1>, vector<16xi32>
      %add3A_171 = arith.addi %add3A_152, %select_n3A_170 : vector<16xi32>
      %select_n3A_172 = arith.select %lt3A_169, %add3A_166, %broadcast_in_dim3A_50 : vector<16xi1>, vector<16xi32>
      %max3A_173 = arith.maxsi %max3A_154, %select_n3A_172 : vector<16xi32>
      %reduce_sum3A_174 = arith.constant true
      %reduce_sum3A_175 = vector.broadcast %reduce_sum3A_174 : i1 to vector<16xi1>
      %reduce_sum3A_176 = tpu.scan <sum>, %get3A_161 masked %reduce_sum3A_175 : vector<16xi32>, vector<16xi1> -> vector<16xi32>
      %reduce_sum3A_177 = vector.extract %reduce_sum3A_176[15] : i32 from vector<16xi32>
      %add3A_178 = arith.addi %add3A_159, %reduce_sum3A_177 : i32
      %get3A_179 = arith.constant 112 : index
      %get3A_180 = tpu.vector_load %arg8[%get3A_179] {strides = array<i32>} : memref<256xi32, #tpu.memory_space<vmem>>, vector<16xi32>,
      %broadcast_in_dim3A_181 = arith.constant true
      %broadcast_in_dim3A_182 = vector.broadcast %broadcast_in_dim3A_181 : i1 to vector<16xi1>
      %masked_cumsum3A_183 = tpu.scan <sum>, %get3A_180 masked %broadcast_in_dim3A_182 : vector<16xi32>, vector<16xi1> -> vector<16xi32>
      %add3A_184 = vector.broadcast %add3A_178 : i32 to vector<16xi32>
      %add3A_185 = arith.addi %masked_cumsum3A_183, %add3A_184 : vector<16xi32>
      %lt3A_186 = arith.constant 2150 : i32
      %lt3A_187 = vector.broadcast %lt3A_186 : i32 to vector<16xi32>
      %lt3A_188 = arith.cmpi slt, %add3A_185, %lt3A_187 : vector<16xi32>
      %select_n3A_189 = arith.select %lt3A_188, %broadcast_in_dim3A_48, %broadcast_in_dim3A_50 : vector<16xi1>, vector<16xi32>
      %add3A_190 = arith.addi %add3A_171, %select_n3A_189 : vector<16xi32>
      %select_n3A_191 = arith.select %lt3A_188, %add3A_185, %broadcast_in_dim3A_50 : vector<16xi1>, vector<16xi32>
      %max3A_192 = arith.maxsi %max3A_173, %select_n3A_191 : vector<16xi32>
      %reduce_sum3A_193 = arith.constant true
      %reduce_sum3A_194 = vector.broadcast %reduce_sum3A_193 : i1 to vector<16xi1>
      %reduce_sum3A_195 = tpu.scan <sum>, %get3A_180 masked %reduce_sum3A_194 : vector<16xi32>, vector<16xi1> -> vector<16xi32>
      %reduce_sum3A_196 = vector.extract %reduce_sum3A_195[15] : i32 from vector<16xi32>
      %add3A_197 = arith.addi %add3A_178, %reduce_sum3A_196 : i32
      %get3A_198 = arith.constant 128 : index
      %get3A_199 = tpu.vector_load %arg8[%get3A_198] {strides = array<i32>} : memref<256xi32, #tpu.memory_space<vmem>>, vector<16xi32>,
      %broadcast_in_dim3A_200 = arith.constant true
      %broadcast_in_dim3A_201 = vector.broadcast %broadcast_in_dim3A_200 : i1 to vector<16xi1>
      %masked_cumsum3A_202 = tpu.scan <sum>, %get3A_199 masked %broadcast_in_dim3A_201 : vector<16xi32>, vector<16xi1> -> vector<16xi32>
      %add3A_203 = vector.broadcast %add3A_197 : i32 to vector<16xi32>
      %add3A_204 = arith.addi %masked_cumsum3A_202, %add3A_203 : vector<16xi32>
      %lt3A_205 = arith.constant 2150 : i32
      %lt3A_206 = vector.broadcast %lt3A_205 : i32 to vector<16xi32>
      %lt3A_207 = arith.cmpi slt, %add3A_204, %lt3A_206 : vector<16xi32>
      %select_n3A_208 = arith.select %lt3A_207, %broadcast_in_dim3A_48, %broadcast_in_dim3A_50 : vector<16xi1>, vector<16xi32>
      %add3A_209 = arith.addi %add3A_190, %select_n3A_208 : vector<16xi32>
      %select_n3A_210 = arith.select %lt3A_207, %add3A_204, %broadcast_in_dim3A_50 : vector<16xi1>, vector<16xi32>
      %max3A_211 = arith.maxsi %max3A_192, %select_n3A_210 : vector<16xi32>
      %reduce_sum3A_212 = arith.constant true
      %reduce_sum3A_213 = vector.broadcast %reduce_sum3A_212 : i1 to vector<16xi1>
      %reduce_sum3A_214 = tpu.scan <sum>, %get3A_199 masked %reduce_sum3A_213 : vector<16xi32>, vector<16xi1> -> vector<16xi32>
      %reduce_sum3A_215 = vector.extract %reduce_sum3A_214[15] : i32 from vector<16xi32>
      %add3A_216 = arith.addi %add3A_197, %reduce_sum3A_215 : i32
      %get3A_217 = arith.constant 144 : index
      %get3A_218 = tpu.vector_load %arg8[%get3A_217] {strides = array<i32>} : memref<256xi32, #tpu.memory_space<vmem>>, vector<16xi32>,
      %broadcast_in_dim3A_219 = arith.constant true
      %broadcast_in_dim3A_220 = vector.broadcast %broadcast_in_dim3A_219 : i1 to vector<16xi1>
      %masked_cumsum3A_221 = tpu.scan <sum>, %get3A_218 masked %broadcast_in_dim3A_220 : vector<16xi32>, vector<16xi1> -> vector<16xi32>
      %add3A_222 = vector.broadcast %add3A_216 : i32 to vector<16xi32>
      %add3A_223 = arith.addi %masked_cumsum3A_221, %add3A_222 : vector<16xi32>
      %lt3A_224 = arith.constant 2150 : i32
      %lt3A_225 = vector.broadcast %lt3A_224 : i32 to vector<16xi32>
      %lt3A_226 = arith.cmpi slt, %add3A_223, %lt3A_225 : vector<16xi32>
      %select_n3A_227 = arith.select %lt3A_226, %broadcast_in_dim3A_48, %broadcast_in_dim3A_50 : vector<16xi1>, vector<16xi32>
      %add3A_228 = arith.addi %add3A_209, %select_n3A_227 : vector<16xi32>
      %select_n3A_229 = arith.select %lt3A_226, %add3A_223, %broadcast_in_dim3A_50 : vector<16xi1>, vector<16xi32>
      %max3A_230 = arith.maxsi %max3A_211, %select_n3A_229 : vector<16xi32>
      %reduce_sum3A_231 = arith.constant true
      %reduce_sum3A_232 = vector.broadcast %reduce_sum3A_231 : i1 to vector<16xi1>
      %reduce_sum3A_233 = tpu.scan <sum>, %get3A_218 masked %reduce_sum3A_232 : vector<16xi32>, vector<16xi1> -> vector<16xi32>
      %reduce_sum3A_234 = vector.extract %reduce_sum3A_233[15] : i32 from vector<16xi32>
      %add3A_235 = arith.addi %add3A_216, %reduce_sum3A_234 : i32
      %get3A_236 = arith.constant 160 : index
      %get3A_237 = tpu.vector_load %arg8[%get3A_236] {strides = array<i32>} : memref<256xi32, #tpu.memory_space<vmem>>, vector<16xi32>,
      %broadcast_in_dim3A_238 = arith.constant true
      %broadcast_in_dim3A_239 = vector.broadcast %broadcast_in_dim3A_238 : i1 to vector<16xi1>
      %masked_cumsum3A_240 = tpu.scan <sum>, %get3A_237 masked %broadcast_in_dim3A_239 : vector<16xi32>, vector<16xi1> -> vector<16xi32>
      %add3A_241 = vector.broadcast %add3A_235 : i32 to vector<16xi32>
      %add3A_242 = arith.addi %masked_cumsum3A_240, %add3A_241 : vector<16xi32>
      %lt3A_243 = arith.constant 2150 : i32
      %lt3A_244 = vector.broadcast %lt3A_243 : i32 to vector<16xi32>
      %lt3A_245 = arith.cmpi slt, %add3A_242, %lt3A_244 : vector<16xi32>
      %select_n3A_246 = arith.select %lt3A_245, %broadcast_in_dim3A_48, %broadcast_in_dim3A_50 : vector<16xi1>, vector<16xi32>
      %add3A_247 = arith.addi %add3A_228, %select_n3A_246 : vector<16xi32>
      %select_n3A_248 = arith.select %lt3A_245, %add3A_242, %broadcast_in_dim3A_50 : vector<16xi1>, vector<16xi32>
      %max3A_249 = arith.maxsi %max3A_230, %select_n3A_248 : vector<16xi32>
      %reduce_sum3A_250 = arith.constant true
      %reduce_sum3A_251 = vector.broadcast %reduce_sum3A_250 : i1 to vector<16xi1>
      %reduce_sum3A_252 = tpu.scan <sum>, %get3A_237 masked %reduce_sum3A_251 : vector<16xi32>, vector<16xi1> -> vector<16xi32>
      %reduce_sum3A_253 = vector.extract %reduce_sum3A_252[15] : i32 from vector<16xi32>
      %add3A_254 = arith.addi %add3A_235, %reduce_sum3A_253 : i32
      %get3A_255 = arith.constant 176 : index
      %get3A_256 = tpu.vector_load %arg8[%get3A_255] {strides = array<i32>} : memref<256xi32, #tpu.memory_space<vmem>>, vector<16xi32>,
      %broadcast_in_dim3A_257 = arith.constant true
      %broadcast_in_dim3A_258 = vector.broadcast %broadcast_in_dim3A_257 : i1 to vector<16xi1>
      %masked_cumsum3A_259 = tpu.scan <sum>, %get3A_256 masked %broadcast_in_dim3A_258 : vector<16xi32>, vector<16xi1> -> vector<16xi32>
      %add3A_260 = vector.broadcast %add3A_254 : i32 to vector<16xi32>
      %add3A_261 = arith.addi %masked_cumsum3A_259, %add3A_260 : vector<16xi32>
      %lt3A_262 = arith.constant 2150 : i32
      %lt3A_263 = vector.broadcast %lt3A_262 : i32 to vector<16xi32>
      %lt3A_264 = arith.cmpi slt, %add3A_261, %lt3A_263 : vector<16xi32>
      %select_n3A_265 = arith.select %lt3A_264, %broadcast_in_dim3A_48, %broadcast_in_dim3A_50 : vector<16xi1>, vector<16xi32>
      %add3A_266 = arith.addi %add3A_247, %select_n3A_265 : vector<16xi32>
      %select_n3A_267 = arith.select %lt3A_264, %add3A_261, %broadcast_in_dim3A_50 : vector<16xi1>, vector<16xi32>
      %max3A_268 = arith.maxsi %max3A_249, %select_n3A_267 : vector<16xi32>
      %reduce_sum3A_269 = arith.constant true
      %reduce_sum3A_270 = vector.broadcast %reduce_sum3A_269 : i1 to vector<16xi1>
      %reduce_sum3A_271 = tpu.scan <sum>, %get3A_256 masked %reduce_sum3A_270 : vector<16xi32>, vector<16xi1> -> vector<16xi32>
      %reduce_sum3A_272 = vector.extract %reduce_sum3A_271[15] : i32 from vector<16xi32>
      %add3A_273 = arith.addi %add3A_254, %reduce_sum3A_272 : i32
      %get3A_274 = arith.constant 192 : index
      %get3A_275 = tpu.vector_load %arg8[%get3A_274] {strides = array<i32>} : memref<256xi32, #tpu.memory_space<vmem>>, vector<16xi32>,
      %broadcast_in_dim3A_276 = arith.constant true
      %broadcast_in_dim3A_277 = vector.broadcast %broadcast_in_dim3A_276 : i1 to vector<16xi1>
      %masked_cumsum3A_278 = tpu.scan <sum>, %get3A_275 masked %broadcast_in_dim3A_277 : vector<16xi32>, vector<16xi1> -> vector<16xi32>
      %add3A_279 = vector.broadcast %add3A_273 : i32 to vector<16xi32>
      %add3A_280 = arith.addi %masked_cumsum3A_278, %add3A_279 : vector<16xi32>
      %lt3A_281 = arith.constant 2150 : i32
      %lt3A_282 = vector.broadcast %lt3A_281 : i32 to vector<16xi32>
      %lt3A_283 = arith.cmpi slt, %add3A_280, %lt3A_282 : vector<16xi32>
      %select_n3A_284 = arith.select %lt3A_283, %broadcast_in_dim3A_48, %broadcast_in_dim3A_50 : vector<16xi1>, vector<16xi32>
      %add3A_285 = arith.addi %add3A_266, %select_n3A_284 : vector<16xi32>
      %select_n3A_286 = arith.select %lt3A_283, %add3A_280, %broadcast_in_dim3A_50 : vector<16xi1>, vector<16xi32>
      %max3A_287 = arith.maxsi %max3A_268, %select_n3A_286 : vector<16xi32>
      %reduce_sum3A_288 = arith.constant true
      %reduce_sum3A_289 = vector.broadcast %reduce_sum3A_288 : i1 to vector<16xi1>
      %reduce_sum3A_290 = tpu.scan <sum>, %get3A_275 masked %reduce_sum3A_289 : vector<16xi32>, vector<16xi1> -> vector<16xi32>
      %reduce_sum3A_291 = vector.extract %reduce_sum3A_290[15] : i32 from vector<16xi32>
      %add3A_292 = arith.addi %add3A_273, %reduce_sum3A_291 : i32
      %get3A_293 = arith.constant 208 : index
      %get3A_294 = tpu.vector_load %arg8[%get3A_293] {strides = array<i32>} : memref<256xi32, #tpu.memory_space<vmem>>, vector<16xi32>,
      %broadcast_in_dim3A_295 = arith.constant true
      %broadcast_in_dim3A_296 = vector.broadcast %broadcast_in_dim3A_295 : i1 to vector<16xi1>
      %masked_cumsum3A_297 = tpu.scan <sum>, %get3A_294 masked %broadcast_in_dim3A_296 : vector<16xi32>, vector<16xi1> -> vector<16xi32>
      %add3A_298 = vector.broadcast %add3A_292 : i32 to vector<16xi32>
      %add3A_299 = arith.addi %masked_cumsum3A_297, %add3A_298 : vector<16xi32>
      %lt3A_300 = arith.constant 2150 : i32
      %lt3A_301 = vector.broadcast %lt3A_300 : i32 to vector<16xi32>
      %lt3A_302 = arith.cmpi slt, %add3A_299, %lt3A_301 : vector<16xi32>
      %select_n3A_303 = arith.select %lt3A_302, %broadcast_in_dim3A_48, %broadcast_in_dim3A_50 : vector<16xi1>, vector<16xi32>
      %add3A_304 = arith.addi %add3A_285, %select_n3A_303 : vector<16xi32>
      %select_n3A_305 = arith.select %lt3A_302, %add3A_299, %broadcast_in_dim3A_50 : vector<16xi1>, vector<16xi32>
      %max3A_306 = arith.maxsi %max3A_287, %select_n3A_305 : vector<16xi32>
      %reduce_sum3A_307 = arith.constant true
      %reduce_sum3A_308 = vector.broadcast %reduce_sum3A_307 : i1 to vector<16xi1>
      %reduce_sum3A_309 = tpu.scan <sum>, %get3A_294 masked %reduce_sum3A_308 : vector<16xi32>, vector<16xi1> -> vector<16xi32>
      %reduce_sum3A_310 = vector.extract %reduce_sum3A_309[15] : i32 from vector<16xi32>
      %add3A_311 = arith.addi %add3A_292, %reduce_sum3A_310 : i32
      %get3A_312 = arith.constant 224 : index
      %get3A_313 = tpu.vector_load %arg8[%get3A_312] {strides = array<i32>} : memref<256xi32, #tpu.memory_space<vmem>>, vector<16xi32>,
      %broadcast_in_dim3A_314 = arith.constant true
      %broadcast_in_dim3A_315 = vector.broadcast %broadcast_in_dim3A_314 : i1 to vector<16xi1>
      %masked_cumsum3A_316 = tpu.scan <sum>, %get3A_313 masked %broadcast_in_dim3A_315 : vector<16xi32>, vector<16xi1> -> vector<16xi32>
      %add3A_317 = vector.broadcast %add3A_311 : i32 to vector<16xi32>
      %add3A_318 = arith.addi %masked_cumsum3A_316, %add3A_317 : vector<16xi32>
      %lt3A_319 = arith.constant 2150 : i32
      %lt3A_320 = vector.broadcast %lt3A_319 : i32 to vector<16xi32>
      %lt3A_321 = arith.cmpi slt, %add3A_318, %lt3A_320 : vector<16xi32>
      %select_n3A_322 = arith.select %lt3A_321, %broadcast_in_dim3A_48, %broadcast_in_dim3A_50 : vector<16xi1>, vector<16xi32>
      %add3A_323 = arith.addi %add3A_304, %select_n3A_322 : vector<16xi32>
      %select_n3A_324 = arith.select %lt3A_321, %add3A_318, %broadcast_in_dim3A_50 : vector<16xi1>, vector<16xi32>
      %max3A_325 = arith.maxsi %max3A_306, %select_n3A_324 : vector<16xi32>
      %reduce_sum3A_326 = arith.constant true
      %reduce_sum3A_327 = vector.broadcast %reduce_sum3A_326 : i1 to vector<16xi1>
      %reduce_sum3A_328 = tpu.scan <sum>, %get3A_313 masked %reduce_sum3A_327 : vector<16xi32>, vector<16xi1> -> vector<16xi32>
      %reduce_sum3A_329 = vector.extract %reduce_sum3A_328[15] : i32 from vector<16xi32>
      %add3A_330 = arith.addi %add3A_311, %reduce_sum3A_329 : i32
      %get3A_331 = arith.constant 240 : index
      %get3A_332 = tpu.vector_load %arg8[%get3A_331] {strides = array<i32>} : memref<256xi32, #tpu.memory_space<vmem>>, vector<16xi32>,
      %broadcast_in_dim3A_333 = arith.constant true
      %broadcast_in_dim3A_334 = vector.broadcast %broadcast_in_dim3A_333 : i1 to vector<16xi1>
      %masked_cumsum3A_335 = tpu.scan <sum>, %get3A_332 masked %broadcast_in_dim3A_334 : vector<16xi32>, vector<16xi1> -> vector<16xi32>
      %add3A_336 = vector.broadcast %add3A_330 : i32 to vector<16xi32>
      %add3A_337 = arith.addi %masked_cumsum3A_335, %add3A_336 : vector<16xi32>
      %lt3A_338 = arith.constant 2150 : i32
      %lt3A_339 = vector.broadcast %lt3A_338 : i32 to vector<16xi32>
      %lt3A_340 = arith.cmpi slt, %add3A_337, %lt3A_339 : vector<16xi32>
      %select_n3A_341 = arith.select %lt3A_340, %broadcast_in_dim3A_48, %broadcast_in_dim3A_50 : vector<16xi1>, vector<16xi32>
      %add3A_342 = arith.addi %add3A_323, %select_n3A_341 : vector<16xi32>
      %select_n3A_343 = arith.select %lt3A_340, %add3A_337, %broadcast_in_dim3A_50 : vector<16xi1>, vector<16xi32>
      %max3A_344 = arith.maxsi %max3A_325, %select_n3A_343 : vector<16xi32>
      %reduce_sum3A_345 = arith.constant true
      %reduce_sum3A_346 = vector.broadcast %reduce_sum3A_345 : i1 to vector<16xi1>
      %reduce_sum3A_347 = tpu.scan <sum>, %get3A_332 masked %reduce_sum3A_346 : vector<16xi32>, vector<16xi1> -> vector<16xi32>
      %reduce_sum3A_348 = vector.extract %reduce_sum3A_347[15] : i32 from vector<16xi32>
      %add3A_349 = arith.addi %add3A_330, %reduce_sum3A_348 : i32
      %reduce_sum3A_350 = arith.constant true
      %reduce_sum3A_351 = vector.broadcast %reduce_sum3A_350 : i1 to vector<16xi1>
      %reduce_sum3A_352 = tpu.scan <sum>, %add3A_342 masked %reduce_sum3A_351 : vector<16xi32>, vector<16xi1> -> vector<16xi32>
      %reduce_sum3A_353 = vector.extract %reduce_sum3A_352[15] : i32 from vector<16xi32>
      %reduce_max3A = arith.constant true
      %reduce_max3A_354 = vector.broadcast %reduce_max3A : i1 to vector<16xi1>
      %reduce_max3A_355 = arith.constant -2147483648 : i32
      %reduce_max3A_356 = vector.broadcast %reduce_max3A_355 : i32 to vector<16xi32>
      %reduce_max3A_357 = arith.xori %max3A_344, %reduce_max3A_356 : vector<16xi32>
      %reduce_max3A_358 = tpu.scan <max>, %reduce_max3A_357 masked %reduce_max3A_354 : vector<16xi32>, vector<16xi1> -> vector<16xi32>
      %reduce_max3A_359 = arith.xori %reduce_max3A_358, %reduce_max3A_356 : vector<16xi32>
      %reduce_max3A_360 = vector.extract %reduce_max3A_359[15] : i32 from vector<16xi32>
      %sub3A = arith.constant 2150 : i32
      %sub3A_361 = arith.subi %sub3A, %reduce_max3A_360 : i32
      %shift_left3A = arith.constant 0 : i32
      %shift_left3A_362 = arith.constant 8 : i32
      %shift_left3A_363 = arith.shli %shift_left3A, %shift_left3A_362 : i32
      %or3A = arith.ori %shift_left3A_363, %reduce_sum3A_353 : i32
      %swap3A_364 = arith.constant 0 : index
      %swap3A_365 = tpu.vector_load %arg8[%swap3A_364] {strides = array<i32>} : memref<256xi32, #tpu.memory_space<vmem>>, vector<16xi32>,
      tpu.vector_store %arg8[%swap3A_364], %broadcast_in_dim3A_10 {strides = array<i32>} : memref<256xi32, #tpu.memory_space<vmem>>, vector<16xi32>,
      %swap3A_366 = arith.constant 16 : index
      %swap3A_367 = tpu.vector_load %arg8[%swap3A_366] {strides = array<i32>} : memref<256xi32, #tpu.memory_space<vmem>>, vector<16xi32>,
      tpu.vector_store %arg8[%swap3A_366], %broadcast_in_dim3A_10 {strides = array<i32>} : memref<256xi32, #tpu.memory_space<vmem>>, vector<16xi32>,
      %swap3A_368 = arith.constant 32 : index
      %swap3A_369 = tpu.vector_load %arg8[%swap3A_368] {strides = array<i32>} : memref<256xi32, #tpu.memory_space<vmem>>, vector<16xi32>,
      tpu.vector_store %arg8[%swap3A_368], %broadcast_in_dim3A_10 {strides = array<i32>} : memref<256xi32, #tpu.memory_space<vmem>>, vector<16xi32>,
      %swap3A_370 = arith.constant 48 : index
      %swap3A_371 = tpu.vector_load %arg8[%swap3A_370] {strides = array<i32>} : memref<256xi32, #tpu.memory_space<vmem>>, vector<16xi32>,
      tpu.vector_store %arg8[%swap3A_370], %broadcast_in_dim3A_10 {strides = array<i32>} : memref<256xi32, #tpu.memory_space<vmem>>, vector<16xi32>,
      %swap3A_372 = arith.constant 64 : index
      %swap3A_373 = tpu.vector_load %arg8[%swap3A_372] {strides = array<i32>} : memref<256xi32, #tpu.memory_space<vmem>>, vector<16xi32>,
      tpu.vector_store %arg8[%swap3A_372], %broadcast_in_dim3A_10 {strides = array<i32>} : memref<256xi32, #tpu.memory_space<vmem>>, vector<16xi32>,
      %swap3A_374 = arith.constant 80 : index
      %swap3A_375 = tpu.vector_load %arg8[%swap3A_374] {strides = array<i32>} : memref<256xi32, #tpu.memory_space<vmem>>, vector<16xi32>,
      tpu.vector_store %arg8[%swap3A_374], %broadcast_in_dim3A_10 {strides = array<i32>} : memref<256xi32, #tpu.memory_space<vmem>>, vector<16xi32>,
      %swap3A_376 = arith.constant 96 : index
      %swap3A_377 = tpu.vector_load %arg8[%swap3A_376] {strides = array<i32>} : memref<256xi32, #tpu.memory_space<vmem>>, vector<16xi32>,
      tpu.vector_store %arg8[%swap3A_376], %broadcast_in_dim3A_10 {strides = array<i32>} : memref<256xi32, #tpu.memory_space<vmem>>, vector<16xi32>,
      %swap3A_378 = arith.constant 112 : index
      %swap3A_379 = tpu.vector_load %arg8[%swap3A_378] {strides = array<i32>} : memref<256xi32, #tpu.memory_space<vmem>>, vector<16xi32>,
      tpu.vector_store %arg8[%swap3A_378], %broadcast_in_dim3A_10 {strides = array<i32>} : memref<256xi32, #tpu.memory_space<vmem>>, vector<16xi32>,
      %swap3A_380 = arith.constant 128 : index
      %swap3A_381 = tpu.vector_load %arg8[%swap3A_380] {strides = array<i32>} : memref<256xi32, #tpu.memory_space<vmem>>, vector<16xi32>,
      tpu.vector_store %arg8[%swap3A_380], %broadcast_in_dim3A_10 {strides = array<i32>} : memref<256xi32, #tpu.memory_space<vmem>>, vector<16xi32>,
      %swap3A_382 = arith.constant 144 : index
      %swap3A_383 = tpu.vector_load %arg8[%swap3A_382] {strides = array<i32>} : memref<256xi32, #tpu.memory_space<vmem>>, vector<16xi32>,
      tpu.vector_store %arg8[%swap3A_382], %broadcast_in_dim3A_10 {strides = array<i32>} : memref<256xi32, #tpu.memory_space<vmem>>, vector<16xi32>,
      %swap3A_384 = arith.constant 160 : index
      %swap3A_385 = tpu.vector_load %arg8[%swap3A_384] {strides = array<i32>} : memref<256xi32, #tpu.memory_space<vmem>>, vector<16xi32>,
      tpu.vector_store %arg8[%swap3A_384], %broadcast_in_dim3A_10 {strides = array<i32>} : memref<256xi32, #tpu.memory_space<vmem>>, vector<16xi32>,
      %swap3A_386 = arith.constant 176 : index
      %swap3A_387 = tpu.vector_load %arg8[%swap3A_386] {strides = array<i32>} : memref<256xi32, #tpu.memory_space<vmem>>, vector<16xi32>,
      tpu.vector_store %arg8[%swap3A_386], %broadcast_in_dim3A_10 {strides = array<i32>} : memref<256xi32, #tpu.memory_space<vmem>>, vector<16xi32>,
      %swap3A_388 = arith.constant 192 : index
      %swap3A_389 = tpu.vector_load %arg8[%swap3A_388] {strides = array<i32>} : memref<256xi32, #tpu.memory_space<vmem>>, vector<16xi32>,
      tpu.vector_store %arg8[%swap3A_388], %broadcast_in_dim3A_10 {strides = array<i32>} : memref<256xi32, #tpu.memory_space<vmem>>, vector<16xi32>,
      %swap3A_390 = arith.constant 208 : index
      %swap3A_391 = tpu.vector_load %arg8[%swap3A_390] {strides = array<i32>} : memref<256xi32, #tpu.memory_space<vmem>>, vector<16xi32>,
      tpu.vector_store %arg8[%swap3A_390], %broadcast_in_dim3A_10 {strides = array<i32>} : memref<256xi32, #tpu.memory_space<vmem>>, vector<16xi32>,
      %swap3A_392 = arith.constant 224 : index
      %swap3A_393 = tpu.vector_load %arg8[%swap3A_392] {strides = array<i32>} : memref<256xi32, #tpu.memory_space<vmem>>, vector<16xi32>,
      tpu.vector_store %arg8[%swap3A_392], %broadcast_in_dim3A_10 {strides = array<i32>} : memref<256xi32, #tpu.memory_space<vmem>>, vector<16xi32>,
      %swap3A_394 = arith.constant 240 : index
      %swap3A_395 = tpu.vector_load %arg8[%swap3A_394] {strides = array<i32>} : memref<256xi32, #tpu.memory_space<vmem>>, vector<16xi32>,
      tpu.vector_store %arg8[%swap3A_394], %broadcast_in_dim3A_10 {strides = array<i32>} : memref<256xi32, #tpu.memory_space<vmem>>, vector<16xi32>,
      %scan3A_396 = arith.constant 0 : i32
      %scan3A_397 = arith.constant 224 : i32
      %scan3A_398 = arith.addi %scan3A_396, %scan3A_397 : i32
      %scan3A_399 = arith.constant 1 : i32
      scf.for %scan3A_1639 = %scan3A_396 to %scan3A_398 step %scan3A_399  : i32 {
        %mul3A_1640 = arith.constant 16 : i32
        %mul3A_1641 = arith.muli %scan3A_1639, %mul3A_1640 : i32
        %add3A_1642 = arith.constant 0 : i32
        %add3A_1643 = arith.addi %add3A_1642, %mul3A_1641 : i32
        %get3A_1644 = arith.index_cast %add3A_1643 : i32 to index
        %get3A_1645 = tpu.vector_load %arg7[%get3A_1644] {strides = array<i32>} : memref<3584xi32, #tpu.memory_space<vmem>>, vector<16xi32>,
        %shift_right_logical3A = arith.constant 16 : i32
        %shift_right_logical3A_1646 = vector.broadcast %shift_right_logical3A : i32 to vector<16xi32>
        %shift_right_logical3A_1647 = arith.shrui %get3A_1645, %shift_right_logical3A_1646 : vector<16xi32>
        %and3A_1648 = arith.constant 255 : i32
        %and3A_1649 = vector.broadcast %and3A_1648 : i32 to vector<16xi32>
        %and3A_1650 = arith.andi %shift_right_logical3A_1647, %and3A_1649 : vector<16xi32>
        %shift_right_logical3A_1651 = arith.constant 24 : i32
        %shift_right_logical3A_1652 = vector.broadcast %shift_right_logical3A_1651 : i32 to vector<16xi32>
        %shift_right_logical3A_1653 = arith.shrui %get3A_1645, %shift_right_logical3A_1652 : vector<16xi32>
        %eq3A_1654 = vector.broadcast %or3A : i32 to vector<16xi32>
        %eq3A_1655 = arith.cmpi eq, %shift_right_logical3A_1653, %eq3A_1654 : vector<16xi32>
        tpu.vector_store_idx %arg8[%and3A_1650], %broadcast_in_dim3A_8 masked %eq3A_1655 {add = true} : memref<256xi32, #tpu.memory_space<vmem>>[vector<16xi32>], vector<16xi32>, vector<16xi1>
      }
      %scan3A_400 = arith.constant 224 : i32
      %broadcast_in_dim3A_401 = arith.constant 1 : i32
      %broadcast_in_dim3A_402 = vector.broadcast %broadcast_in_dim3A_401 : i32 to vector<16xi32>
      %broadcast_in_dim3A_403 = arith.constant 0 : i32
      %broadcast_in_dim3A_404 = vector.broadcast %broadcast_in_dim3A_403 : i32 to vector<16xi32>
      %get3A_405 = arith.constant 0 : index
      %get3A_406 = tpu.vector_load %arg8[%get3A_405] {strides = array<i32>} : memref<256xi32, #tpu.memory_space<vmem>>, vector<16xi32>,
      %broadcast_in_dim3A_407 = arith.constant true
      %broadcast_in_dim3A_408 = vector.broadcast %broadcast_in_dim3A_407 : i1 to vector<16xi1>
      %masked_cumsum3A_409 = tpu.scan <sum>, %get3A_406 masked %broadcast_in_dim3A_408 : vector<16xi32>, vector<16xi1> -> vector<16xi32>
      %add3A_410 = arith.constant 0 : i32
      %add3A_411 = vector.broadcast %add3A_410 : i32 to vector<16xi32>
      %add3A_412 = arith.addi %masked_cumsum3A_409, %add3A_411 : vector<16xi32>
      %lt3A_413 = vector.broadcast %sub3A_361 : i32 to vector<16xi32>
      %lt3A_414 = arith.cmpi slt, %add3A_412, %lt3A_413 : vector<16xi32>
      %select_n3A_415 = arith.select %lt3A_414, %broadcast_in_dim3A_402, %broadcast_in_dim3A_404 : vector<16xi1>, vector<16xi32>
      %add3A_416 = arith.addi %broadcast_in_dim3A_404, %select_n3A_415 : vector<16xi32>
      %select_n3A_417 = arith.select %lt3A_414, %add3A_412, %broadcast_in_dim3A_404 : vector<16xi1>, vector<16xi32>
      %max3A_418 = arith.maxsi %broadcast_in_dim3A_404, %select_n3A_417 : vector<16xi32>
      %reduce_sum3A_419 = arith.constant true
      %reduce_sum3A_420 = vector.broadcast %reduce_sum3A_419 : i1 to vector<16xi1>
      %reduce_sum3A_421 = tpu.scan <sum>, %get3A_406 masked %reduce_sum3A_420 : vector<16xi32>, vector<16xi1> -> vector<16xi32>
      %reduce_sum3A_422 = vector.extract %reduce_sum3A_421[15] : i32 from vector<16xi32>
      %add3A_423 = arith.constant 0 : i32
      %add3A_424 = arith.addi %add3A_423, %reduce_sum3A_422 : i32
      %get3A_425 = arith.constant 16 : index
      %get3A_426 = tpu.vector_load %arg8[%get3A_425] {strides = array<i32>} : memref<256xi32, #tpu.memory_space<vmem>>, vector<16xi32>,
      %broadcast_in_dim3A_427 = arith.constant true
      %broadcast_in_dim3A_428 = vector.broadcast %broadcast_in_dim3A_427 : i1 to vector<16xi1>
      %masked_cumsum3A_429 = tpu.scan <sum>, %get3A_426 masked %broadcast_in_dim3A_428 : vector<16xi32>, vector<16xi1> -> vector<16xi32>
      %add3A_430 = vector.broadcast %add3A_424 : i32 to vector<16xi32>
      %add3A_431 = arith.addi %masked_cumsum3A_429, %add3A_430 : vector<16xi32>
      %lt3A_432 = vector.broadcast %sub3A_361 : i32 to vector<16xi32>
      %lt3A_433 = arith.cmpi slt, %add3A_431, %lt3A_432 : vector<16xi32>
      %select_n3A_434 = arith.select %lt3A_433, %broadcast_in_dim3A_402, %broadcast_in_dim3A_404 : vector<16xi1>, vector<16xi32>
      %add3A_435 = arith.addi %add3A_416, %select_n3A_434 : vector<16xi32>
      %select_n3A_436 = arith.select %lt3A_433, %add3A_431, %broadcast_in_dim3A_404 : vector<16xi1>, vector<16xi32>
      %max3A_437 = arith.maxsi %max3A_418, %select_n3A_436 : vector<16xi32>
      %reduce_sum3A_438 = arith.constant true
      %reduce_sum3A_439 = vector.broadcast %reduce_sum3A_438 : i1 to vector<16xi1>
      %reduce_sum3A_440 = tpu.scan <sum>, %get3A_426 masked %reduce_sum3A_439 : vector<16xi32>, vector<16xi1> -> vector<16xi32>
      %reduce_sum3A_441 = vector.extract %reduce_sum3A_440[15] : i32 from vector<16xi32>
      %add3A_442 = arith.addi %add3A_424, %reduce_sum3A_441 : i32
      %get3A_443 = arith.constant 32 : index
      %get3A_444 = tpu.vector_load %arg8[%get3A_443] {strides = array<i32>} : memref<256xi32, #tpu.memory_space<vmem>>, vector<16xi32>,
      %broadcast_in_dim3A_445 = arith.constant true
      %broadcast_in_dim3A_446 = vector.broadcast %broadcast_in_dim3A_445 : i1 to vector<16xi1>
      %masked_cumsum3A_447 = tpu.scan <sum>, %get3A_444 masked %broadcast_in_dim3A_446 : vector<16xi32>, vector<16xi1> -> vector<16xi32>
      %add3A_448 = vector.broadcast %add3A_442 : i32 to vector<16xi32>
      %add3A_449 = arith.addi %masked_cumsum3A_447, %add3A_448 : vector<16xi32>
      %lt3A_450 = vector.broadcast %sub3A_361 : i32 to vector<16xi32>
      %lt3A_451 = arith.cmpi slt, %add3A_449, %lt3A_450 : vector<16xi32>
      %select_n3A_452 = arith.select %lt3A_451, %broadcast_in_dim3A_402, %broadcast_in_dim3A_404 : vector<16xi1>, vector<16xi32>
      %add3A_453 = arith.addi %add3A_435, %select_n3A_452 : vector<16xi32>
      %select_n3A_454 = arith.select %lt3A_451, %add3A_449, %broadcast_in_dim3A_404 : vector<16xi1>, vector<16xi32>
      %max3A_455 = arith.maxsi %max3A_437, %select_n3A_454 : vector<16xi32>
      %reduce_sum3A_456 = arith.constant true
      %reduce_sum3A_457 = vector.broadcast %reduce_sum3A_456 : i1 to vector<16xi1>
      %reduce_sum3A_458 = tpu.scan <sum>, %get3A_444 masked %reduce_sum3A_457 : vector<16xi32>, vector<16xi1> -> vector<16xi32>
      %reduce_sum3A_459 = vector.extract %reduce_sum3A_458[15] : i32 from vector<16xi32>
      %add3A_460 = arith.addi %add3A_442, %reduce_sum3A_459 : i32
      %get3A_461 = arith.constant 48 : index
      %get3A_462 = tpu.vector_load %arg8[%get3A_461] {strides = array<i32>} : memref<256xi32, #tpu.memory_space<vmem>>, vector<16xi32>,
      %broadcast_in_dim3A_463 = arith.constant true
      %broadcast_in_dim3A_464 = vector.broadcast %broadcast_in_dim3A_463 : i1 to vector<16xi1>
      %masked_cumsum3A_465 = tpu.scan <sum>, %get3A_462 masked %broadcast_in_dim3A_464 : vector<16xi32>, vector<16xi1> -> vector<16xi32>
      %add3A_466 = vector.broadcast %add3A_460 : i32 to vector<16xi32>
      %add3A_467 = arith.addi %masked_cumsum3A_465, %add3A_466 : vector<16xi32>
      %lt3A_468 = vector.broadcast %sub3A_361 : i32 to vector<16xi32>
      %lt3A_469 = arith.cmpi slt, %add3A_467, %lt3A_468 : vector<16xi32>
      %select_n3A_470 = arith.select %lt3A_469, %broadcast_in_dim3A_402, %broadcast_in_dim3A_404 : vector<16xi1>, vector<16xi32>
      %add3A_471 = arith.addi %add3A_453, %select_n3A_470 : vector<16xi32>
      %select_n3A_472 = arith.select %lt3A_469, %add3A_467, %broadcast_in_dim3A_404 : vector<16xi1>, vector<16xi32>
      %max3A_473 = arith.maxsi %max3A_455, %select_n3A_472 : vector<16xi32>
      %reduce_sum3A_474 = arith.constant true
      %reduce_sum3A_475 = vector.broadcast %reduce_sum3A_474 : i1 to vector<16xi1>
      %reduce_sum3A_476 = tpu.scan <sum>, %get3A_462 masked %reduce_sum3A_475 : vector<16xi32>, vector<16xi1> -> vector<16xi32>
      %reduce_sum3A_477 = vector.extract %reduce_sum3A_476[15] : i32 from vector<16xi32>
      %add3A_478 = arith.addi %add3A_460, %reduce_sum3A_477 : i32
      %get3A_479 = arith.constant 64 : index
      %get3A_480 = tpu.vector_load %arg8[%get3A_479] {strides = array<i32>} : memref<256xi32, #tpu.memory_space<vmem>>, vector<16xi32>,
      %broadcast_in_dim3A_481 = arith.constant true
      %broadcast_in_dim3A_482 = vector.broadcast %broadcast_in_dim3A_481 : i1 to vector<16xi1>
      %masked_cumsum3A_483 = tpu.scan <sum>, %get3A_480 masked %broadcast_in_dim3A_482 : vector<16xi32>, vector<16xi1> -> vector<16xi32>
      %add3A_484 = vector.broadcast %add3A_478 : i32 to vector<16xi32>
      %add3A_485 = arith.addi %masked_cumsum3A_483, %add3A_484 : vector<16xi32>
      %lt3A_486 = vector.broadcast %sub3A_361 : i32 to vector<16xi32>
      %lt3A_487 = arith.cmpi slt, %add3A_485, %lt3A_486 : vector<16xi32>
      %select_n3A_488 = arith.select %lt3A_487, %broadcast_in_dim3A_402, %broadcast_in_dim3A_404 : vector<16xi1>, vector<16xi32>
      %add3A_489 = arith.addi %add3A_471, %select_n3A_488 : vector<16xi32>
      %select_n3A_490 = arith.select %lt3A_487, %add3A_485, %broadcast_in_dim3A_404 : vector<16xi1>, vector<16xi32>
      %max3A_491 = arith.maxsi %max3A_473, %select_n3A_490 : vector<16xi32>
      %reduce_sum3A_492 = arith.constant true
      %reduce_sum3A_493 = vector.broadcast %reduce_sum3A_492 : i1 to vector<16xi1>
      %reduce_sum3A_494 = tpu.scan <sum>, %get3A_480 masked %reduce_sum3A_493 : vector<16xi32>, vector<16xi1> -> vector<16xi32>
      %reduce_sum3A_495 = vector.extract %reduce_sum3A_494[15] : i32 from vector<16xi32>
      %add3A_496 = arith.addi %add3A_478, %reduce_sum3A_495 : i32
      %get3A_497 = arith.constant 80 : index
      %get3A_498 = tpu.vector_load %arg8[%get3A_497] {strides = array<i32>} : memref<256xi32, #tpu.memory_space<vmem>>, vector<16xi32>,
      %broadcast_in_dim3A_499 = arith.constant true
      %broadcast_in_dim3A_500 = vector.broadcast %broadcast_in_dim3A_499 : i1 to vector<16xi1>
      %masked_cumsum3A_501 = tpu.scan <sum>, %get3A_498 masked %broadcast_in_dim3A_500 : vector<16xi32>, vector<16xi1> -> vector<16xi32>
      %add3A_502 = vector.broadcast %add3A_496 : i32 to vector<16xi32>
      %add3A_503 = arith.addi %masked_cumsum3A_501, %add3A_502 : vector<16xi32>
      %lt3A_504 = vector.broadcast %sub3A_361 : i32 to vector<16xi32>
      %lt3A_505 = arith.cmpi slt, %add3A_503, %lt3A_504 : vector<16xi32>
      %select_n3A_506 = arith.select %lt3A_505, %broadcast_in_dim3A_402, %broadcast_in_dim3A_404 : vector<16xi1>, vector<16xi32>
      %add3A_507 = arith.addi %add3A_489, %select_n3A_506 : vector<16xi32>
      %select_n3A_508 = arith.select %lt3A_505, %add3A_503, %broadcast_in_dim3A_404 : vector<16xi1>, vector<16xi32>
      %max3A_509 = arith.maxsi %max3A_491, %select_n3A_508 : vector<16xi32>
      %reduce_sum3A_510 = arith.constant true
      %reduce_sum3A_511 = vector.broadcast %reduce_sum3A_510 : i1 to vector<16xi1>
      %reduce_sum3A_512 = tpu.scan <sum>, %get3A_498 masked %reduce_sum3A_511 : vector<16xi32>, vector<16xi1> -> vector<16xi32>
      %reduce_sum3A_513 = vector.extract %reduce_sum3A_512[15] : i32 from vector<16xi32>
      %add3A_514 = arith.addi %add3A_496, %reduce_sum3A_513 : i32
      %get3A_515 = arith.constant 96 : index
      %get3A_516 = tpu.vector_load %arg8[%get3A_515] {strides = array<i32>} : memref<256xi32, #tpu.memory_space<vmem>>, vector<16xi32>,
      %broadcast_in_dim3A_517 = arith.constant true
      %broadcast_in_dim3A_518 = vector.broadcast %broadcast_in_dim3A_517 : i1 to vector<16xi1>
      %masked_cumsum3A_519 = tpu.scan <sum>, %get3A_516 masked %broadcast_in_dim3A_518 : vector<16xi32>, vector<16xi1> -> vector<16xi32>
      %add3A_520 = vector.broadcast %add3A_514 : i32 to vector<16xi32>
      %add3A_521 = arith.addi %masked_cumsum3A_519, %add3A_520 : vector<16xi32>
      %lt3A_522 = vector.broadcast %sub3A_361 : i32 to vector<16xi32>
      %lt3A_523 = arith.cmpi slt, %add3A_521, %lt3A_522 : vector<16xi32>
      %select_n3A_524 = arith.select %lt3A_523, %broadcast_in_dim3A_402, %broadcast_in_dim3A_404 : vector<16xi1>, vector<16xi32>
      %add3A_525 = arith.addi %add3A_507, %select_n3A_524 : vector<16xi32>
      %select_n3A_526 = arith.select %lt3A_523, %add3A_521, %broadcast_in_dim3A_404 : vector<16xi1>, vector<16xi32>
      %max3A_527 = arith.maxsi %max3A_509, %select_n3A_526 : vector<16xi32>
      %reduce_sum3A_528 = arith.constant true
      %reduce_sum3A_529 = vector.broadcast %reduce_sum3A_528 : i1 to vector<16xi1>
      %reduce_sum3A_530 = tpu.scan <sum>, %get3A_516 masked %reduce_sum3A_529 : vector<16xi32>, vector<16xi1> -> vector<16xi32>
      %reduce_sum3A_531 = vector.extract %reduce_sum3A_530[15] : i32 from vector<16xi32>
      %add3A_532 = arith.addi %add3A_514, %reduce_sum3A_531 : i32
      %get3A_533 = arith.constant 112 : index
      %get3A_534 = tpu.vector_load %arg8[%get3A_533] {strides = array<i32>} : memref<256xi32, #tpu.memory_space<vmem>>, vector<16xi32>,
      %broadcast_in_dim3A_535 = arith.constant true
      %broadcast_in_dim3A_536 = vector.broadcast %broadcast_in_dim3A_535 : i1 to vector<16xi1>
      %masked_cumsum3A_537 = tpu.scan <sum>, %get3A_534 masked %broadcast_in_dim3A_536 : vector<16xi32>, vector<16xi1> -> vector<16xi32>
      %add3A_538 = vector.broadcast %add3A_532 : i32 to vector<16xi32>
      %add3A_539 = arith.addi %masked_cumsum3A_537, %add3A_538 : vector<16xi32>
      %lt3A_540 = vector.broadcast %sub3A_361 : i32 to vector<16xi32>
      %lt3A_541 = arith.cmpi slt, %add3A_539, %lt3A_540 : vector<16xi32>
      %select_n3A_542 = arith.select %lt3A_541, %broadcast_in_dim3A_402, %broadcast_in_dim3A_404 : vector<16xi1>, vector<16xi32>
      %add3A_543 = arith.addi %add3A_525, %select_n3A_542 : vector<16xi32>
      %select_n3A_544 = arith.select %lt3A_541, %add3A_539, %broadcast_in_dim3A_404 : vector<16xi1>, vector<16xi32>
      %max3A_545 = arith.maxsi %max3A_527, %select_n3A_544 : vector<16xi32>
      %reduce_sum3A_546 = arith.constant true
      %reduce_sum3A_547 = vector.broadcast %reduce_sum3A_546 : i1 to vector<16xi1>
      %reduce_sum3A_548 = tpu.scan <sum>, %get3A_534 masked %reduce_sum3A_547 : vector<16xi32>, vector<16xi1> -> vector<16xi32>
      %reduce_sum3A_549 = vector.extract %reduce_sum3A_548[15] : i32 from vector<16xi32>
      %add3A_550 = arith.addi %add3A_532, %reduce_sum3A_549 : i32
      %get3A_551 = arith.constant 128 : index
      %get3A_552 = tpu.vector_load %arg8[%get3A_551] {strides = array<i32>} : memref<256xi32, #tpu.memory_space<vmem>>, vector<16xi32>,
      %broadcast_in_dim3A_553 = arith.constant true
      %broadcast_in_dim3A_554 = vector.broadcast %broadcast_in_dim3A_553 : i1 to vector<16xi1>
      %masked_cumsum3A_555 = tpu.scan <sum>, %get3A_552 masked %broadcast_in_dim3A_554 : vector<16xi32>, vector<16xi1> -> vector<16xi32>
      %add3A_556 = vector.broadcast %add3A_550 : i32 to vector<16xi32>
      %add3A_557 = arith.addi %masked_cumsum3A_555, %add3A_556 : vector<16xi32>
      %lt3A_558 = vector.broadcast %sub3A_361 : i32 to vector<16xi32>
      %lt3A_559 = arith.cmpi slt, %add3A_557, %lt3A_558 : vector<16xi32>
      %select_n3A_560 = arith.select %lt3A_559, %broadcast_in_dim3A_402, %broadcast_in_dim3A_404 : vector<16xi1>, vector<16xi32>
      %add3A_561 = arith.addi %add3A_543, %select_n3A_560 : vector<16xi32>
      %select_n3A_562 = arith.select %lt3A_559, %add3A_557, %broadcast_in_dim3A_404 : vector<16xi1>, vector<16xi32>
      %max3A_563 = arith.maxsi %max3A_545, %select_n3A_562 : vector<16xi32>
      %reduce_sum3A_564 = arith.constant true
      %reduce_sum3A_565 = vector.broadcast %reduce_sum3A_564 : i1 to vector<16xi1>
      %reduce_sum3A_566 = tpu.scan <sum>, %get3A_552 masked %reduce_sum3A_565 : vector<16xi32>, vector<16xi1> -> vector<16xi32>
      %reduce_sum3A_567 = vector.extract %reduce_sum3A_566[15] : i32 from vector<16xi32>
      %add3A_568 = arith.addi %add3A_550, %reduce_sum3A_567 : i32
      %get3A_569 = arith.constant 144 : index
      %get3A_570 = tpu.vector_load %arg8[%get3A_569] {strides = array<i32>} : memref<256xi32, #tpu.memory_space<vmem>>, vector<16xi32>,
      %broadcast_in_dim3A_571 = arith.constant true
      %broadcast_in_dim3A_572 = vector.broadcast %broadcast_in_dim3A_571 : i1 to vector<16xi1>
      %masked_cumsum3A_573 = tpu.scan <sum>, %get3A_570 masked %broadcast_in_dim3A_572 : vector<16xi32>, vector<16xi1> -> vector<16xi32>
      %add3A_574 = vector.broadcast %add3A_568 : i32 to vector<16xi32>
      %add3A_575 = arith.addi %masked_cumsum3A_573, %add3A_574 : vector<16xi32>
      %lt3A_576 = vector.broadcast %sub3A_361 : i32 to vector<16xi32>
      %lt3A_577 = arith.cmpi slt, %add3A_575, %lt3A_576 : vector<16xi32>
      %select_n3A_578 = arith.select %lt3A_577, %broadcast_in_dim3A_402, %broadcast_in_dim3A_404 : vector<16xi1>, vector<16xi32>
      %add3A_579 = arith.addi %add3A_561, %select_n3A_578 : vector<16xi32>
      %select_n3A_580 = arith.select %lt3A_577, %add3A_575, %broadcast_in_dim3A_404 : vector<16xi1>, vector<16xi32>
      %max3A_581 = arith.maxsi %max3A_563, %select_n3A_580 : vector<16xi32>
      %reduce_sum3A_582 = arith.constant true
      %reduce_sum3A_583 = vector.broadcast %reduce_sum3A_582 : i1 to vector<16xi1>
      %reduce_sum3A_584 = tpu.scan <sum>, %get3A_570 masked %reduce_sum3A_583 : vector<16xi32>, vector<16xi1> -> vector<16xi32>
      %reduce_sum3A_585 = vector.extract %reduce_sum3A_584[15] : i32 from vector<16xi32>
      %add3A_586 = arith.addi %add3A_568, %reduce_sum3A_585 : i32
      %get3A_587 = arith.constant 160 : index
      %get3A_588 = tpu.vector_load %arg8[%get3A_587] {strides = array<i32>} : memref<256xi32, #tpu.memory_space<vmem>>, vector<16xi32>,
      %broadcast_in_dim3A_589 = arith.constant true
      %broadcast_in_dim3A_590 = vector.broadcast %broadcast_in_dim3A_589 : i1 to vector<16xi1>
      %masked_cumsum3A_591 = tpu.scan <sum>, %get3A_588 masked %broadcast_in_dim3A_590 : vector<16xi32>, vector<16xi1> -> vector<16xi32>
      %add3A_592 = vector.broadcast %add3A_586 : i32 to vector<16xi32>
      %add3A_593 = arith.addi %masked_cumsum3A_591, %add3A_592 : vector<16xi32>
      %lt3A_594 = vector.broadcast %sub3A_361 : i32 to vector<16xi32>
      %lt3A_595 = arith.cmpi slt, %add3A_593, %lt3A_594 : vector<16xi32>
      %select_n3A_596 = arith.select %lt3A_595, %broadcast_in_dim3A_402, %broadcast_in_dim3A_404 : vector<16xi1>, vector<16xi32>
      %add3A_597 = arith.addi %add3A_579, %select_n3A_596 : vector<16xi32>
      %select_n3A_598 = arith.select %lt3A_595, %add3A_593, %broadcast_in_dim3A_404 : vector<16xi1>, vector<16xi32>
      %max3A_599 = arith.maxsi %max3A_581, %select_n3A_598 : vector<16xi32>
      %reduce_sum3A_600 = arith.constant true
      %reduce_sum3A_601 = vector.broadcast %reduce_sum3A_600 : i1 to vector<16xi1>
      %reduce_sum3A_602 = tpu.scan <sum>, %get3A_588 masked %reduce_sum3A_601 : vector<16xi32>, vector<16xi1> -> vector<16xi32>
      %reduce_sum3A_603 = vector.extract %reduce_sum3A_602[15] : i32 from vector<16xi32>
      %add3A_604 = arith.addi %add3A_586, %reduce_sum3A_603 : i32
      %get3A_605 = arith.constant 176 : index
      %get3A_606 = tpu.vector_load %arg8[%get3A_605] {strides = array<i32>} : memref<256xi32, #tpu.memory_space<vmem>>, vector<16xi32>,
      %broadcast_in_dim3A_607 = arith.constant true
      %broadcast_in_dim3A_608 = vector.broadcast %broadcast_in_dim3A_607 : i1 to vector<16xi1>
      %masked_cumsum3A_609 = tpu.scan <sum>, %get3A_606 masked %broadcast_in_dim3A_608 : vector<16xi32>, vector<16xi1> -> vector<16xi32>
      %add3A_610 = vector.broadcast %add3A_604 : i32 to vector<16xi32>
      %add3A_611 = arith.addi %masked_cumsum3A_609, %add3A_610 : vector<16xi32>
      %lt3A_612 = vector.broadcast %sub3A_361 : i32 to vector<16xi32>
      %lt3A_613 = arith.cmpi slt, %add3A_611, %lt3A_612 : vector<16xi32>
      %select_n3A_614 = arith.select %lt3A_613, %broadcast_in_dim3A_402, %broadcast_in_dim3A_404 : vector<16xi1>, vector<16xi32>
      %add3A_615 = arith.addi %add3A_597, %select_n3A_614 : vector<16xi32>
      %select_n3A_616 = arith.select %lt3A_613, %add3A_611, %broadcast_in_dim3A_404 : vector<16xi1>, vector<16xi32>
      %max3A_617 = arith.maxsi %max3A_599, %select_n3A_616 : vector<16xi32>
      %reduce_sum3A_618 = arith.constant true
      %reduce_sum3A_619 = vector.broadcast %reduce_sum3A_618 : i1 to vector<16xi1>
      %reduce_sum3A_620 = tpu.scan <sum>, %get3A_606 masked %reduce_sum3A_619 : vector<16xi32>, vector<16xi1> -> vector<16xi32>
      %reduce_sum3A_621 = vector.extract %reduce_sum3A_620[15] : i32 from vector<16xi32>
      %add3A_622 = arith.addi %add3A_604, %reduce_sum3A_621 : i32
      %get3A_623 = arith.constant 192 : index
      %get3A_624 = tpu.vector_load %arg8[%get3A_623] {strides = array<i32>} : memref<256xi32, #tpu.memory_space<vmem>>, vector<16xi32>,
      %broadcast_in_dim3A_625 = arith.constant true
      %broadcast_in_dim3A_626 = vector.broadcast %broadcast_in_dim3A_625 : i1 to vector<16xi1>
      %masked_cumsum3A_627 = tpu.scan <sum>, %get3A_624 masked %broadcast_in_dim3A_626 : vector<16xi32>, vector<16xi1> -> vector<16xi32>
      %add3A_628 = vector.broadcast %add3A_622 : i32 to vector<16xi32>
      %add3A_629 = arith.addi %masked_cumsum3A_627, %add3A_628 : vector<16xi32>
      %lt3A_630 = vector.broadcast %sub3A_361 : i32 to vector<16xi32>
      %lt3A_631 = arith.cmpi slt, %add3A_629, %lt3A_630 : vector<16xi32>
      %select_n3A_632 = arith.select %lt3A_631, %broadcast_in_dim3A_402, %broadcast_in_dim3A_404 : vector<16xi1>, vector<16xi32>
      %add3A_633 = arith.addi %add3A_615, %select_n3A_632 : vector<16xi32>
      %select_n3A_634 = arith.select %lt3A_631, %add3A_629, %broadcast_in_dim3A_404 : vector<16xi1>, vector<16xi32>
      %max3A_635 = arith.maxsi %max3A_617, %select_n3A_634 : vector<16xi32>
      %reduce_sum3A_636 = arith.constant true
      %reduce_sum3A_637 = vector.broadcast %reduce_sum3A_636 : i1 to vector<16xi1>
      %reduce_sum3A_638 = tpu.scan <sum>, %get3A_624 masked %reduce_sum3A_637 : vector<16xi32>, vector<16xi1> -> vector<16xi32>
      %reduce_sum3A_639 = vector.extract %reduce_sum3A_638[15] : i32 from vector<16xi32>
      %add3A_640 = arith.addi %add3A_622, %reduce_sum3A_639 : i32
      %get3A_641 = arith.constant 208 : index
      %get3A_642 = tpu.vector_load %arg8[%get3A_641] {strides = array<i32>} : memref<256xi32, #tpu.memory_space<vmem>>, vector<16xi32>,
      %broadcast_in_dim3A_643 = arith.constant true
      %broadcast_in_dim3A_644 = vector.broadcast %broadcast_in_dim3A_643 : i1 to vector<16xi1>
      %masked_cumsum3A_645 = tpu.scan <sum>, %get3A_642 masked %broadcast_in_dim3A_644 : vector<16xi32>, vector<16xi1> -> vector<16xi32>
      %add3A_646 = vector.broadcast %add3A_640 : i32 to vector<16xi32>
      %add3A_647 = arith.addi %masked_cumsum3A_645, %add3A_646 : vector<16xi32>
      %lt3A_648 = vector.broadcast %sub3A_361 : i32 to vector<16xi32>
      %lt3A_649 = arith.cmpi slt, %add3A_647, %lt3A_648 : vector<16xi32>
      %select_n3A_650 = arith.select %lt3A_649, %broadcast_in_dim3A_402, %broadcast_in_dim3A_404 : vector<16xi1>, vector<16xi32>
      %add3A_651 = arith.addi %add3A_633, %select_n3A_650 : vector<16xi32>
      %select_n3A_652 = arith.select %lt3A_649, %add3A_647, %broadcast_in_dim3A_404 : vector<16xi1>, vector<16xi32>
      %max3A_653 = arith.maxsi %max3A_635, %select_n3A_652 : vector<16xi32>
      %reduce_sum3A_654 = arith.constant true
      %reduce_sum3A_655 = vector.broadcast %reduce_sum3A_654 : i1 to vector<16xi1>
      %reduce_sum3A_656 = tpu.scan <sum>, %get3A_642 masked %reduce_sum3A_655 : vector<16xi32>, vector<16xi1> -> vector<16xi32>
      %reduce_sum3A_657 = vector.extract %reduce_sum3A_656[15] : i32 from vector<16xi32>
      %add3A_658 = arith.addi %add3A_640, %reduce_sum3A_657 : i32
      %get3A_659 = arith.constant 224 : index
      %get3A_660 = tpu.vector_load %arg8[%get3A_659] {strides = array<i32>} : memref<256xi32, #tpu.memory_space<vmem>>, vector<16xi32>,
      %broadcast_in_dim3A_661 = arith.constant true
      %broadcast_in_dim3A_662 = vector.broadcast %broadcast_in_dim3A_661 : i1 to vector<16xi1>
      %masked_cumsum3A_663 = tpu.scan <sum>, %get3A_660 masked %broadcast_in_dim3A_662 : vector<16xi32>, vector<16xi1> -> vector<16xi32>
      %add3A_664 = vector.broadcast %add3A_658 : i32 to vector<16xi32>
      %add3A_665 = arith.addi %masked_cumsum3A_663, %add3A_664 : vector<16xi32>
      %lt3A_666 = vector.broadcast %sub3A_361 : i32 to vector<16xi32>
      %lt3A_667 = arith.cmpi slt, %add3A_665, %lt3A_666 : vector<16xi32>
      %select_n3A_668 = arith.select %lt3A_667, %broadcast_in_dim3A_402, %broadcast_in_dim3A_404 : vector<16xi1>, vector<16xi32>
      %add3A_669 = arith.addi %add3A_651, %select_n3A_668 : vector<16xi32>
      %select_n3A_670 = arith.select %lt3A_667, %add3A_665, %broadcast_in_dim3A_404 : vector<16xi1>, vector<16xi32>
      %max3A_671 = arith.maxsi %max3A_653, %select_n3A_670 : vector<16xi32>
      %reduce_sum3A_672 = arith.constant true
      %reduce_sum3A_673 = vector.broadcast %reduce_sum3A_672 : i1 to vector<16xi1>
      %reduce_sum3A_674 = tpu.scan <sum>, %get3A_660 masked %reduce_sum3A_673 : vector<16xi32>, vector<16xi1> -> vector<16xi32>
      %reduce_sum3A_675 = vector.extract %reduce_sum3A_674[15] : i32 from vector<16xi32>
      %add3A_676 = arith.addi %add3A_658, %reduce_sum3A_675 : i32
      %get3A_677 = arith.constant 240 : index
      %get3A_678 = tpu.vector_load %arg8[%get3A_677] {strides = array<i32>} : memref<256xi32, #tpu.memory_space<vmem>>, vector<16xi32>,
      %broadcast_in_dim3A_679 = arith.constant true
      %broadcast_in_dim3A_680 = vector.broadcast %broadcast_in_dim3A_679 : i1 to vector<16xi1>
      %masked_cumsum3A_681 = tpu.scan <sum>, %get3A_678 masked %broadcast_in_dim3A_680 : vector<16xi32>, vector<16xi1> -> vector<16xi32>
      %add3A_682 = vector.broadcast %add3A_676 : i32 to vector<16xi32>
      %add3A_683 = arith.addi %masked_cumsum3A_681, %add3A_682 : vector<16xi32>
      %lt3A_684 = vector.broadcast %sub3A_361 : i32 to vector<16xi32>
      %lt3A_685 = arith.cmpi slt, %add3A_683, %lt3A_684 : vector<16xi32>
      %select_n3A_686 = arith.select %lt3A_685, %broadcast_in_dim3A_402, %broadcast_in_dim3A_404 : vector<16xi1>, vector<16xi32>
      %add3A_687 = arith.addi %add3A_669, %select_n3A_686 : vector<16xi32>
      %select_n3A_688 = arith.select %lt3A_685, %add3A_683, %broadcast_in_dim3A_404 : vector<16xi1>, vector<16xi32>
      %max3A_689 = arith.maxsi %max3A_671, %select_n3A_688 : vector<16xi32>
      %reduce_sum3A_690 = arith.constant true
      %reduce_sum3A_691 = vector.broadcast %reduce_sum3A_690 : i1 to vector<16xi1>
      %reduce_sum3A_692 = tpu.scan <sum>, %get3A_678 masked %reduce_sum3A_691 : vector<16xi32>, vector<16xi1> -> vector<16xi32>
      %reduce_sum3A_693 = vector.extract %reduce_sum3A_692[15] : i32 from vector<16xi32>
      %add3A_694 = arith.addi %add3A_676, %reduce_sum3A_693 : i32
      %reduce_sum3A_695 = arith.constant true
      %reduce_sum3A_696 = vector.broadcast %reduce_sum3A_695 : i1 to vector<16xi1>
      %reduce_sum3A_697 = tpu.scan <sum>, %add3A_687 masked %reduce_sum3A_696 : vector<16xi32>, vector<16xi1> -> vector<16xi32>
      %reduce_sum3A_698 = vector.extract %reduce_sum3A_697[15] : i32 from vector<16xi32>
      %reduce_max3A_699 = arith.constant true
      %reduce_max3A_700 = vector.broadcast %reduce_max3A_699 : i1 to vector<16xi1>
      %reduce_max3A_701 = arith.constant -2147483648 : i32
      %reduce_max3A_702 = vector.broadcast %reduce_max3A_701 : i32 to vector<16xi32>
      %reduce_max3A_703 = arith.xori %max3A_689, %reduce_max3A_702 : vector<16xi32>
      %reduce_max3A_704 = tpu.scan <max>, %reduce_max3A_703 masked %reduce_max3A_700 : vector<16xi32>, vector<16xi1> -> vector<16xi32>
      %reduce_max3A_705 = arith.xori %reduce_max3A_704, %reduce_max3A_702 : vector<16xi32>
      %reduce_max3A_706 = vector.extract %reduce_max3A_705[15] : i32 from vector<16xi32>
      %sub3A_707 = arith.subi %sub3A_361, %reduce_max3A_706 : i32
      %shift_left3A_708 = arith.constant 8 : i32
      %shift_left3A_709 = arith.shli %or3A, %shift_left3A_708 : i32
      %or3A_710 = arith.ori %shift_left3A_709, %reduce_sum3A_698 : i32
      %swap3A_711 = arith.constant 0 : index
      %swap3A_712 = tpu.vector_load %arg8[%swap3A_711] {strides = array<i32>} : memref<256xi32, #tpu.memory_space<vmem>>, vector<16xi32>,
      tpu.vector_store %arg8[%swap3A_711], %broadcast_in_dim3A_10 {strides = array<i32>} : memref<256xi32, #tpu.memory_space<vmem>>, vector<16xi32>,
      %swap3A_713 = arith.constant 16 : index
      %swap3A_714 = tpu.vector_load %arg8[%swap3A_713] {strides = array<i32>} : memref<256xi32, #tpu.memory_space<vmem>>, vector<16xi32>,
      tpu.vector_store %arg8[%swap3A_713], %broadcast_in_dim3A_10 {strides = array<i32>} : memref<256xi32, #tpu.memory_space<vmem>>, vector<16xi32>,
      %swap3A_715 = arith.constant 32 : index
      %swap3A_716 = tpu.vector_load %arg8[%swap3A_715] {strides = array<i32>} : memref<256xi32, #tpu.memory_space<vmem>>, vector<16xi32>,
      tpu.vector_store %arg8[%swap3A_715], %broadcast_in_dim3A_10 {strides = array<i32>} : memref<256xi32, #tpu.memory_space<vmem>>, vector<16xi32>,
      %swap3A_717 = arith.constant 48 : index
      %swap3A_718 = tpu.vector_load %arg8[%swap3A_717] {strides = array<i32>} : memref<256xi32, #tpu.memory_space<vmem>>, vector<16xi32>,
      tpu.vector_store %arg8[%swap3A_717], %broadcast_in_dim3A_10 {strides = array<i32>} : memref<256xi32, #tpu.memory_space<vmem>>, vector<16xi32>,
      %swap3A_719 = arith.constant 64 : index
      %swap3A_720 = tpu.vector_load %arg8[%swap3A_719] {strides = array<i32>} : memref<256xi32, #tpu.memory_space<vmem>>, vector<16xi32>,
      tpu.vector_store %arg8[%swap3A_719], %broadcast_in_dim3A_10 {strides = array<i32>} : memref<256xi32, #tpu.memory_space<vmem>>, vector<16xi32>,
      %swap3A_721 = arith.constant 80 : index
      %swap3A_722 = tpu.vector_load %arg8[%swap3A_721] {strides = array<i32>} : memref<256xi32, #tpu.memory_space<vmem>>, vector<16xi32>,
      tpu.vector_store %arg8[%swap3A_721], %broadcast_in_dim3A_10 {strides = array<i32>} : memref<256xi32, #tpu.memory_space<vmem>>, vector<16xi32>,
      %swap3A_723 = arith.constant 96 : index
      %swap3A_724 = tpu.vector_load %arg8[%swap3A_723] {strides = array<i32>} : memref<256xi32, #tpu.memory_space<vmem>>, vector<16xi32>,
      tpu.vector_store %arg8[%swap3A_723], %broadcast_in_dim3A_10 {strides = array<i32>} : memref<256xi32, #tpu.memory_space<vmem>>, vector<16xi32>,
      %swap3A_725 = arith.constant 112 : index
      %swap3A_726 = tpu.vector_load %arg8[%swap3A_725] {strides = array<i32>} : memref<256xi32, #tpu.memory_space<vmem>>, vector<16xi32>,
      tpu.vector_store %arg8[%swap3A_725], %broadcast_in_dim3A_10 {strides = array<i32>} : memref<256xi32, #tpu.memory_space<vmem>>, vector<16xi32>,
      %swap3A_727 = arith.constant 128 : index
      %swap3A_728 = tpu.vector_load %arg8[%swap3A_727] {strides = array<i32>} : memref<256xi32, #tpu.memory_space<vmem>>, vector<16xi32>,
      tpu.vector_store %arg8[%swap3A_727], %broadcast_in_dim3A_10 {strides = array<i32>} : memref<256xi32, #tpu.memory_space<vmem>>, vector<16xi32>,
      %swap3A_729 = arith.constant 144 : index
      %swap3A_730 = tpu.vector_load %arg8[%swap3A_729] {strides = array<i32>} : memref<256xi32, #tpu.memory_space<vmem>>, vector<16xi32>,
      tpu.vector_store %arg8[%swap3A_729], %broadcast_in_dim3A_10 {strides = array<i32>} : memref<256xi32, #tpu.memory_space<vmem>>, vector<16xi32>,
      %swap3A_731 = arith.constant 160 : index
      %swap3A_732 = tpu.vector_load %arg8[%swap3A_731] {strides = array<i32>} : memref<256xi32, #tpu.memory_space<vmem>>, vector<16xi32>,
      tpu.vector_store %arg8[%swap3A_731], %broadcast_in_dim3A_10 {strides = array<i32>} : memref<256xi32, #tpu.memory_space<vmem>>, vector<16xi32>,
      %swap3A_733 = arith.constant 176 : index
      %swap3A_734 = tpu.vector_load %arg8[%swap3A_733] {strides = array<i32>} : memref<256xi32, #tpu.memory_space<vmem>>, vector<16xi32>,
      tpu.vector_store %arg8[%swap3A_733], %broadcast_in_dim3A_10 {strides = array<i32>} : memref<256xi32, #tpu.memory_space<vmem>>, vector<16xi32>,
      %swap3A_735 = arith.constant 192 : index
      %swap3A_736 = tpu.vector_load %arg8[%swap3A_735] {strides = array<i32>} : memref<256xi32, #tpu.memory_space<vmem>>, vector<16xi32>,
      tpu.vector_store %arg8[%swap3A_735], %broadcast_in_dim3A_10 {strides = array<i32>} : memref<256xi32, #tpu.memory_space<vmem>>, vector<16xi32>,
      %swap3A_737 = arith.constant 208 : index
      %swap3A_738 = tpu.vector_load %arg8[%swap3A_737] {strides = array<i32>} : memref<256xi32, #tpu.memory_space<vmem>>, vector<16xi32>,
      tpu.vector_store %arg8[%swap3A_737], %broadcast_in_dim3A_10 {strides = array<i32>} : memref<256xi32, #tpu.memory_space<vmem>>, vector<16xi32>,
      %swap3A_739 = arith.constant 224 : index
      %swap3A_740 = tpu.vector_load %arg8[%swap3A_739] {strides = array<i32>} : memref<256xi32, #tpu.memory_space<vmem>>, vector<16xi32>,
      tpu.vector_store %arg8[%swap3A_739], %broadcast_in_dim3A_10 {strides = array<i32>} : memref<256xi32, #tpu.memory_space<vmem>>, vector<16xi32>,
      %swap3A_741 = arith.constant 240 : index
      %swap3A_742 = tpu.vector_load %arg8[%swap3A_741] {strides = array<i32>} : memref<256xi32, #tpu.memory_space<vmem>>, vector<16xi32>,
      tpu.vector_store %arg8[%swap3A_741], %broadcast_in_dim3A_10 {strides = array<i32>} : memref<256xi32, #tpu.memory_space<vmem>>, vector<16xi32>,
      %scan3A_743 = arith.constant 0 : i32
      %scan3A_744 = arith.constant 224 : i32
      %scan3A_745 = arith.addi %scan3A_743, %scan3A_744 : i32
      %scan3A_746 = arith.constant 1 : i32
      scf.for %scan3A_1639 = %scan3A_743 to %scan3A_745 step %scan3A_746  : i32 {
        %mul3A_1640 = arith.constant 16 : i32
        %mul3A_1641 = arith.muli %scan3A_1639, %mul3A_1640 : i32
        %add3A_1642 = arith.constant 0 : i32
        %add3A_1643 = arith.addi %add3A_1642, %mul3A_1641 : i32
        %get3A_1644 = arith.index_cast %add3A_1643 : i32 to index
        %get3A_1645 = tpu.vector_load %arg7[%get3A_1644] {strides = array<i32>} : memref<3584xi32, #tpu.memory_space<vmem>>, vector<16xi32>,
        %shift_right_logical3A = arith.constant 8 : i32
        %shift_right_logical3A_1646 = vector.broadcast %shift_right_logical3A : i32 to vector<16xi32>
        %shift_right_logical3A_1647 = arith.shrui %get3A_1645, %shift_right_logical3A_1646 : vector<16xi32>
        %and3A_1648 = arith.constant 255 : i32
        %and3A_1649 = vector.broadcast %and3A_1648 : i32 to vector<16xi32>
        %and3A_1650 = arith.andi %shift_right_logical3A_1647, %and3A_1649 : vector<16xi32>
        %shift_right_logical3A_1651 = arith.constant 16 : i32
        %shift_right_logical3A_1652 = vector.broadcast %shift_right_logical3A_1651 : i32 to vector<16xi32>
        %shift_right_logical3A_1653 = arith.shrui %get3A_1645, %shift_right_logical3A_1652 : vector<16xi32>
        %eq3A_1654 = vector.broadcast %or3A_710 : i32 to vector<16xi32>
        %eq3A_1655 = arith.cmpi eq, %shift_right_logical3A_1653, %eq3A_1654 : vector<16xi32>
        tpu.vector_store_idx %arg8[%and3A_1650], %broadcast_in_dim3A_8 masked %eq3A_1655 {add = true} : memref<256xi32, #tpu.memory_space<vmem>>[vector<16xi32>], vector<16xi32>, vector<16xi1>
      }
      %scan3A_747 = arith.constant 224 : i32
      %broadcast_in_dim3A_748 = arith.constant 1 : i32
      %broadcast_in_dim3A_749 = vector.broadcast %broadcast_in_dim3A_748 : i32 to vector<16xi32>
      %broadcast_in_dim3A_750 = arith.constant 0 : i32
      %broadcast_in_dim3A_751 = vector.broadcast %broadcast_in_dim3A_750 : i32 to vector<16xi32>
      %get3A_752 = arith.constant 0 : index
      %get3A_753 = tpu.vector_load %arg8[%get3A_752] {strides = array<i32>} : memref<256xi32, #tpu.memory_space<vmem>>, vector<16xi32>,
      %broadcast_in_dim3A_754 = arith.constant true
      %broadcast_in_dim3A_755 = vector.broadcast %broadcast_in_dim3A_754 : i1 to vector<16xi1>
      %masked_cumsum3A_756 = tpu.scan <sum>, %get3A_753 masked %broadcast_in_dim3A_755 : vector<16xi32>, vector<16xi1> -> vector<16xi32>
      %add3A_757 = arith.constant 0 : i32
      %add3A_758 = vector.broadcast %add3A_757 : i32 to vector<16xi32>
      %add3A_759 = arith.addi %masked_cumsum3A_756, %add3A_758 : vector<16xi32>
      %lt3A_760 = vector.broadcast %sub3A_707 : i32 to vector<16xi32>
      %lt3A_761 = arith.cmpi slt, %add3A_759, %lt3A_760 : vector<16xi32>
      %select_n3A_762 = arith.select %lt3A_761, %broadcast_in_dim3A_749, %broadcast_in_dim3A_751 : vector<16xi1>, vector<16xi32>
      %add3A_763 = arith.addi %broadcast_in_dim3A_751, %select_n3A_762 : vector<16xi32>
      %select_n3A_764 = arith.select %lt3A_761, %add3A_759, %broadcast_in_dim3A_751 : vector<16xi1>, vector<16xi32>
      %max3A_765 = arith.maxsi %broadcast_in_dim3A_751, %select_n3A_764 : vector<16xi32>
      %reduce_sum3A_766 = arith.constant true
      %reduce_sum3A_767 = vector.broadcast %reduce_sum3A_766 : i1 to vector<16xi1>
      %reduce_sum3A_768 = tpu.scan <sum>, %get3A_753 masked %reduce_sum3A_767 : vector<16xi32>, vector<16xi1> -> vector<16xi32>
      %reduce_sum3A_769 = vector.extract %reduce_sum3A_768[15] : i32 from vector<16xi32>
      %add3A_770 = arith.constant 0 : i32
      %add3A_771 = arith.addi %add3A_770, %reduce_sum3A_769 : i32
      %get3A_772 = arith.constant 16 : index
      %get3A_773 = tpu.vector_load %arg8[%get3A_772] {strides = array<i32>} : memref<256xi32, #tpu.memory_space<vmem>>, vector<16xi32>,
      %broadcast_in_dim3A_774 = arith.constant true
      %broadcast_in_dim3A_775 = vector.broadcast %broadcast_in_dim3A_774 : i1 to vector<16xi1>
      %masked_cumsum3A_776 = tpu.scan <sum>, %get3A_773 masked %broadcast_in_dim3A_775 : vector<16xi32>, vector<16xi1> -> vector<16xi32>
      %add3A_777 = vector.broadcast %add3A_771 : i32 to vector<16xi32>
      %add3A_778 = arith.addi %masked_cumsum3A_776, %add3A_777 : vector<16xi32>
      %lt3A_779 = vector.broadcast %sub3A_707 : i32 to vector<16xi32>
      %lt3A_780 = arith.cmpi slt, %add3A_778, %lt3A_779 : vector<16xi32>
      %select_n3A_781 = arith.select %lt3A_780, %broadcast_in_dim3A_749, %broadcast_in_dim3A_751 : vector<16xi1>, vector<16xi32>
      %add3A_782 = arith.addi %add3A_763, %select_n3A_781 : vector<16xi32>
      %select_n3A_783 = arith.select %lt3A_780, %add3A_778, %broadcast_in_dim3A_751 : vector<16xi1>, vector<16xi32>
      %max3A_784 = arith.maxsi %max3A_765, %select_n3A_783 : vector<16xi32>
      %reduce_sum3A_785 = arith.constant true
      %reduce_sum3A_786 = vector.broadcast %reduce_sum3A_785 : i1 to vector<16xi1>
      %reduce_sum3A_787 = tpu.scan <sum>, %get3A_773 masked %reduce_sum3A_786 : vector<16xi32>, vector<16xi1> -> vector<16xi32>
      %reduce_sum3A_788 = vector.extract %reduce_sum3A_787[15] : i32 from vector<16xi32>
      %add3A_789 = arith.addi %add3A_771, %reduce_sum3A_788 : i32
      %get3A_790 = arith.constant 32 : index
      %get3A_791 = tpu.vector_load %arg8[%get3A_790] {strides = array<i32>} : memref<256xi32, #tpu.memory_space<vmem>>, vector<16xi32>,
      %broadcast_in_dim3A_792 = arith.constant true
      %broadcast_in_dim3A_793 = vector.broadcast %broadcast_in_dim3A_792 : i1 to vector<16xi1>
      %masked_cumsum3A_794 = tpu.scan <sum>, %get3A_791 masked %broadcast_in_dim3A_793 : vector<16xi32>, vector<16xi1> -> vector<16xi32>
      %add3A_795 = vector.broadcast %add3A_789 : i32 to vector<16xi32>
      %add3A_796 = arith.addi %masked_cumsum3A_794, %add3A_795 : vector<16xi32>
      %lt3A_797 = vector.broadcast %sub3A_707 : i32 to vector<16xi32>
      %lt3A_798 = arith.cmpi slt, %add3A_796, %lt3A_797 : vector<16xi32>
      %select_n3A_799 = arith.select %lt3A_798, %broadcast_in_dim3A_749, %broadcast_in_dim3A_751 : vector<16xi1>, vector<16xi32>
      %add3A_800 = arith.addi %add3A_782, %select_n3A_799 : vector<16xi32>
      %select_n3A_801 = arith.select %lt3A_798, %add3A_796, %broadcast_in_dim3A_751 : vector<16xi1>, vector<16xi32>
      %max3A_802 = arith.maxsi %max3A_784, %select_n3A_801 : vector<16xi32>
      %reduce_sum3A_803 = arith.constant true
      %reduce_sum3A_804 = vector.broadcast %reduce_sum3A_803 : i1 to vector<16xi1>
      %reduce_sum3A_805 = tpu.scan <sum>, %get3A_791 masked %reduce_sum3A_804 : vector<16xi32>, vector<16xi1> -> vector<16xi32>
      %reduce_sum3A_806 = vector.extract %reduce_sum3A_805[15] : i32 from vector<16xi32>
      %add3A_807 = arith.addi %add3A_789, %reduce_sum3A_806 : i32
      %get3A_808 = arith.constant 48 : index
      %get3A_809 = tpu.vector_load %arg8[%get3A_808] {strides = array<i32>} : memref<256xi32, #tpu.memory_space<vmem>>, vector<16xi32>,
      %broadcast_in_dim3A_810 = arith.constant true
      %broadcast_in_dim3A_811 = vector.broadcast %broadcast_in_dim3A_810 : i1 to vector<16xi1>
      %masked_cumsum3A_812 = tpu.scan <sum>, %get3A_809 masked %broadcast_in_dim3A_811 : vector<16xi32>, vector<16xi1> -> vector<16xi32>
      %add3A_813 = vector.broadcast %add3A_807 : i32 to vector<16xi32>
      %add3A_814 = arith.addi %masked_cumsum3A_812, %add3A_813 : vector<16xi32>
      %lt3A_815 = vector.broadcast %sub3A_707 : i32 to vector<16xi32>
      %lt3A_816 = arith.cmpi slt, %add3A_814, %lt3A_815 : vector<16xi32>
      %select_n3A_817 = arith.select %lt3A_816, %broadcast_in_dim3A_749, %broadcast_in_dim3A_751 : vector<16xi1>, vector<16xi32>
      %add3A_818 = arith.addi %add3A_800, %select_n3A_817 : vector<16xi32>
      %select_n3A_819 = arith.select %lt3A_816, %add3A_814, %broadcast_in_dim3A_751 : vector<16xi1>, vector<16xi32>
      %max3A_820 = arith.maxsi %max3A_802, %select_n3A_819 : vector<16xi32>
      %reduce_sum3A_821 = arith.constant true
      %reduce_sum3A_822 = vector.broadcast %reduce_sum3A_821 : i1 to vector<16xi1>
      %reduce_sum3A_823 = tpu.scan <sum>, %get3A_809 masked %reduce_sum3A_822 : vector<16xi32>, vector<16xi1> -> vector<16xi32>
      %reduce_sum3A_824 = vector.extract %reduce_sum3A_823[15] : i32 from vector<16xi32>
      %add3A_825 = arith.addi %add3A_807, %reduce_sum3A_824 : i32
      %get3A_826 = arith.constant 64 : index
      %get3A_827 = tpu.vector_load %arg8[%get3A_826] {strides = array<i32>} : memref<256xi32, #tpu.memory_space<vmem>>, vector<16xi32>,
      %broadcast_in_dim3A_828 = arith.constant true
      %broadcast_in_dim3A_829 = vector.broadcast %broadcast_in_dim3A_828 : i1 to vector<16xi1>
      %masked_cumsum3A_830 = tpu.scan <sum>, %get3A_827 masked %broadcast_in_dim3A_829 : vector<16xi32>, vector<16xi1> -> vector<16xi32>
      %add3A_831 = vector.broadcast %add3A_825 : i32 to vector<16xi32>
      %add3A_832 = arith.addi %masked_cumsum3A_830, %add3A_831 : vector<16xi32>
      %lt3A_833 = vector.broadcast %sub3A_707 : i32 to vector<16xi32>
      %lt3A_834 = arith.cmpi slt, %add3A_832, %lt3A_833 : vector<16xi32>
      %select_n3A_835 = arith.select %lt3A_834, %broadcast_in_dim3A_749, %broadcast_in_dim3A_751 : vector<16xi1>, vector<16xi32>
      %add3A_836 = arith.addi %add3A_818, %select_n3A_835 : vector<16xi32>
      %select_n3A_837 = arith.select %lt3A_834, %add3A_832, %broadcast_in_dim3A_751 : vector<16xi1>, vector<16xi32>
      %max3A_838 = arith.maxsi %max3A_820, %select_n3A_837 : vector<16xi32>
      %reduce_sum3A_839 = arith.constant true
      %reduce_sum3A_840 = vector.broadcast %reduce_sum3A_839 : i1 to vector<16xi1>
      %reduce_sum3A_841 = tpu.scan <sum>, %get3A_827 masked %reduce_sum3A_840 : vector<16xi32>, vector<16xi1> -> vector<16xi32>
      %reduce_sum3A_842 = vector.extract %reduce_sum3A_841[15] : i32 from vector<16xi32>
      %add3A_843 = arith.addi %add3A_825, %reduce_sum3A_842 : i32
      %get3A_844 = arith.constant 80 : index
      %get3A_845 = tpu.vector_load %arg8[%get3A_844] {strides = array<i32>} : memref<256xi32, #tpu.memory_space<vmem>>, vector<16xi32>,
      %broadcast_in_dim3A_846 = arith.constant true
      %broadcast_in_dim3A_847 = vector.broadcast %broadcast_in_dim3A_846 : i1 to vector<16xi1>
      %masked_cumsum3A_848 = tpu.scan <sum>, %get3A_845 masked %broadcast_in_dim3A_847 : vector<16xi32>, vector<16xi1> -> vector<16xi32>
      %add3A_849 = vector.broadcast %add3A_843 : i32 to vector<16xi32>
      %add3A_850 = arith.addi %masked_cumsum3A_848, %add3A_849 : vector<16xi32>
      %lt3A_851 = vector.broadcast %sub3A_707 : i32 to vector<16xi32>
      %lt3A_852 = arith.cmpi slt, %add3A_850, %lt3A_851 : vector<16xi32>
      %select_n3A_853 = arith.select %lt3A_852, %broadcast_in_dim3A_749, %broadcast_in_dim3A_751 : vector<16xi1>, vector<16xi32>
      %add3A_854 = arith.addi %add3A_836, %select_n3A_853 : vector<16xi32>
      %select_n3A_855 = arith.select %lt3A_852, %add3A_850, %broadcast_in_dim3A_751 : vector<16xi1>, vector<16xi32>
      %max3A_856 = arith.maxsi %max3A_838, %select_n3A_855 : vector<16xi32>
      %reduce_sum3A_857 = arith.constant true
      %reduce_sum3A_858 = vector.broadcast %reduce_sum3A_857 : i1 to vector<16xi1>
      %reduce_sum3A_859 = tpu.scan <sum>, %get3A_845 masked %reduce_sum3A_858 : vector<16xi32>, vector<16xi1> -> vector<16xi32>
      %reduce_sum3A_860 = vector.extract %reduce_sum3A_859[15] : i32 from vector<16xi32>
      %add3A_861 = arith.addi %add3A_843, %reduce_sum3A_860 : i32
      %get3A_862 = arith.constant 96 : index
      %get3A_863 = tpu.vector_load %arg8[%get3A_862] {strides = array<i32>} : memref<256xi32, #tpu.memory_space<vmem>>, vector<16xi32>,
      %broadcast_in_dim3A_864 = arith.constant true
      %broadcast_in_dim3A_865 = vector.broadcast %broadcast_in_dim3A_864 : i1 to vector<16xi1>
      %masked_cumsum3A_866 = tpu.scan <sum>, %get3A_863 masked %broadcast_in_dim3A_865 : vector<16xi32>, vector<16xi1> -> vector<16xi32>
      %add3A_867 = vector.broadcast %add3A_861 : i32 to vector<16xi32>
      %add3A_868 = arith.addi %masked_cumsum3A_866, %add3A_867 : vector<16xi32>
      %lt3A_869 = vector.broadcast %sub3A_707 : i32 to vector<16xi32>
      %lt3A_870 = arith.cmpi slt, %add3A_868, %lt3A_869 : vector<16xi32>
      %select_n3A_871 = arith.select %lt3A_870, %broadcast_in_dim3A_749, %broadcast_in_dim3A_751 : vector<16xi1>, vector<16xi32>
      %add3A_872 = arith.addi %add3A_854, %select_n3A_871 : vector<16xi32>
      %select_n3A_873 = arith.select %lt3A_870, %add3A_868, %broadcast_in_dim3A_751 : vector<16xi1>, vector<16xi32>
      %max3A_874 = arith.maxsi %max3A_856, %select_n3A_873 : vector<16xi32>
      %reduce_sum3A_875 = arith.constant true
      %reduce_sum3A_876 = vector.broadcast %reduce_sum3A_875 : i1 to vector<16xi1>
      %reduce_sum3A_877 = tpu.scan <sum>, %get3A_863 masked %reduce_sum3A_876 : vector<16xi32>, vector<16xi1> -> vector<16xi32>
      %reduce_sum3A_878 = vector.extract %reduce_sum3A_877[15] : i32 from vector<16xi32>
      %add3A_879 = arith.addi %add3A_861, %reduce_sum3A_878 : i32
      %get3A_880 = arith.constant 112 : index
      %get3A_881 = tpu.vector_load %arg8[%get3A_880] {strides = array<i32>} : memref<256xi32, #tpu.memory_space<vmem>>, vector<16xi32>,
      %broadcast_in_dim3A_882 = arith.constant true
      %broadcast_in_dim3A_883 = vector.broadcast %broadcast_in_dim3A_882 : i1 to vector<16xi1>
      %masked_cumsum3A_884 = tpu.scan <sum>, %get3A_881 masked %broadcast_in_dim3A_883 : vector<16xi32>, vector<16xi1> -> vector<16xi32>
      %add3A_885 = vector.broadcast %add3A_879 : i32 to vector<16xi32>
      %add3A_886 = arith.addi %masked_cumsum3A_884, %add3A_885 : vector<16xi32>
      %lt3A_887 = vector.broadcast %sub3A_707 : i32 to vector<16xi32>
      %lt3A_888 = arith.cmpi slt, %add3A_886, %lt3A_887 : vector<16xi32>
      %select_n3A_889 = arith.select %lt3A_888, %broadcast_in_dim3A_749, %broadcast_in_dim3A_751 : vector<16xi1>, vector<16xi32>
      %add3A_890 = arith.addi %add3A_872, %select_n3A_889 : vector<16xi32>
      %select_n3A_891 = arith.select %lt3A_888, %add3A_886, %broadcast_in_dim3A_751 : vector<16xi1>, vector<16xi32>
      %max3A_892 = arith.maxsi %max3A_874, %select_n3A_891 : vector<16xi32>
      %reduce_sum3A_893 = arith.constant true
      %reduce_sum3A_894 = vector.broadcast %reduce_sum3A_893 : i1 to vector<16xi1>
      %reduce_sum3A_895 = tpu.scan <sum>, %get3A_881 masked %reduce_sum3A_894 : vector<16xi32>, vector<16xi1> -> vector<16xi32>
      %reduce_sum3A_896 = vector.extract %reduce_sum3A_895[15] : i32 from vector<16xi32>
      %add3A_897 = arith.addi %add3A_879, %reduce_sum3A_896 : i32
      %get3A_898 = arith.constant 128 : index
      %get3A_899 = tpu.vector_load %arg8[%get3A_898] {strides = array<i32>} : memref<256xi32, #tpu.memory_space<vmem>>, vector<16xi32>,
      %broadcast_in_dim3A_900 = arith.constant true
      %broadcast_in_dim3A_901 = vector.broadcast %broadcast_in_dim3A_900 : i1 to vector<16xi1>
      %masked_cumsum3A_902 = tpu.scan <sum>, %get3A_899 masked %broadcast_in_dim3A_901 : vector<16xi32>, vector<16xi1> -> vector<16xi32>
      %add3A_903 = vector.broadcast %add3A_897 : i32 to vector<16xi32>
      %add3A_904 = arith.addi %masked_cumsum3A_902, %add3A_903 : vector<16xi32>
      %lt3A_905 = vector.broadcast %sub3A_707 : i32 to vector<16xi32>
      %lt3A_906 = arith.cmpi slt, %add3A_904, %lt3A_905 : vector<16xi32>
      %select_n3A_907 = arith.select %lt3A_906, %broadcast_in_dim3A_749, %broadcast_in_dim3A_751 : vector<16xi1>, vector<16xi32>
      %add3A_908 = arith.addi %add3A_890, %select_n3A_907 : vector<16xi32>
      %select_n3A_909 = arith.select %lt3A_906, %add3A_904, %broadcast_in_dim3A_751 : vector<16xi1>, vector<16xi32>
      %max3A_910 = arith.maxsi %max3A_892, %select_n3A_909 : vector<16xi32>
      %reduce_sum3A_911 = arith.constant true
      %reduce_sum3A_912 = vector.broadcast %reduce_sum3A_911 : i1 to vector<16xi1>
      %reduce_sum3A_913 = tpu.scan <sum>, %get3A_899 masked %reduce_sum3A_912 : vector<16xi32>, vector<16xi1> -> vector<16xi32>
      %reduce_sum3A_914 = vector.extract %reduce_sum3A_913[15] : i32 from vector<16xi32>
      %add3A_915 = arith.addi %add3A_897, %reduce_sum3A_914 : i32
      %get3A_916 = arith.constant 144 : index
      %get3A_917 = tpu.vector_load %arg8[%get3A_916] {strides = array<i32>} : memref<256xi32, #tpu.memory_space<vmem>>, vector<16xi32>,
      %broadcast_in_dim3A_918 = arith.constant true
      %broadcast_in_dim3A_919 = vector.broadcast %broadcast_in_dim3A_918 : i1 to vector<16xi1>
      %masked_cumsum3A_920 = tpu.scan <sum>, %get3A_917 masked %broadcast_in_dim3A_919 : vector<16xi32>, vector<16xi1> -> vector<16xi32>
      %add3A_921 = vector.broadcast %add3A_915 : i32 to vector<16xi32>
      %add3A_922 = arith.addi %masked_cumsum3A_920, %add3A_921 : vector<16xi32>
      %lt3A_923 = vector.broadcast %sub3A_707 : i32 to vector<16xi32>
      %lt3A_924 = arith.cmpi slt, %add3A_922, %lt3A_923 : vector<16xi32>
      %select_n3A_925 = arith.select %lt3A_924, %broadcast_in_dim3A_749, %broadcast_in_dim3A_751 : vector<16xi1>, vector<16xi32>
      %add3A_926 = arith.addi %add3A_908, %select_n3A_925 : vector<16xi32>
      %select_n3A_927 = arith.select %lt3A_924, %add3A_922, %broadcast_in_dim3A_751 : vector<16xi1>, vector<16xi32>
      %max3A_928 = arith.maxsi %max3A_910, %select_n3A_927 : vector<16xi32>
      %reduce_sum3A_929 = arith.constant true
      %reduce_sum3A_930 = vector.broadcast %reduce_sum3A_929 : i1 to vector<16xi1>
      %reduce_sum3A_931 = tpu.scan <sum>, %get3A_917 masked %reduce_sum3A_930 : vector<16xi32>, vector<16xi1> -> vector<16xi32>
      %reduce_sum3A_932 = vector.extract %reduce_sum3A_931[15] : i32 from vector<16xi32>
      %add3A_933 = arith.addi %add3A_915, %reduce_sum3A_932 : i32
      %get3A_934 = arith.constant 160 : index
      %get3A_935 = tpu.vector_load %arg8[%get3A_934] {strides = array<i32>} : memref<256xi32, #tpu.memory_space<vmem>>, vector<16xi32>,
      %broadcast_in_dim3A_936 = arith.constant true
      %broadcast_in_dim3A_937 = vector.broadcast %broadcast_in_dim3A_936 : i1 to vector<16xi1>
      %masked_cumsum3A_938 = tpu.scan <sum>, %get3A_935 masked %broadcast_in_dim3A_937 : vector<16xi32>, vector<16xi1> -> vector<16xi32>
      %add3A_939 = vector.broadcast %add3A_933 : i32 to vector<16xi32>
      %add3A_940 = arith.addi %masked_cumsum3A_938, %add3A_939 : vector<16xi32>
      %lt3A_941 = vector.broadcast %sub3A_707 : i32 to vector<16xi32>
      %lt3A_942 = arith.cmpi slt, %add3A_940, %lt3A_941 : vector<16xi32>
      %select_n3A_943 = arith.select %lt3A_942, %broadcast_in_dim3A_749, %broadcast_in_dim3A_751 : vector<16xi1>, vector<16xi32>
      %add3A_944 = arith.addi %add3A_926, %select_n3A_943 : vector<16xi32>
      %select_n3A_945 = arith.select %lt3A_942, %add3A_940, %broadcast_in_dim3A_751 : vector<16xi1>, vector<16xi32>
      %max3A_946 = arith.maxsi %max3A_928, %select_n3A_945 : vector<16xi32>
      %reduce_sum3A_947 = arith.constant true
      %reduce_sum3A_948 = vector.broadcast %reduce_sum3A_947 : i1 to vector<16xi1>
      %reduce_sum3A_949 = tpu.scan <sum>, %get3A_935 masked %reduce_sum3A_948 : vector<16xi32>, vector<16xi1> -> vector<16xi32>
      %reduce_sum3A_950 = vector.extract %reduce_sum3A_949[15] : i32 from vector<16xi32>
      %add3A_951 = arith.addi %add3A_933, %reduce_sum3A_950 : i32
      %get3A_952 = arith.constant 176 : index
      %get3A_953 = tpu.vector_load %arg8[%get3A_952] {strides = array<i32>} : memref<256xi32, #tpu.memory_space<vmem>>, vector<16xi32>,
      %broadcast_in_dim3A_954 = arith.constant true
      %broadcast_in_dim3A_955 = vector.broadcast %broadcast_in_dim3A_954 : i1 to vector<16xi1>
      %masked_cumsum3A_956 = tpu.scan <sum>, %get3A_953 masked %broadcast_in_dim3A_955 : vector<16xi32>, vector<16xi1> -> vector<16xi32>
      %add3A_957 = vector.broadcast %add3A_951 : i32 to vector<16xi32>
      %add3A_958 = arith.addi %masked_cumsum3A_956, %add3A_957 : vector<16xi32>
      %lt3A_959 = vector.broadcast %sub3A_707 : i32 to vector<16xi32>
      %lt3A_960 = arith.cmpi slt, %add3A_958, %lt3A_959 : vector<16xi32>
      %select_n3A_961 = arith.select %lt3A_960, %broadcast_in_dim3A_749, %broadcast_in_dim3A_751 : vector<16xi1>, vector<16xi32>
      %add3A_962 = arith.addi %add3A_944, %select_n3A_961 : vector<16xi32>
      %select_n3A_963 = arith.select %lt3A_960, %add3A_958, %broadcast_in_dim3A_751 : vector<16xi1>, vector<16xi32>
      %max3A_964 = arith.maxsi %max3A_946, %select_n3A_963 : vector<16xi32>
      %reduce_sum3A_965 = arith.constant true
      %reduce_sum3A_966 = vector.broadcast %reduce_sum3A_965 : i1 to vector<16xi1>
      %reduce_sum3A_967 = tpu.scan <sum>, %get3A_953 masked %reduce_sum3A_966 : vector<16xi32>, vector<16xi1> -> vector<16xi32>
      %reduce_sum3A_968 = vector.extract %reduce_sum3A_967[15] : i32 from vector<16xi32>
      %add3A_969 = arith.addi %add3A_951, %reduce_sum3A_968 : i32
      %get3A_970 = arith.constant 192 : index
      %get3A_971 = tpu.vector_load %arg8[%get3A_970] {strides = array<i32>} : memref<256xi32, #tpu.memory_space<vmem>>, vector<16xi32>,
      %broadcast_in_dim3A_972 = arith.constant true
      %broadcast_in_dim3A_973 = vector.broadcast %broadcast_in_dim3A_972 : i1 to vector<16xi1>
      %masked_cumsum3A_974 = tpu.scan <sum>, %get3A_971 masked %broadcast_in_dim3A_973 : vector<16xi32>, vector<16xi1> -> vector<16xi32>
      %add3A_975 = vector.broadcast %add3A_969 : i32 to vector<16xi32>
      %add3A_976 = arith.addi %masked_cumsum3A_974, %add3A_975 : vector<16xi32>
      %lt3A_977 = vector.broadcast %sub3A_707 : i32 to vector<16xi32>
      %lt3A_978 = arith.cmpi slt, %add3A_976, %lt3A_977 : vector<16xi32>
      %select_n3A_979 = arith.select %lt3A_978, %broadcast_in_dim3A_749, %broadcast_in_dim3A_751 : vector<16xi1>, vector<16xi32>
      %add3A_980 = arith.addi %add3A_962, %select_n3A_979 : vector<16xi32>
      %select_n3A_981 = arith.select %lt3A_978, %add3A_976, %broadcast_in_dim3A_751 : vector<16xi1>, vector<16xi32>
      %max3A_982 = arith.maxsi %max3A_964, %select_n3A_981 : vector<16xi32>
      %reduce_sum3A_983 = arith.constant true
      %reduce_sum3A_984 = vector.broadcast %reduce_sum3A_983 : i1 to vector<16xi1>
      %reduce_sum3A_985 = tpu.scan <sum>, %get3A_971 masked %reduce_sum3A_984 : vector<16xi32>, vector<16xi1> -> vector<16xi32>
      %reduce_sum3A_986 = vector.extract %reduce_sum3A_985[15] : i32 from vector<16xi32>
      %add3A_987 = arith.addi %add3A_969, %reduce_sum3A_986 : i32
      %get3A_988 = arith.constant 208 : index
      %get3A_989 = tpu.vector_load %arg8[%get3A_988] {strides = array<i32>} : memref<256xi32, #tpu.memory_space<vmem>>, vector<16xi32>,
      %broadcast_in_dim3A_990 = arith.constant true
      %broadcast_in_dim3A_991 = vector.broadcast %broadcast_in_dim3A_990 : i1 to vector<16xi1>
      %masked_cumsum3A_992 = tpu.scan <sum>, %get3A_989 masked %broadcast_in_dim3A_991 : vector<16xi32>, vector<16xi1> -> vector<16xi32>
      %add3A_993 = vector.broadcast %add3A_987 : i32 to vector<16xi32>
      %add3A_994 = arith.addi %masked_cumsum3A_992, %add3A_993 : vector<16xi32>
      %lt3A_995 = vector.broadcast %sub3A_707 : i32 to vector<16xi32>
      %lt3A_996 = arith.cmpi slt, %add3A_994, %lt3A_995 : vector<16xi32>
      %select_n3A_997 = arith.select %lt3A_996, %broadcast_in_dim3A_749, %broadcast_in_dim3A_751 : vector<16xi1>, vector<16xi32>
      %add3A_998 = arith.addi %add3A_980, %select_n3A_997 : vector<16xi32>
      %select_n3A_999 = arith.select %lt3A_996, %add3A_994, %broadcast_in_dim3A_751 : vector<16xi1>, vector<16xi32>
      %max3A_1000 = arith.maxsi %max3A_982, %select_n3A_999 : vector<16xi32>
      %reduce_sum3A_1001 = arith.constant true
      %reduce_sum3A_1002 = vector.broadcast %reduce_sum3A_1001 : i1 to vector<16xi1>
      %reduce_sum3A_1003 = tpu.scan <sum>, %get3A_989 masked %reduce_sum3A_1002 : vector<16xi32>, vector<16xi1> -> vector<16xi32>
      %reduce_sum3A_1004 = vector.extract %reduce_sum3A_1003[15] : i32 from vector<16xi32>
      %add3A_1005 = arith.addi %add3A_987, %reduce_sum3A_1004 : i32
      %get3A_1006 = arith.constant 224 : index
      %get3A_1007 = tpu.vector_load %arg8[%get3A_1006] {strides = array<i32>} : memref<256xi32, #tpu.memory_space<vmem>>, vector<16xi32>,
      %broadcast_in_dim3A_1008 = arith.constant true
      %broadcast_in_dim3A_1009 = vector.broadcast %broadcast_in_dim3A_1008 : i1 to vector<16xi1>
      %masked_cumsum3A_1010 = tpu.scan <sum>, %get3A_1007 masked %broadcast_in_dim3A_1009 : vector<16xi32>, vector<16xi1> -> vector<16xi32>
      %add3A_1011 = vector.broadcast %add3A_1005 : i32 to vector<16xi32>
      %add3A_1012 = arith.addi %masked_cumsum3A_1010, %add3A_1011 : vector<16xi32>
      %lt3A_1013 = vector.broadcast %sub3A_707 : i32 to vector<16xi32>
      %lt3A_1014 = arith.cmpi slt, %add3A_1012, %lt3A_1013 : vector<16xi32>
      %select_n3A_1015 = arith.select %lt3A_1014, %broadcast_in_dim3A_749, %broadcast_in_dim3A_751 : vector<16xi1>, vector<16xi32>
      %add3A_1016 = arith.addi %add3A_998, %select_n3A_1015 : vector<16xi32>
      %select_n3A_1017 = arith.select %lt3A_1014, %add3A_1012, %broadcast_in_dim3A_751 : vector<16xi1>, vector<16xi32>
      %max3A_1018 = arith.maxsi %max3A_1000, %select_n3A_1017 : vector<16xi32>
      %reduce_sum3A_1019 = arith.constant true
      %reduce_sum3A_1020 = vector.broadcast %reduce_sum3A_1019 : i1 to vector<16xi1>
      %reduce_sum3A_1021 = tpu.scan <sum>, %get3A_1007 masked %reduce_sum3A_1020 : vector<16xi32>, vector<16xi1> -> vector<16xi32>
      %reduce_sum3A_1022 = vector.extract %reduce_sum3A_1021[15] : i32 from vector<16xi32>
      %add3A_1023 = arith.addi %add3A_1005, %reduce_sum3A_1022 : i32
      %get3A_1024 = arith.constant 240 : index
      %get3A_1025 = tpu.vector_load %arg8[%get3A_1024] {strides = array<i32>} : memref<256xi32, #tpu.memory_space<vmem>>, vector<16xi32>,
      %broadcast_in_dim3A_1026 = arith.constant true
      %broadcast_in_dim3A_1027 = vector.broadcast %broadcast_in_dim3A_1026 : i1 to vector<16xi1>
      %masked_cumsum3A_1028 = tpu.scan <sum>, %get3A_1025 masked %broadcast_in_dim3A_1027 : vector<16xi32>, vector<16xi1> -> vector<16xi32>
      %add3A_1029 = vector.broadcast %add3A_1023 : i32 to vector<16xi32>
      %add3A_1030 = arith.addi %masked_cumsum3A_1028, %add3A_1029 : vector<16xi32>
      %lt3A_1031 = vector.broadcast %sub3A_707 : i32 to vector<16xi32>
      %lt3A_1032 = arith.cmpi slt, %add3A_1030, %lt3A_1031 : vector<16xi32>
      %select_n3A_1033 = arith.select %lt3A_1032, %broadcast_in_dim3A_749, %broadcast_in_dim3A_751 : vector<16xi1>, vector<16xi32>
      %add3A_1034 = arith.addi %add3A_1016, %select_n3A_1033 : vector<16xi32>
      %select_n3A_1035 = arith.select %lt3A_1032, %add3A_1030, %broadcast_in_dim3A_751 : vector<16xi1>, vector<16xi32>
      %max3A_1036 = arith.maxsi %max3A_1018, %select_n3A_1035 : vector<16xi32>
      %reduce_sum3A_1037 = arith.constant true
      %reduce_sum3A_1038 = vector.broadcast %reduce_sum3A_1037 : i1 to vector<16xi1>
      %reduce_sum3A_1039 = tpu.scan <sum>, %get3A_1025 masked %reduce_sum3A_1038 : vector<16xi32>, vector<16xi1> -> vector<16xi32>
      %reduce_sum3A_1040 = vector.extract %reduce_sum3A_1039[15] : i32 from vector<16xi32>
      %add3A_1041 = arith.addi %add3A_1023, %reduce_sum3A_1040 : i32
      %reduce_sum3A_1042 = arith.constant true
      %reduce_sum3A_1043 = vector.broadcast %reduce_sum3A_1042 : i1 to vector<16xi1>
      %reduce_sum3A_1044 = tpu.scan <sum>, %add3A_1034 masked %reduce_sum3A_1043 : vector<16xi32>, vector<16xi1> -> vector<16xi32>
      %reduce_sum3A_1045 = vector.extract %reduce_sum3A_1044[15] : i32 from vector<16xi32>
      %reduce_max3A_1046 = arith.constant true
      %reduce_max3A_1047 = vector.broadcast %reduce_max3A_1046 : i1 to vector<16xi1>
      %reduce_max3A_1048 = arith.constant -2147483648 : i32
      %reduce_max3A_1049 = vector.broadcast %reduce_max3A_1048 : i32 to vector<16xi32>
      %reduce_max3A_1050 = arith.xori %max3A_1036, %reduce_max3A_1049 : vector<16xi32>
      %reduce_max3A_1051 = tpu.scan <max>, %reduce_max3A_1050 masked %reduce_max3A_1047 : vector<16xi32>, vector<16xi1> -> vector<16xi32>
      %reduce_max3A_1052 = arith.xori %reduce_max3A_1051, %reduce_max3A_1049 : vector<16xi32>
      %reduce_max3A_1053 = vector.extract %reduce_max3A_1052[15] : i32 from vector<16xi32>
      %sub3A_1054 = arith.subi %sub3A_707, %reduce_max3A_1053 : i32
      %shift_left3A_1055 = arith.constant 8 : i32
      %shift_left3A_1056 = arith.shli %or3A_710, %shift_left3A_1055 : i32
      %or3A_1057 = arith.ori %shift_left3A_1056, %reduce_sum3A_1045 : i32
      %swap3A_1058 = arith.constant 0 : index
      %swap3A_1059 = tpu.vector_load %arg8[%swap3A_1058] {strides = array<i32>} : memref<256xi32, #tpu.memory_space<vmem>>, vector<16xi32>,
      tpu.vector_store %arg8[%swap3A_1058], %broadcast_in_dim3A_10 {strides = array<i32>} : memref<256xi32, #tpu.memory_space<vmem>>, vector<16xi32>,
      %swap3A_1060 = arith.constant 16 : index
      %swap3A_1061 = tpu.vector_load %arg8[%swap3A_1060] {strides = array<i32>} : memref<256xi32, #tpu.memory_space<vmem>>, vector<16xi32>,
      tpu.vector_store %arg8[%swap3A_1060], %broadcast_in_dim3A_10 {strides = array<i32>} : memref<256xi32, #tpu.memory_space<vmem>>, vector<16xi32>,
      %swap3A_1062 = arith.constant 32 : index
      %swap3A_1063 = tpu.vector_load %arg8[%swap3A_1062] {strides = array<i32>} : memref<256xi32, #tpu.memory_space<vmem>>, vector<16xi32>,
      tpu.vector_store %arg8[%swap3A_1062], %broadcast_in_dim3A_10 {strides = array<i32>} : memref<256xi32, #tpu.memory_space<vmem>>, vector<16xi32>,
      %swap3A_1064 = arith.constant 48 : index
      %swap3A_1065 = tpu.vector_load %arg8[%swap3A_1064] {strides = array<i32>} : memref<256xi32, #tpu.memory_space<vmem>>, vector<16xi32>,
      tpu.vector_store %arg8[%swap3A_1064], %broadcast_in_dim3A_10 {strides = array<i32>} : memref<256xi32, #tpu.memory_space<vmem>>, vector<16xi32>,
      %swap3A_1066 = arith.constant 64 : index
      %swap3A_1067 = tpu.vector_load %arg8[%swap3A_1066] {strides = array<i32>} : memref<256xi32, #tpu.memory_space<vmem>>, vector<16xi32>,
      tpu.vector_store %arg8[%swap3A_1066], %broadcast_in_dim3A_10 {strides = array<i32>} : memref<256xi32, #tpu.memory_space<vmem>>, vector<16xi32>,
      %swap3A_1068 = arith.constant 80 : index
      %swap3A_1069 = tpu.vector_load %arg8[%swap3A_1068] {strides = array<i32>} : memref<256xi32, #tpu.memory_space<vmem>>, vector<16xi32>,
      tpu.vector_store %arg8[%swap3A_1068], %broadcast_in_dim3A_10 {strides = array<i32>} : memref<256xi32, #tpu.memory_space<vmem>>, vector<16xi32>,
      %swap3A_1070 = arith.constant 96 : index
      %swap3A_1071 = tpu.vector_load %arg8[%swap3A_1070] {strides = array<i32>} : memref<256xi32, #tpu.memory_space<vmem>>, vector<16xi32>,
      tpu.vector_store %arg8[%swap3A_1070], %broadcast_in_dim3A_10 {strides = array<i32>} : memref<256xi32, #tpu.memory_space<vmem>>, vector<16xi32>,
      %swap3A_1072 = arith.constant 112 : index
      %swap3A_1073 = tpu.vector_load %arg8[%swap3A_1072] {strides = array<i32>} : memref<256xi32, #tpu.memory_space<vmem>>, vector<16xi32>,
      tpu.vector_store %arg8[%swap3A_1072], %broadcast_in_dim3A_10 {strides = array<i32>} : memref<256xi32, #tpu.memory_space<vmem>>, vector<16xi32>,
      %swap3A_1074 = arith.constant 128 : index
      %swap3A_1075 = tpu.vector_load %arg8[%swap3A_1074] {strides = array<i32>} : memref<256xi32, #tpu.memory_space<vmem>>, vector<16xi32>,
      tpu.vector_store %arg8[%swap3A_1074], %broadcast_in_dim3A_10 {strides = array<i32>} : memref<256xi32, #tpu.memory_space<vmem>>, vector<16xi32>,
      %swap3A_1076 = arith.constant 144 : index
      %swap3A_1077 = tpu.vector_load %arg8[%swap3A_1076] {strides = array<i32>} : memref<256xi32, #tpu.memory_space<vmem>>, vector<16xi32>,
      tpu.vector_store %arg8[%swap3A_1076], %broadcast_in_dim3A_10 {strides = array<i32>} : memref<256xi32, #tpu.memory_space<vmem>>, vector<16xi32>,
      %swap3A_1078 = arith.constant 160 : index
      %swap3A_1079 = tpu.vector_load %arg8[%swap3A_1078] {strides = array<i32>} : memref<256xi32, #tpu.memory_space<vmem>>, vector<16xi32>,
      tpu.vector_store %arg8[%swap3A_1078], %broadcast_in_dim3A_10 {strides = array<i32>} : memref<256xi32, #tpu.memory_space<vmem>>, vector<16xi32>,
      %swap3A_1080 = arith.constant 176 : index
      %swap3A_1081 = tpu.vector_load %arg8[%swap3A_1080] {strides = array<i32>} : memref<256xi32, #tpu.memory_space<vmem>>, vector<16xi32>,
      tpu.vector_store %arg8[%swap3A_1080], %broadcast_in_dim3A_10 {strides = array<i32>} : memref<256xi32, #tpu.memory_space<vmem>>, vector<16xi32>,
      %swap3A_1082 = arith.constant 192 : index
      %swap3A_1083 = tpu.vector_load %arg8[%swap3A_1082] {strides = array<i32>} : memref<256xi32, #tpu.memory_space<vmem>>, vector<16xi32>,
      tpu.vector_store %arg8[%swap3A_1082], %broadcast_in_dim3A_10 {strides = array<i32>} : memref<256xi32, #tpu.memory_space<vmem>>, vector<16xi32>,
      %swap3A_1084 = arith.constant 208 : index
      %swap3A_1085 = tpu.vector_load %arg8[%swap3A_1084] {strides = array<i32>} : memref<256xi32, #tpu.memory_space<vmem>>, vector<16xi32>,
      tpu.vector_store %arg8[%swap3A_1084], %broadcast_in_dim3A_10 {strides = array<i32>} : memref<256xi32, #tpu.memory_space<vmem>>, vector<16xi32>,
      %swap3A_1086 = arith.constant 224 : index
      %swap3A_1087 = tpu.vector_load %arg8[%swap3A_1086] {strides = array<i32>} : memref<256xi32, #tpu.memory_space<vmem>>, vector<16xi32>,
      tpu.vector_store %arg8[%swap3A_1086], %broadcast_in_dim3A_10 {strides = array<i32>} : memref<256xi32, #tpu.memory_space<vmem>>, vector<16xi32>,
      %swap3A_1088 = arith.constant 240 : index
      %swap3A_1089 = tpu.vector_load %arg8[%swap3A_1088] {strides = array<i32>} : memref<256xi32, #tpu.memory_space<vmem>>, vector<16xi32>,
      tpu.vector_store %arg8[%swap3A_1088], %broadcast_in_dim3A_10 {strides = array<i32>} : memref<256xi32, #tpu.memory_space<vmem>>, vector<16xi32>,
      %scan3A_1090 = arith.constant 0 : i32
      %scan3A_1091 = arith.constant 224 : i32
      %scan3A_1092 = arith.addi %scan3A_1090, %scan3A_1091 : i32
      %scan3A_1093 = arith.constant 1 : i32
      scf.for %scan3A_1639 = %scan3A_1090 to %scan3A_1092 step %scan3A_1093  : i32 {
        %mul3A_1640 = arith.constant 16 : i32
        %mul3A_1641 = arith.muli %scan3A_1639, %mul3A_1640 : i32
        %add3A_1642 = arith.constant 0 : i32
        %add3A_1643 = arith.addi %add3A_1642, %mul3A_1641 : i32
        %get3A_1644 = arith.index_cast %add3A_1643 : i32 to index
        %get3A_1645 = tpu.vector_load %arg7[%get3A_1644] {strides = array<i32>} : memref<3584xi32, #tpu.memory_space<vmem>>, vector<16xi32>,
        %shift_right_logical3A = arith.constant 0 : i32
        %shift_right_logical3A_1646 = vector.broadcast %shift_right_logical3A : i32 to vector<16xi32>
        %shift_right_logical3A_1647 = arith.shrui %get3A_1645, %shift_right_logical3A_1646 : vector<16xi32>
        %and3A_1648 = arith.constant 255 : i32
        %and3A_1649 = vector.broadcast %and3A_1648 : i32 to vector<16xi32>
        %and3A_1650 = arith.andi %shift_right_logical3A_1647, %and3A_1649 : vector<16xi32>
        %shift_right_logical3A_1651 = arith.constant 8 : i32
        %shift_right_logical3A_1652 = vector.broadcast %shift_right_logical3A_1651 : i32 to vector<16xi32>
        %shift_right_logical3A_1653 = arith.shrui %get3A_1645, %shift_right_logical3A_1652 : vector<16xi32>
        %eq3A_1654 = vector.broadcast %or3A_1057 : i32 to vector<16xi32>
        %eq3A_1655 = arith.cmpi eq, %shift_right_logical3A_1653, %eq3A_1654 : vector<16xi32>
        tpu.vector_store_idx %arg8[%and3A_1650], %broadcast_in_dim3A_8 masked %eq3A_1655 {add = true} : memref<256xi32, #tpu.memory_space<vmem>>[vector<16xi32>], vector<16xi32>, vector<16xi1>
      }
      %scan3A_1094 = arith.constant 224 : i32
      %broadcast_in_dim3A_1095 = arith.constant 1 : i32
      %broadcast_in_dim3A_1096 = vector.broadcast %broadcast_in_dim3A_1095 : i32 to vector<16xi32>
      %broadcast_in_dim3A_1097 = arith.constant 0 : i32
      %broadcast_in_dim3A_1098 = vector.broadcast %broadcast_in_dim3A_1097 : i32 to vector<16xi32>
      %get3A_1099 = arith.constant 0 : index
      %get3A_1100 = tpu.vector_load %arg8[%get3A_1099] {strides = array<i32>} : memref<256xi32, #tpu.memory_space<vmem>>, vector<16xi32>,
      %broadcast_in_dim3A_1101 = arith.constant true
      %broadcast_in_dim3A_1102 = vector.broadcast %broadcast_in_dim3A_1101 : i1 to vector<16xi1>
      %masked_cumsum3A_1103 = tpu.scan <sum>, %get3A_1100 masked %broadcast_in_dim3A_1102 : vector<16xi32>, vector<16xi1> -> vector<16xi32>
      %add3A_1104 = arith.constant 0 : i32
      %add3A_1105 = vector.broadcast %add3A_1104 : i32 to vector<16xi32>
      %add3A_1106 = arith.addi %masked_cumsum3A_1103, %add3A_1105 : vector<16xi32>
      %lt3A_1107 = vector.broadcast %sub3A_1054 : i32 to vector<16xi32>
      %lt3A_1108 = arith.cmpi slt, %add3A_1106, %lt3A_1107 : vector<16xi32>
      %select_n3A_1109 = arith.select %lt3A_1108, %broadcast_in_dim3A_1096, %broadcast_in_dim3A_1098 : vector<16xi1>, vector<16xi32>
      %add3A_1110 = arith.addi %broadcast_in_dim3A_1098, %select_n3A_1109 : vector<16xi32>
      %select_n3A_1111 = arith.select %lt3A_1108, %add3A_1106, %broadcast_in_dim3A_1098 : vector<16xi1>, vector<16xi32>
      %max3A_1112 = arith.maxsi %broadcast_in_dim3A_1098, %select_n3A_1111 : vector<16xi32>
      %reduce_sum3A_1113 = arith.constant true
      %reduce_sum3A_1114 = vector.broadcast %reduce_sum3A_1113 : i1 to vector<16xi1>
      %reduce_sum3A_1115 = tpu.scan <sum>, %get3A_1100 masked %reduce_sum3A_1114 : vector<16xi32>, vector<16xi1> -> vector<16xi32>
      %reduce_sum3A_1116 = vector.extract %reduce_sum3A_1115[15] : i32 from vector<16xi32>
      %add3A_1117 = arith.constant 0 : i32
      %add3A_1118 = arith.addi %add3A_1117, %reduce_sum3A_1116 : i32
      %get3A_1119 = arith.constant 16 : index
      %get3A_1120 = tpu.vector_load %arg8[%get3A_1119] {strides = array<i32>} : memref<256xi32, #tpu.memory_space<vmem>>, vector<16xi32>,
      %broadcast_in_dim3A_1121 = arith.constant true
      %broadcast_in_dim3A_1122 = vector.broadcast %broadcast_in_dim3A_1121 : i1 to vector<16xi1>
      %masked_cumsum3A_1123 = tpu.scan <sum>, %get3A_1120 masked %broadcast_in_dim3A_1122 : vector<16xi32>, vector<16xi1> -> vector<16xi32>
      %add3A_1124 = vector.broadcast %add3A_1118 : i32 to vector<16xi32>
      %add3A_1125 = arith.addi %masked_cumsum3A_1123, %add3A_1124 : vector<16xi32>
      %lt3A_1126 = vector.broadcast %sub3A_1054 : i32 to vector<16xi32>
      %lt3A_1127 = arith.cmpi slt, %add3A_1125, %lt3A_1126 : vector<16xi32>
      %select_n3A_1128 = arith.select %lt3A_1127, %broadcast_in_dim3A_1096, %broadcast_in_dim3A_1098 : vector<16xi1>, vector<16xi32>
      %add3A_1129 = arith.addi %add3A_1110, %select_n3A_1128 : vector<16xi32>
      %select_n3A_1130 = arith.select %lt3A_1127, %add3A_1125, %broadcast_in_dim3A_1098 : vector<16xi1>, vector<16xi32>
      %max3A_1131 = arith.maxsi %max3A_1112, %select_n3A_1130 : vector<16xi32>
      %reduce_sum3A_1132 = arith.constant true
      %reduce_sum3A_1133 = vector.broadcast %reduce_sum3A_1132 : i1 to vector<16xi1>
      %reduce_sum3A_1134 = tpu.scan <sum>, %get3A_1120 masked %reduce_sum3A_1133 : vector<16xi32>, vector<16xi1> -> vector<16xi32>
      %reduce_sum3A_1135 = vector.extract %reduce_sum3A_1134[15] : i32 from vector<16xi32>
      %add3A_1136 = arith.addi %add3A_1118, %reduce_sum3A_1135 : i32
      %get3A_1137 = arith.constant 32 : index
      %get3A_1138 = tpu.vector_load %arg8[%get3A_1137] {strides = array<i32>} : memref<256xi32, #tpu.memory_space<vmem>>, vector<16xi32>,
      %broadcast_in_dim3A_1139 = arith.constant true
      %broadcast_in_dim3A_1140 = vector.broadcast %broadcast_in_dim3A_1139 : i1 to vector<16xi1>
      %masked_cumsum3A_1141 = tpu.scan <sum>, %get3A_1138 masked %broadcast_in_dim3A_1140 : vector<16xi32>, vector<16xi1> -> vector<16xi32>
      %add3A_1142 = vector.broadcast %add3A_1136 : i32 to vector<16xi32>
      %add3A_1143 = arith.addi %masked_cumsum3A_1141, %add3A_1142 : vector<16xi32>
      %lt3A_1144 = vector.broadcast %sub3A_1054 : i32 to vector<16xi32>
      %lt3A_1145 = arith.cmpi slt, %add3A_1143, %lt3A_1144 : vector<16xi32>
      %select_n3A_1146 = arith.select %lt3A_1145, %broadcast_in_dim3A_1096, %broadcast_in_dim3A_1098 : vector<16xi1>, vector<16xi32>
      %add3A_1147 = arith.addi %add3A_1129, %select_n3A_1146 : vector<16xi32>
      %select_n3A_1148 = arith.select %lt3A_1145, %add3A_1143, %broadcast_in_dim3A_1098 : vector<16xi1>, vector<16xi32>
      %max3A_1149 = arith.maxsi %max3A_1131, %select_n3A_1148 : vector<16xi32>
      %reduce_sum3A_1150 = arith.constant true
      %reduce_sum3A_1151 = vector.broadcast %reduce_sum3A_1150 : i1 to vector<16xi1>
      %reduce_sum3A_1152 = tpu.scan <sum>, %get3A_1138 masked %reduce_sum3A_1151 : vector<16xi32>, vector<16xi1> -> vector<16xi32>
      %reduce_sum3A_1153 = vector.extract %reduce_sum3A_1152[15] : i32 from vector<16xi32>
      %add3A_1154 = arith.addi %add3A_1136, %reduce_sum3A_1153 : i32
      %get3A_1155 = arith.constant 48 : index
      %get3A_1156 = tpu.vector_load %arg8[%get3A_1155] {strides = array<i32>} : memref<256xi32, #tpu.memory_space<vmem>>, vector<16xi32>,
      %broadcast_in_dim3A_1157 = arith.constant true
      %broadcast_in_dim3A_1158 = vector.broadcast %broadcast_in_dim3A_1157 : i1 to vector<16xi1>
      %masked_cumsum3A_1159 = tpu.scan <sum>, %get3A_1156 masked %broadcast_in_dim3A_1158 : vector<16xi32>, vector<16xi1> -> vector<16xi32>
      %add3A_1160 = vector.broadcast %add3A_1154 : i32 to vector<16xi32>
      %add3A_1161 = arith.addi %masked_cumsum3A_1159, %add3A_1160 : vector<16xi32>
      %lt3A_1162 = vector.broadcast %sub3A_1054 : i32 to vector<16xi32>
      %lt3A_1163 = arith.cmpi slt, %add3A_1161, %lt3A_1162 : vector<16xi32>
      %select_n3A_1164 = arith.select %lt3A_1163, %broadcast_in_dim3A_1096, %broadcast_in_dim3A_1098 : vector<16xi1>, vector<16xi32>
      %add3A_1165 = arith.addi %add3A_1147, %select_n3A_1164 : vector<16xi32>
      %select_n3A_1166 = arith.select %lt3A_1163, %add3A_1161, %broadcast_in_dim3A_1098 : vector<16xi1>, vector<16xi32>
      %max3A_1167 = arith.maxsi %max3A_1149, %select_n3A_1166 : vector<16xi32>
      %reduce_sum3A_1168 = arith.constant true
      %reduce_sum3A_1169 = vector.broadcast %reduce_sum3A_1168 : i1 to vector<16xi1>
      %reduce_sum3A_1170 = tpu.scan <sum>, %get3A_1156 masked %reduce_sum3A_1169 : vector<16xi32>, vector<16xi1> -> vector<16xi32>
      %reduce_sum3A_1171 = vector.extract %reduce_sum3A_1170[15] : i32 from vector<16xi32>
      %add3A_1172 = arith.addi %add3A_1154, %reduce_sum3A_1171 : i32
      %get3A_1173 = arith.constant 64 : index
      %get3A_1174 = tpu.vector_load %arg8[%get3A_1173] {strides = array<i32>} : memref<256xi32, #tpu.memory_space<vmem>>, vector<16xi32>,
      %broadcast_in_dim3A_1175 = arith.constant true
      %broadcast_in_dim3A_1176 = vector.broadcast %broadcast_in_dim3A_1175 : i1 to vector<16xi1>
      %masked_cumsum3A_1177 = tpu.scan <sum>, %get3A_1174 masked %broadcast_in_dim3A_1176 : vector<16xi32>, vector<16xi1> -> vector<16xi32>
      %add3A_1178 = vector.broadcast %add3A_1172 : i32 to vector<16xi32>
      %add3A_1179 = arith.addi %masked_cumsum3A_1177, %add3A_1178 : vector<16xi32>
      %lt3A_1180 = vector.broadcast %sub3A_1054 : i32 to vector<16xi32>
      %lt3A_1181 = arith.cmpi slt, %add3A_1179, %lt3A_1180 : vector<16xi32>
      %select_n3A_1182 = arith.select %lt3A_1181, %broadcast_in_dim3A_1096, %broadcast_in_dim3A_1098 : vector<16xi1>, vector<16xi32>
      %add3A_1183 = arith.addi %add3A_1165, %select_n3A_1182 : vector<16xi32>
      %select_n3A_1184 = arith.select %lt3A_1181, %add3A_1179, %broadcast_in_dim3A_1098 : vector<16xi1>, vector<16xi32>
      %max3A_1185 = arith.maxsi %max3A_1167, %select_n3A_1184 : vector<16xi32>
      %reduce_sum3A_1186 = arith.constant true
      %reduce_sum3A_1187 = vector.broadcast %reduce_sum3A_1186 : i1 to vector<16xi1>
      %reduce_sum3A_1188 = tpu.scan <sum>, %get3A_1174 masked %reduce_sum3A_1187 : vector<16xi32>, vector<16xi1> -> vector<16xi32>
      %reduce_sum3A_1189 = vector.extract %reduce_sum3A_1188[15] : i32 from vector<16xi32>
      %add3A_1190 = arith.addi %add3A_1172, %reduce_sum3A_1189 : i32
      %get3A_1191 = arith.constant 80 : index
      %get3A_1192 = tpu.vector_load %arg8[%get3A_1191] {strides = array<i32>} : memref<256xi32, #tpu.memory_space<vmem>>, vector<16xi32>,
      %broadcast_in_dim3A_1193 = arith.constant true
      %broadcast_in_dim3A_1194 = vector.broadcast %broadcast_in_dim3A_1193 : i1 to vector<16xi1>
      %masked_cumsum3A_1195 = tpu.scan <sum>, %get3A_1192 masked %broadcast_in_dim3A_1194 : vector<16xi32>, vector<16xi1> -> vector<16xi32>
      %add3A_1196 = vector.broadcast %add3A_1190 : i32 to vector<16xi32>
      %add3A_1197 = arith.addi %masked_cumsum3A_1195, %add3A_1196 : vector<16xi32>
      %lt3A_1198 = vector.broadcast %sub3A_1054 : i32 to vector<16xi32>
      %lt3A_1199 = arith.cmpi slt, %add3A_1197, %lt3A_1198 : vector<16xi32>
      %select_n3A_1200 = arith.select %lt3A_1199, %broadcast_in_dim3A_1096, %broadcast_in_dim3A_1098 : vector<16xi1>, vector<16xi32>
      %add3A_1201 = arith.addi %add3A_1183, %select_n3A_1200 : vector<16xi32>
      %select_n3A_1202 = arith.select %lt3A_1199, %add3A_1197, %broadcast_in_dim3A_1098 : vector<16xi1>, vector<16xi32>
      %max3A_1203 = arith.maxsi %max3A_1185, %select_n3A_1202 : vector<16xi32>
      %reduce_sum3A_1204 = arith.constant true
      %reduce_sum3A_1205 = vector.broadcast %reduce_sum3A_1204 : i1 to vector<16xi1>
      %reduce_sum3A_1206 = tpu.scan <sum>, %get3A_1192 masked %reduce_sum3A_1205 : vector<16xi32>, vector<16xi1> -> vector<16xi32>
      %reduce_sum3A_1207 = vector.extract %reduce_sum3A_1206[15] : i32 from vector<16xi32>
      %add3A_1208 = arith.addi %add3A_1190, %reduce_sum3A_1207 : i32
      %get3A_1209 = arith.constant 96 : index
      %get3A_1210 = tpu.vector_load %arg8[%get3A_1209] {strides = array<i32>} : memref<256xi32, #tpu.memory_space<vmem>>, vector<16xi32>,
      %broadcast_in_dim3A_1211 = arith.constant true
      %broadcast_in_dim3A_1212 = vector.broadcast %broadcast_in_dim3A_1211 : i1 to vector<16xi1>
      %masked_cumsum3A_1213 = tpu.scan <sum>, %get3A_1210 masked %broadcast_in_dim3A_1212 : vector<16xi32>, vector<16xi1> -> vector<16xi32>
      %add3A_1214 = vector.broadcast %add3A_1208 : i32 to vector<16xi32>
      %add3A_1215 = arith.addi %masked_cumsum3A_1213, %add3A_1214 : vector<16xi32>
      %lt3A_1216 = vector.broadcast %sub3A_1054 : i32 to vector<16xi32>
      %lt3A_1217 = arith.cmpi slt, %add3A_1215, %lt3A_1216 : vector<16xi32>
      %select_n3A_1218 = arith.select %lt3A_1217, %broadcast_in_dim3A_1096, %broadcast_in_dim3A_1098 : vector<16xi1>, vector<16xi32>
      %add3A_1219 = arith.addi %add3A_1201, %select_n3A_1218 : vector<16xi32>
      %select_n3A_1220 = arith.select %lt3A_1217, %add3A_1215, %broadcast_in_dim3A_1098 : vector<16xi1>, vector<16xi32>
      %max3A_1221 = arith.maxsi %max3A_1203, %select_n3A_1220 : vector<16xi32>
      %reduce_sum3A_1222 = arith.constant true
      %reduce_sum3A_1223 = vector.broadcast %reduce_sum3A_1222 : i1 to vector<16xi1>
      %reduce_sum3A_1224 = tpu.scan <sum>, %get3A_1210 masked %reduce_sum3A_1223 : vector<16xi32>, vector<16xi1> -> vector<16xi32>
      %reduce_sum3A_1225 = vector.extract %reduce_sum3A_1224[15] : i32 from vector<16xi32>
      %add3A_1226 = arith.addi %add3A_1208, %reduce_sum3A_1225 : i32
      %get3A_1227 = arith.constant 112 : index
      %get3A_1228 = tpu.vector_load %arg8[%get3A_1227] {strides = array<i32>} : memref<256xi32, #tpu.memory_space<vmem>>, vector<16xi32>,
      %broadcast_in_dim3A_1229 = arith.constant true
      %broadcast_in_dim3A_1230 = vector.broadcast %broadcast_in_dim3A_1229 : i1 to vector<16xi1>
      %masked_cumsum3A_1231 = tpu.scan <sum>, %get3A_1228 masked %broadcast_in_dim3A_1230 : vector<16xi32>, vector<16xi1> -> vector<16xi32>
      %add3A_1232 = vector.broadcast %add3A_1226 : i32 to vector<16xi32>
      %add3A_1233 = arith.addi %masked_cumsum3A_1231, %add3A_1232 : vector<16xi32>
      %lt3A_1234 = vector.broadcast %sub3A_1054 : i32 to vector<16xi32>
      %lt3A_1235 = arith.cmpi slt, %add3A_1233, %lt3A_1234 : vector<16xi32>
      %select_n3A_1236 = arith.select %lt3A_1235, %broadcast_in_dim3A_1096, %broadcast_in_dim3A_1098 : vector<16xi1>, vector<16xi32>
      %add3A_1237 = arith.addi %add3A_1219, %select_n3A_1236 : vector<16xi32>
      %select_n3A_1238 = arith.select %lt3A_1235, %add3A_1233, %broadcast_in_dim3A_1098 : vector<16xi1>, vector<16xi32>
      %max3A_1239 = arith.maxsi %max3A_1221, %select_n3A_1238 : vector<16xi32>
      %reduce_sum3A_1240 = arith.constant true
      %reduce_sum3A_1241 = vector.broadcast %reduce_sum3A_1240 : i1 to vector<16xi1>
      %reduce_sum3A_1242 = tpu.scan <sum>, %get3A_1228 masked %reduce_sum3A_1241 : vector<16xi32>, vector<16xi1> -> vector<16xi32>
      %reduce_sum3A_1243 = vector.extract %reduce_sum3A_1242[15] : i32 from vector<16xi32>
      %add3A_1244 = arith.addi %add3A_1226, %reduce_sum3A_1243 : i32
      %get3A_1245 = arith.constant 128 : index
      %get3A_1246 = tpu.vector_load %arg8[%get3A_1245] {strides = array<i32>} : memref<256xi32, #tpu.memory_space<vmem>>, vector<16xi32>,
      %broadcast_in_dim3A_1247 = arith.constant true
      %broadcast_in_dim3A_1248 = vector.broadcast %broadcast_in_dim3A_1247 : i1 to vector<16xi1>
      %masked_cumsum3A_1249 = tpu.scan <sum>, %get3A_1246 masked %broadcast_in_dim3A_1248 : vector<16xi32>, vector<16xi1> -> vector<16xi32>
      %add3A_1250 = vector.broadcast %add3A_1244 : i32 to vector<16xi32>
      %add3A_1251 = arith.addi %masked_cumsum3A_1249, %add3A_1250 : vector<16xi32>
      %lt3A_1252 = vector.broadcast %sub3A_1054 : i32 to vector<16xi32>
      %lt3A_1253 = arith.cmpi slt, %add3A_1251, %lt3A_1252 : vector<16xi32>
      %select_n3A_1254 = arith.select %lt3A_1253, %broadcast_in_dim3A_1096, %broadcast_in_dim3A_1098 : vector<16xi1>, vector<16xi32>
      %add3A_1255 = arith.addi %add3A_1237, %select_n3A_1254 : vector<16xi32>
      %select_n3A_1256 = arith.select %lt3A_1253, %add3A_1251, %broadcast_in_dim3A_1098 : vector<16xi1>, vector<16xi32>
      %max3A_1257 = arith.maxsi %max3A_1239, %select_n3A_1256 : vector<16xi32>
      %reduce_sum3A_1258 = arith.constant true
      %reduce_sum3A_1259 = vector.broadcast %reduce_sum3A_1258 : i1 to vector<16xi1>
      %reduce_sum3A_1260 = tpu.scan <sum>, %get3A_1246 masked %reduce_sum3A_1259 : vector<16xi32>, vector<16xi1> -> vector<16xi32>
      %reduce_sum3A_1261 = vector.extract %reduce_sum3A_1260[15] : i32 from vector<16xi32>
      %add3A_1262 = arith.addi %add3A_1244, %reduce_sum3A_1261 : i32
      %get3A_1263 = arith.constant 144 : index
      %get3A_1264 = tpu.vector_load %arg8[%get3A_1263] {strides = array<i32>} : memref<256xi32, #tpu.memory_space<vmem>>, vector<16xi32>,
      %broadcast_in_dim3A_1265 = arith.constant true
      %broadcast_in_dim3A_1266 = vector.broadcast %broadcast_in_dim3A_1265 : i1 to vector<16xi1>
      %masked_cumsum3A_1267 = tpu.scan <sum>, %get3A_1264 masked %broadcast_in_dim3A_1266 : vector<16xi32>, vector<16xi1> -> vector<16xi32>
      %add3A_1268 = vector.broadcast %add3A_1262 : i32 to vector<16xi32>
      %add3A_1269 = arith.addi %masked_cumsum3A_1267, %add3A_1268 : vector<16xi32>
      %lt3A_1270 = vector.broadcast %sub3A_1054 : i32 to vector<16xi32>
      %lt3A_1271 = arith.cmpi slt, %add3A_1269, %lt3A_1270 : vector<16xi32>
      %select_n3A_1272 = arith.select %lt3A_1271, %broadcast_in_dim3A_1096, %broadcast_in_dim3A_1098 : vector<16xi1>, vector<16xi32>
      %add3A_1273 = arith.addi %add3A_1255, %select_n3A_1272 : vector<16xi32>
      %select_n3A_1274 = arith.select %lt3A_1271, %add3A_1269, %broadcast_in_dim3A_1098 : vector<16xi1>, vector<16xi32>
      %max3A_1275 = arith.maxsi %max3A_1257, %select_n3A_1274 : vector<16xi32>
      %reduce_sum3A_1276 = arith.constant true
      %reduce_sum3A_1277 = vector.broadcast %reduce_sum3A_1276 : i1 to vector<16xi1>
      %reduce_sum3A_1278 = tpu.scan <sum>, %get3A_1264 masked %reduce_sum3A_1277 : vector<16xi32>, vector<16xi1> -> vector<16xi32>
      %reduce_sum3A_1279 = vector.extract %reduce_sum3A_1278[15] : i32 from vector<16xi32>
      %add3A_1280 = arith.addi %add3A_1262, %reduce_sum3A_1279 : i32
      %get3A_1281 = arith.constant 160 : index
      %get3A_1282 = tpu.vector_load %arg8[%get3A_1281] {strides = array<i32>} : memref<256xi32, #tpu.memory_space<vmem>>, vector<16xi32>,
      %broadcast_in_dim3A_1283 = arith.constant true
      %broadcast_in_dim3A_1284 = vector.broadcast %broadcast_in_dim3A_1283 : i1 to vector<16xi1>
      %masked_cumsum3A_1285 = tpu.scan <sum>, %get3A_1282 masked %broadcast_in_dim3A_1284 : vector<16xi32>, vector<16xi1> -> vector<16xi32>
      %add3A_1286 = vector.broadcast %add3A_1280 : i32 to vector<16xi32>
      %add3A_1287 = arith.addi %masked_cumsum3A_1285, %add3A_1286 : vector<16xi32>
      %lt3A_1288 = vector.broadcast %sub3A_1054 : i32 to vector<16xi32>
      %lt3A_1289 = arith.cmpi slt, %add3A_1287, %lt3A_1288 : vector<16xi32>
      %select_n3A_1290 = arith.select %lt3A_1289, %broadcast_in_dim3A_1096, %broadcast_in_dim3A_1098 : vector<16xi1>, vector<16xi32>
      %add3A_1291 = arith.addi %add3A_1273, %select_n3A_1290 : vector<16xi32>
      %select_n3A_1292 = arith.select %lt3A_1289, %add3A_1287, %broadcast_in_dim3A_1098 : vector<16xi1>, vector<16xi32>
      %max3A_1293 = arith.maxsi %max3A_1275, %select_n3A_1292 : vector<16xi32>
      %reduce_sum3A_1294 = arith.constant true
      %reduce_sum3A_1295 = vector.broadcast %reduce_sum3A_1294 : i1 to vector<16xi1>
      %reduce_sum3A_1296 = tpu.scan <sum>, %get3A_1282 masked %reduce_sum3A_1295 : vector<16xi32>, vector<16xi1> -> vector<16xi32>
      %reduce_sum3A_1297 = vector.extract %reduce_sum3A_1296[15] : i32 from vector<16xi32>
      %add3A_1298 = arith.addi %add3A_1280, %reduce_sum3A_1297 : i32
      %get3A_1299 = arith.constant 176 : index
      %get3A_1300 = tpu.vector_load %arg8[%get3A_1299] {strides = array<i32>} : memref<256xi32, #tpu.memory_space<vmem>>, vector<16xi32>,
      %broadcast_in_dim3A_1301 = arith.constant true
      %broadcast_in_dim3A_1302 = vector.broadcast %broadcast_in_dim3A_1301 : i1 to vector<16xi1>
      %masked_cumsum3A_1303 = tpu.scan <sum>, %get3A_1300 masked %broadcast_in_dim3A_1302 : vector<16xi32>, vector<16xi1> -> vector<16xi32>
      %add3A_1304 = vector.broadcast %add3A_1298 : i32 to vector<16xi32>
      %add3A_1305 = arith.addi %masked_cumsum3A_1303, %add3A_1304 : vector<16xi32>
      %lt3A_1306 = vector.broadcast %sub3A_1054 : i32 to vector<16xi32>
      %lt3A_1307 = arith.cmpi slt, %add3A_1305, %lt3A_1306 : vector<16xi32>
      %select_n3A_1308 = arith.select %lt3A_1307, %broadcast_in_dim3A_1096, %broadcast_in_dim3A_1098 : vector<16xi1>, vector<16xi32>
      %add3A_1309 = arith.addi %add3A_1291, %select_n3A_1308 : vector<16xi32>
      %select_n3A_1310 = arith.select %lt3A_1307, %add3A_1305, %broadcast_in_dim3A_1098 : vector<16xi1>, vector<16xi32>
      %max3A_1311 = arith.maxsi %max3A_1293, %select_n3A_1310 : vector<16xi32>
      %reduce_sum3A_1312 = arith.constant true
      %reduce_sum3A_1313 = vector.broadcast %reduce_sum3A_1312 : i1 to vector<16xi1>
      %reduce_sum3A_1314 = tpu.scan <sum>, %get3A_1300 masked %reduce_sum3A_1313 : vector<16xi32>, vector<16xi1> -> vector<16xi32>
      %reduce_sum3A_1315 = vector.extract %reduce_sum3A_1314[15] : i32 from vector<16xi32>
      %add3A_1316 = arith.addi %add3A_1298, %reduce_sum3A_1315 : i32
      %get3A_1317 = arith.constant 192 : index
      %get3A_1318 = tpu.vector_load %arg8[%get3A_1317] {strides = array<i32>} : memref<256xi32, #tpu.memory_space<vmem>>, vector<16xi32>,
      %broadcast_in_dim3A_1319 = arith.constant true
      %broadcast_in_dim3A_1320 = vector.broadcast %broadcast_in_dim3A_1319 : i1 to vector<16xi1>
      %masked_cumsum3A_1321 = tpu.scan <sum>, %get3A_1318 masked %broadcast_in_dim3A_1320 : vector<16xi32>, vector<16xi1> -> vector<16xi32>
      %add3A_1322 = vector.broadcast %add3A_1316 : i32 to vector<16xi32>
      %add3A_1323 = arith.addi %masked_cumsum3A_1321, %add3A_1322 : vector<16xi32>
      %lt3A_1324 = vector.broadcast %sub3A_1054 : i32 to vector<16xi32>
      %lt3A_1325 = arith.cmpi slt, %add3A_1323, %lt3A_1324 : vector<16xi32>
      %select_n3A_1326 = arith.select %lt3A_1325, %broadcast_in_dim3A_1096, %broadcast_in_dim3A_1098 : vector<16xi1>, vector<16xi32>
      %add3A_1327 = arith.addi %add3A_1309, %select_n3A_1326 : vector<16xi32>
      %select_n3A_1328 = arith.select %lt3A_1325, %add3A_1323, %broadcast_in_dim3A_1098 : vector<16xi1>, vector<16xi32>
      %max3A_1329 = arith.maxsi %max3A_1311, %select_n3A_1328 : vector<16xi32>
      %reduce_sum3A_1330 = arith.constant true
      %reduce_sum3A_1331 = vector.broadcast %reduce_sum3A_1330 : i1 to vector<16xi1>
      %reduce_sum3A_1332 = tpu.scan <sum>, %get3A_1318 masked %reduce_sum3A_1331 : vector<16xi32>, vector<16xi1> -> vector<16xi32>
      %reduce_sum3A_1333 = vector.extract %reduce_sum3A_1332[15] : i32 from vector<16xi32>
      %add3A_1334 = arith.addi %add3A_1316, %reduce_sum3A_1333 : i32
      %get3A_1335 = arith.constant 208 : index
      %get3A_1336 = tpu.vector_load %arg8[%get3A_1335] {strides = array<i32>} : memref<256xi32, #tpu.memory_space<vmem>>, vector<16xi32>,
      %broadcast_in_dim3A_1337 = arith.constant true
      %broadcast_in_dim3A_1338 = vector.broadcast %broadcast_in_dim3A_1337 : i1 to vector<16xi1>
      %masked_cumsum3A_1339 = tpu.scan <sum>, %get3A_1336 masked %broadcast_in_dim3A_1338 : vector<16xi32>, vector<16xi1> -> vector<16xi32>
      %add3A_1340 = vector.broadcast %add3A_1334 : i32 to vector<16xi32>
      %add3A_1341 = arith.addi %masked_cumsum3A_1339, %add3A_1340 : vector<16xi32>
      %lt3A_1342 = vector.broadcast %sub3A_1054 : i32 to vector<16xi32>
      %lt3A_1343 = arith.cmpi slt, %add3A_1341, %lt3A_1342 : vector<16xi32>
      %select_n3A_1344 = arith.select %lt3A_1343, %broadcast_in_dim3A_1096, %broadcast_in_dim3A_1098 : vector<16xi1>, vector<16xi32>
      %add3A_1345 = arith.addi %add3A_1327, %select_n3A_1344 : vector<16xi32>
      %select_n3A_1346 = arith.select %lt3A_1343, %add3A_1341, %broadcast_in_dim3A_1098 : vector<16xi1>, vector<16xi32>
      %max3A_1347 = arith.maxsi %max3A_1329, %select_n3A_1346 : vector<16xi32>
      %reduce_sum3A_1348 = arith.constant true
      %reduce_sum3A_1349 = vector.broadcast %reduce_sum3A_1348 : i1 to vector<16xi1>
      %reduce_sum3A_1350 = tpu.scan <sum>, %get3A_1336 masked %reduce_sum3A_1349 : vector<16xi32>, vector<16xi1> -> vector<16xi32>
      %reduce_sum3A_1351 = vector.extract %reduce_sum3A_1350[15] : i32 from vector<16xi32>
      %add3A_1352 = arith.addi %add3A_1334, %reduce_sum3A_1351 : i32
      %get3A_1353 = arith.constant 224 : index
      %get3A_1354 = tpu.vector_load %arg8[%get3A_1353] {strides = array<i32>} : memref<256xi32, #tpu.memory_space<vmem>>, vector<16xi32>,
      %broadcast_in_dim3A_1355 = arith.constant true
      %broadcast_in_dim3A_1356 = vector.broadcast %broadcast_in_dim3A_1355 : i1 to vector<16xi1>
      %masked_cumsum3A_1357 = tpu.scan <sum>, %get3A_1354 masked %broadcast_in_dim3A_1356 : vector<16xi32>, vector<16xi1> -> vector<16xi32>
      %add3A_1358 = vector.broadcast %add3A_1352 : i32 to vector<16xi32>
      %add3A_1359 = arith.addi %masked_cumsum3A_1357, %add3A_1358 : vector<16xi32>
      %lt3A_1360 = vector.broadcast %sub3A_1054 : i32 to vector<16xi32>
      %lt3A_1361 = arith.cmpi slt, %add3A_1359, %lt3A_1360 : vector<16xi32>
      %select_n3A_1362 = arith.select %lt3A_1361, %broadcast_in_dim3A_1096, %broadcast_in_dim3A_1098 : vector<16xi1>, vector<16xi32>
      %add3A_1363 = arith.addi %add3A_1345, %select_n3A_1362 : vector<16xi32>
      %select_n3A_1364 = arith.select %lt3A_1361, %add3A_1359, %broadcast_in_dim3A_1098 : vector<16xi1>, vector<16xi32>
      %max3A_1365 = arith.maxsi %max3A_1347, %select_n3A_1364 : vector<16xi32>
      %reduce_sum3A_1366 = arith.constant true
      %reduce_sum3A_1367 = vector.broadcast %reduce_sum3A_1366 : i1 to vector<16xi1>
      %reduce_sum3A_1368 = tpu.scan <sum>, %get3A_1354 masked %reduce_sum3A_1367 : vector<16xi32>, vector<16xi1> -> vector<16xi32>
      %reduce_sum3A_1369 = vector.extract %reduce_sum3A_1368[15] : i32 from vector<16xi32>
      %add3A_1370 = arith.addi %add3A_1352, %reduce_sum3A_1369 : i32
      %get3A_1371 = arith.constant 240 : index
      %get3A_1372 = tpu.vector_load %arg8[%get3A_1371] {strides = array<i32>} : memref<256xi32, #tpu.memory_space<vmem>>, vector<16xi32>,
      %broadcast_in_dim3A_1373 = arith.constant true
      %broadcast_in_dim3A_1374 = vector.broadcast %broadcast_in_dim3A_1373 : i1 to vector<16xi1>
      %masked_cumsum3A_1375 = tpu.scan <sum>, %get3A_1372 masked %broadcast_in_dim3A_1374 : vector<16xi32>, vector<16xi1> -> vector<16xi32>
      %add3A_1376 = vector.broadcast %add3A_1370 : i32 to vector<16xi32>
      %add3A_1377 = arith.addi %masked_cumsum3A_1375, %add3A_1376 : vector<16xi32>
      %lt3A_1378 = vector.broadcast %sub3A_1054 : i32 to vector<16xi32>
      %lt3A_1379 = arith.cmpi slt, %add3A_1377, %lt3A_1378 : vector<16xi32>
      %select_n3A_1380 = arith.select %lt3A_1379, %broadcast_in_dim3A_1096, %broadcast_in_dim3A_1098 : vector<16xi1>, vector<16xi32>
      %add3A_1381 = arith.addi %add3A_1363, %select_n3A_1380 : vector<16xi32>
      %select_n3A_1382 = arith.select %lt3A_1379, %add3A_1377, %broadcast_in_dim3A_1098 : vector<16xi1>, vector<16xi32>
      %max3A_1383 = arith.maxsi %max3A_1365, %select_n3A_1382 : vector<16xi32>
      %reduce_sum3A_1384 = arith.constant true
      %reduce_sum3A_1385 = vector.broadcast %reduce_sum3A_1384 : i1 to vector<16xi1>
      %reduce_sum3A_1386 = tpu.scan <sum>, %get3A_1372 masked %reduce_sum3A_1385 : vector<16xi32>, vector<16xi1> -> vector<16xi32>
      %reduce_sum3A_1387 = vector.extract %reduce_sum3A_1386[15] : i32 from vector<16xi32>
      %add3A_1388 = arith.addi %add3A_1370, %reduce_sum3A_1387 : i32
      %reduce_sum3A_1389 = arith.constant true
      %reduce_sum3A_1390 = vector.broadcast %reduce_sum3A_1389 : i1 to vector<16xi1>
      %reduce_sum3A_1391 = tpu.scan <sum>, %add3A_1381 masked %reduce_sum3A_1390 : vector<16xi32>, vector<16xi1> -> vector<16xi32>
      %reduce_sum3A_1392 = vector.extract %reduce_sum3A_1391[15] : i32 from vector<16xi32>
      %reduce_max3A_1393 = arith.constant true
      %reduce_max3A_1394 = vector.broadcast %reduce_max3A_1393 : i1 to vector<16xi1>
      %reduce_max3A_1395 = arith.constant -2147483648 : i32
      %reduce_max3A_1396 = vector.broadcast %reduce_max3A_1395 : i32 to vector<16xi32>
      %reduce_max3A_1397 = arith.xori %max3A_1383, %reduce_max3A_1396 : vector<16xi32>
      %reduce_max3A_1398 = tpu.scan <max>, %reduce_max3A_1397 masked %reduce_max3A_1394 : vector<16xi32>, vector<16xi1> -> vector<16xi32>
      %reduce_max3A_1399 = arith.xori %reduce_max3A_1398, %reduce_max3A_1396 : vector<16xi32>
      %reduce_max3A_1400 = vector.extract %reduce_max3A_1399[15] : i32 from vector<16xi32>
      %sub3A_1401 = arith.subi %sub3A_1054, %reduce_max3A_1400 : i32
      %shift_left3A_1402 = arith.constant 8 : i32
      %shift_left3A_1403 = arith.shli %or3A_1057, %shift_left3A_1402 : i32
      %or3A_1404 = arith.ori %shift_left3A_1403, %reduce_sum3A_1392 : i32
      %swap3A_1405 = arith.constant 0 : index
      %swap3A_1406 = tpu.vector_load %arg8[%swap3A_1405] {strides = array<i32>} : memref<256xi32, #tpu.memory_space<vmem>>, vector<16xi32>,
      tpu.vector_store %arg8[%swap3A_1405], %broadcast_in_dim3A_10 {strides = array<i32>} : memref<256xi32, #tpu.memory_space<vmem>>, vector<16xi32>,
      %swap3A_1407 = arith.constant 16 : index
      %swap3A_1408 = tpu.vector_load %arg8[%swap3A_1407] {strides = array<i32>} : memref<256xi32, #tpu.memory_space<vmem>>, vector<16xi32>,
      tpu.vector_store %arg8[%swap3A_1407], %broadcast_in_dim3A_10 {strides = array<i32>} : memref<256xi32, #tpu.memory_space<vmem>>, vector<16xi32>,
      %swap3A_1409 = arith.constant 32 : index
      %swap3A_1410 = tpu.vector_load %arg8[%swap3A_1409] {strides = array<i32>} : memref<256xi32, #tpu.memory_space<vmem>>, vector<16xi32>,
      tpu.vector_store %arg8[%swap3A_1409], %broadcast_in_dim3A_10 {strides = array<i32>} : memref<256xi32, #tpu.memory_space<vmem>>, vector<16xi32>,
      %swap3A_1411 = arith.constant 48 : index
      %swap3A_1412 = tpu.vector_load %arg8[%swap3A_1411] {strides = array<i32>} : memref<256xi32, #tpu.memory_space<vmem>>, vector<16xi32>,
      tpu.vector_store %arg8[%swap3A_1411], %broadcast_in_dim3A_10 {strides = array<i32>} : memref<256xi32, #tpu.memory_space<vmem>>, vector<16xi32>,
      %scan3A_1413 = arith.constant 0 : i32
      %scan3A_1414 = arith.constant 224 : i32
      %scan3A_1415 = arith.addi %scan3A_1413, %scan3A_1414 : i32
      %scan3A_1416 = arith.constant 1 : i32
      scf.for %scan3A_1639 = %scan3A_1413 to %scan3A_1415 step %scan3A_1416  : i32 {
        %mul3A_1640 = arith.constant 16 : i32
        %mul3A_1641 = arith.muli %scan3A_1639, %mul3A_1640 : i32
        %add3A_1642 = arith.constant 0 : i32
        %add3A_1643 = arith.addi %add3A_1642, %mul3A_1641 : i32
        %get3A_1644 = arith.index_cast %add3A_1643 : i32 to index
        %get3A_1645 = tpu.vector_load %arg7[%get3A_1644] {strides = array<i32>} : memref<3584xi32, #tpu.memory_space<vmem>>, vector<16xi32>,
        %add3A_1646 = vector.broadcast %add3A_1643 : i32 to vector<16xi32>
        %add3A_1647 = arith.addi %iota3A, %add3A_1646 : vector<16xi32>
        %eq3A_1648 = vector.broadcast %or3A_1404 : i32 to vector<16xi32>
        %eq3A_1649 = arith.cmpi eq, %get3A_1645, %eq3A_1648 : vector<16xi32>
        %shift_right_logical3A = arith.constant 6 : i32
        %shift_right_logical3A_1650 = vector.broadcast %shift_right_logical3A : i32 to vector<16xi32>
        %shift_right_logical3A_1651 = arith.shrui %add3A_1647, %shift_right_logical3A_1650 : vector<16xi32>
        %and3A_1652 = arith.constant 63 : i32
        %and3A_1653 = vector.broadcast %and3A_1652 : i32 to vector<16xi32>
        %and3A_1654 = arith.andi %shift_right_logical3A_1651, %and3A_1653 : vector<16xi32>
        tpu.vector_store_idx %arg8[%and3A_1654], %broadcast_in_dim3A_8 masked %eq3A_1649 {add = true} : memref<256xi32, #tpu.memory_space<vmem>>[vector<16xi32>], vector<16xi32>, vector<16xi1>
      }
      %scan3A_1417 = arith.constant 224 : i32
      %broadcast_in_dim3A_1418 = arith.constant 1 : i32
      %broadcast_in_dim3A_1419 = vector.broadcast %broadcast_in_dim3A_1418 : i32 to vector<16xi32>
      %broadcast_in_dim3A_1420 = arith.constant 0 : i32
      %broadcast_in_dim3A_1421 = vector.broadcast %broadcast_in_dim3A_1420 : i32 to vector<16xi32>
      %get3A_1422 = arith.constant 0 : index
      %get3A_1423 = tpu.vector_load %arg8[%get3A_1422] {strides = array<i32>} : memref<256xi32, #tpu.memory_space<vmem>>, vector<16xi32>,
      %broadcast_in_dim3A_1424 = arith.constant true
      %broadcast_in_dim3A_1425 = vector.broadcast %broadcast_in_dim3A_1424 : i1 to vector<16xi1>
      %masked_cumsum3A_1426 = tpu.scan <sum>, %get3A_1423 masked %broadcast_in_dim3A_1425 : vector<16xi32>, vector<16xi1> -> vector<16xi32>
      %add3A_1427 = arith.constant 0 : i32
      %add3A_1428 = vector.broadcast %add3A_1427 : i32 to vector<16xi32>
      %add3A_1429 = arith.addi %masked_cumsum3A_1426, %add3A_1428 : vector<16xi32>
      %lt3A_1430 = vector.broadcast %sub3A_1401 : i32 to vector<16xi32>
      %lt3A_1431 = arith.cmpi slt, %add3A_1429, %lt3A_1430 : vector<16xi32>
      %select_n3A_1432 = arith.select %lt3A_1431, %broadcast_in_dim3A_1419, %broadcast_in_dim3A_1421 : vector<16xi1>, vector<16xi32>
      %add3A_1433 = arith.addi %broadcast_in_dim3A_1421, %select_n3A_1432 : vector<16xi32>
      %select_n3A_1434 = arith.select %lt3A_1431, %add3A_1429, %broadcast_in_dim3A_1421 : vector<16xi1>, vector<16xi32>
      %max3A_1435 = arith.maxsi %broadcast_in_dim3A_1421, %select_n3A_1434 : vector<16xi32>
      %reduce_sum3A_1436 = arith.constant true
      %reduce_sum3A_1437 = vector.broadcast %reduce_sum3A_1436 : i1 to vector<16xi1>
      %reduce_sum3A_1438 = tpu.scan <sum>, %get3A_1423 masked %reduce_sum3A_1437 : vector<16xi32>, vector<16xi1> -> vector<16xi32>
      %reduce_sum3A_1439 = vector.extract %reduce_sum3A_1438[15] : i32 from vector<16xi32>
      %add3A_1440 = arith.constant 0 : i32
      %add3A_1441 = arith.addi %add3A_1440, %reduce_sum3A_1439 : i32
      %get3A_1442 = arith.constant 16 : index
      %get3A_1443 = tpu.vector_load %arg8[%get3A_1442] {strides = array<i32>} : memref<256xi32, #tpu.memory_space<vmem>>, vector<16xi32>,
      %broadcast_in_dim3A_1444 = arith.constant true
      %broadcast_in_dim3A_1445 = vector.broadcast %broadcast_in_dim3A_1444 : i1 to vector<16xi1>
      %masked_cumsum3A_1446 = tpu.scan <sum>, %get3A_1443 masked %broadcast_in_dim3A_1445 : vector<16xi32>, vector<16xi1> -> vector<16xi32>
      %add3A_1447 = vector.broadcast %add3A_1441 : i32 to vector<16xi32>
      %add3A_1448 = arith.addi %masked_cumsum3A_1446, %add3A_1447 : vector<16xi32>
      %lt3A_1449 = vector.broadcast %sub3A_1401 : i32 to vector<16xi32>
      %lt3A_1450 = arith.cmpi slt, %add3A_1448, %lt3A_1449 : vector<16xi32>
      %select_n3A_1451 = arith.select %lt3A_1450, %broadcast_in_dim3A_1419, %broadcast_in_dim3A_1421 : vector<16xi1>, vector<16xi32>
      %add3A_1452 = arith.addi %add3A_1433, %select_n3A_1451 : vector<16xi32>
      %select_n3A_1453 = arith.select %lt3A_1450, %add3A_1448, %broadcast_in_dim3A_1421 : vector<16xi1>, vector<16xi32>
      %max3A_1454 = arith.maxsi %max3A_1435, %select_n3A_1453 : vector<16xi32>
      %reduce_sum3A_1455 = arith.constant true
      %reduce_sum3A_1456 = vector.broadcast %reduce_sum3A_1455 : i1 to vector<16xi1>
      %reduce_sum3A_1457 = tpu.scan <sum>, %get3A_1443 masked %reduce_sum3A_1456 : vector<16xi32>, vector<16xi1> -> vector<16xi32>
      %reduce_sum3A_1458 = vector.extract %reduce_sum3A_1457[15] : i32 from vector<16xi32>
      %add3A_1459 = arith.addi %add3A_1441, %reduce_sum3A_1458 : i32
      %get3A_1460 = arith.constant 32 : index
      %get3A_1461 = tpu.vector_load %arg8[%get3A_1460] {strides = array<i32>} : memref<256xi32, #tpu.memory_space<vmem>>, vector<16xi32>,
      %broadcast_in_dim3A_1462 = arith.constant true
      %broadcast_in_dim3A_1463 = vector.broadcast %broadcast_in_dim3A_1462 : i1 to vector<16xi1>
      %masked_cumsum3A_1464 = tpu.scan <sum>, %get3A_1461 masked %broadcast_in_dim3A_1463 : vector<16xi32>, vector<16xi1> -> vector<16xi32>
      %add3A_1465 = vector.broadcast %add3A_1459 : i32 to vector<16xi32>
      %add3A_1466 = arith.addi %masked_cumsum3A_1464, %add3A_1465 : vector<16xi32>
      %lt3A_1467 = vector.broadcast %sub3A_1401 : i32 to vector<16xi32>
      %lt3A_1468 = arith.cmpi slt, %add3A_1466, %lt3A_1467 : vector<16xi32>
      %select_n3A_1469 = arith.select %lt3A_1468, %broadcast_in_dim3A_1419, %broadcast_in_dim3A_1421 : vector<16xi1>, vector<16xi32>
      %add3A_1470 = arith.addi %add3A_1452, %select_n3A_1469 : vector<16xi32>
      %select_n3A_1471 = arith.select %lt3A_1468, %add3A_1466, %broadcast_in_dim3A_1421 : vector<16xi1>, vector<16xi32>
      %max3A_1472 = arith.maxsi %max3A_1454, %select_n3A_1471 : vector<16xi32>
      %reduce_sum3A_1473 = arith.constant true
      %reduce_sum3A_1474 = vector.broadcast %reduce_sum3A_1473 : i1 to vector<16xi1>
      %reduce_sum3A_1475 = tpu.scan <sum>, %get3A_1461 masked %reduce_sum3A_1474 : vector<16xi32>, vector<16xi1> -> vector<16xi32>
      %reduce_sum3A_1476 = vector.extract %reduce_sum3A_1475[15] : i32 from vector<16xi32>
      %add3A_1477 = arith.addi %add3A_1459, %reduce_sum3A_1476 : i32
      %get3A_1478 = arith.constant 48 : index
      %get3A_1479 = tpu.vector_load %arg8[%get3A_1478] {strides = array<i32>} : memref<256xi32, #tpu.memory_space<vmem>>, vector<16xi32>,
      %broadcast_in_dim3A_1480 = arith.constant true
      %broadcast_in_dim3A_1481 = vector.broadcast %broadcast_in_dim3A_1480 : i1 to vector<16xi1>
      %masked_cumsum3A_1482 = tpu.scan <sum>, %get3A_1479 masked %broadcast_in_dim3A_1481 : vector<16xi32>, vector<16xi1> -> vector<16xi32>
      %add3A_1483 = vector.broadcast %add3A_1477 : i32 to vector<16xi32>
      %add3A_1484 = arith.addi %masked_cumsum3A_1482, %add3A_1483 : vector<16xi32>
      %lt3A_1485 = vector.broadcast %sub3A_1401 : i32 to vector<16xi32>
      %lt3A_1486 = arith.cmpi slt, %add3A_1484, %lt3A_1485 : vector<16xi32>
      %select_n3A_1487 = arith.select %lt3A_1486, %broadcast_in_dim3A_1419, %broadcast_in_dim3A_1421 : vector<16xi1>, vector<16xi32>
      %add3A_1488 = arith.addi %add3A_1470, %select_n3A_1487 : vector<16xi32>
      %select_n3A_1489 = arith.select %lt3A_1486, %add3A_1484, %broadcast_in_dim3A_1421 : vector<16xi1>, vector<16xi32>
      %max3A_1490 = arith.maxsi %max3A_1472, %select_n3A_1489 : vector<16xi32>
      %reduce_sum3A_1491 = arith.constant true
      %reduce_sum3A_1492 = vector.broadcast %reduce_sum3A_1491 : i1 to vector<16xi1>
      %reduce_sum3A_1493 = tpu.scan <sum>, %get3A_1479 masked %reduce_sum3A_1492 : vector<16xi32>, vector<16xi1> -> vector<16xi32>
      %reduce_sum3A_1494 = vector.extract %reduce_sum3A_1493[15] : i32 from vector<16xi32>
      %add3A_1495 = arith.addi %add3A_1477, %reduce_sum3A_1494 : i32
      %reduce_sum3A_1496 = arith.constant true
      %reduce_sum3A_1497 = vector.broadcast %reduce_sum3A_1496 : i1 to vector<16xi1>
      %reduce_sum3A_1498 = tpu.scan <sum>, %add3A_1488 masked %reduce_sum3A_1497 : vector<16xi32>, vector<16xi1> -> vector<16xi32>
      %reduce_sum3A_1499 = vector.extract %reduce_sum3A_1498[15] : i32 from vector<16xi32>
      %reduce_max3A_1500 = arith.constant true
      %reduce_max3A_1501 = vector.broadcast %reduce_max3A_1500 : i1 to vector<16xi1>
      %reduce_max3A_1502 = arith.constant -2147483648 : i32
      %reduce_max3A_1503 = vector.broadcast %reduce_max3A_1502 : i32 to vector<16xi32>
      %reduce_max3A_1504 = arith.xori %max3A_1490, %reduce_max3A_1503 : vector<16xi32>
      %reduce_max3A_1505 = tpu.scan <max>, %reduce_max3A_1504 masked %reduce_max3A_1501 : vector<16xi32>, vector<16xi1> -> vector<16xi32>
      %reduce_max3A_1506 = arith.xori %reduce_max3A_1505, %reduce_max3A_1503 : vector<16xi32>
      %reduce_max3A_1507 = vector.extract %reduce_max3A_1506[15] : i32 from vector<16xi32>
      %sub3A_1508 = arith.subi %sub3A_1401, %reduce_max3A_1507 : i32
      %shift_left3A_1509 = arith.constant 0 : i32
      %shift_left3A_1510 = arith.constant 6 : i32
      %shift_left3A_1511 = arith.shli %shift_left3A_1509, %shift_left3A_1510 : i32
      %or3A_1512 = arith.ori %shift_left3A_1511, %reduce_sum3A_1499 : i32
      %swap3A_1513 = arith.constant 0 : index
      %swap3A_1514 = tpu.vector_load %arg8[%swap3A_1513] {strides = array<i32>} : memref<256xi32, #tpu.memory_space<vmem>>, vector<16xi32>,
      tpu.vector_store %arg8[%swap3A_1513], %broadcast_in_dim3A_10 {strides = array<i32>} : memref<256xi32, #tpu.memory_space<vmem>>, vector<16xi32>,
      %swap3A_1515 = arith.constant 16 : index
      %swap3A_1516 = tpu.vector_load %arg8[%swap3A_1515] {strides = array<i32>} : memref<256xi32, #tpu.memory_space<vmem>>, vector<16xi32>,
      tpu.vector_store %arg8[%swap3A_1515], %broadcast_in_dim3A_10 {strides = array<i32>} : memref<256xi32, #tpu.memory_space<vmem>>, vector<16xi32>,
      %swap3A_1517 = arith.constant 32 : index
      %swap3A_1518 = tpu.vector_load %arg8[%swap3A_1517] {strides = array<i32>} : memref<256xi32, #tpu.memory_space<vmem>>, vector<16xi32>,
      tpu.vector_store %arg8[%swap3A_1517], %broadcast_in_dim3A_10 {strides = array<i32>} : memref<256xi32, #tpu.memory_space<vmem>>, vector<16xi32>,
      %swap3A_1519 = arith.constant 48 : index
      %swap3A_1520 = tpu.vector_load %arg8[%swap3A_1519] {strides = array<i32>} : memref<256xi32, #tpu.memory_space<vmem>>, vector<16xi32>,
      tpu.vector_store %arg8[%swap3A_1519], %broadcast_in_dim3A_10 {strides = array<i32>} : memref<256xi32, #tpu.memory_space<vmem>>, vector<16xi32>,
      %scan3A_1521 = arith.constant 0 : i32
      %scan3A_1522 = arith.constant 224 : i32
      %scan3A_1523 = arith.addi %scan3A_1521, %scan3A_1522 : i32
      %scan3A_1524 = arith.constant 1 : i32
      scf.for %scan3A_1639 = %scan3A_1521 to %scan3A_1523 step %scan3A_1524  : i32 {
        %mul3A_1640 = arith.constant 16 : i32
        %mul3A_1641 = arith.muli %scan3A_1639, %mul3A_1640 : i32
        %add3A_1642 = arith.constant 0 : i32
        %add3A_1643 = arith.addi %add3A_1642, %mul3A_1641 : i32
        %get3A_1644 = arith.index_cast %add3A_1643 : i32 to index
        %get3A_1645 = tpu.vector_load %arg7[%get3A_1644] {strides = array<i32>} : memref<3584xi32, #tpu.memory_space<vmem>>, vector<16xi32>,
        %add3A_1646 = vector.broadcast %add3A_1643 : i32 to vector<16xi32>
        %add3A_1647 = arith.addi %iota3A, %add3A_1646 : vector<16xi32>
        %eq3A_1648 = vector.broadcast %or3A_1404 : i32 to vector<16xi32>
        %eq3A_1649 = arith.cmpi eq, %get3A_1645, %eq3A_1648 : vector<16xi32>
        %shift_right_logical3A = arith.constant 6 : i32
        %shift_right_logical3A_1650 = vector.broadcast %shift_right_logical3A : i32 to vector<16xi32>
        %shift_right_logical3A_1651 = arith.shrui %add3A_1647, %shift_right_logical3A_1650 : vector<16xi32>
        %eq3A_1652 = vector.broadcast %or3A_1512 : i32 to vector<16xi32>
        %eq3A_1653 = arith.cmpi eq, %shift_right_logical3A_1651, %eq3A_1652 : vector<16xi32>
        %and3A_1654 = arith.andi %eq3A_1649, %eq3A_1653 : vector<16xi1>
        %shift_right_logical3A_1655 = arith.constant 0 : i32
        %shift_right_logical3A_1656 = vector.broadcast %shift_right_logical3A_1655 : i32 to vector<16xi32>
        %shift_right_logical3A_1657 = arith.shrui %add3A_1647, %shift_right_logical3A_1656 : vector<16xi32>
        %and3A_1658 = arith.constant 63 : i32
        %and3A_1659 = vector.broadcast %and3A_1658 : i32 to vector<16xi32>
        %and3A_1660 = arith.andi %shift_right_logical3A_1657, %and3A_1659 : vector<16xi32>
        tpu.vector_store_idx %arg8[%and3A_1660], %broadcast_in_dim3A_8 masked %and3A_1654 {add = true} : memref<256xi32, #tpu.memory_space<vmem>>[vector<16xi32>], vector<16xi32>, vector<16xi1>
      }
      %scan3A_1525 = arith.constant 224 : i32
      %broadcast_in_dim3A_1526 = arith.constant 1 : i32
      %broadcast_in_dim3A_1527 = vector.broadcast %broadcast_in_dim3A_1526 : i32 to vector<16xi32>
      %broadcast_in_dim3A_1528 = arith.constant 0 : i32
      %broadcast_in_dim3A_1529 = vector.broadcast %broadcast_in_dim3A_1528 : i32 to vector<16xi32>
      %get3A_1530 = arith.constant 0 : index
      %get3A_1531 = tpu.vector_load %arg8[%get3A_1530] {strides = array<i32>} : memref<256xi32, #tpu.memory_space<vmem>>, vector<16xi32>,
      %broadcast_in_dim3A_1532 = arith.constant true
      %broadcast_in_dim3A_1533 = vector.broadcast %broadcast_in_dim3A_1532 : i1 to vector<16xi1>
      %masked_cumsum3A_1534 = tpu.scan <sum>, %get3A_1531 masked %broadcast_in_dim3A_1533 : vector<16xi32>, vector<16xi1> -> vector<16xi32>
      %add3A_1535 = arith.constant 0 : i32
      %add3A_1536 = vector.broadcast %add3A_1535 : i32 to vector<16xi32>
      %add3A_1537 = arith.addi %masked_cumsum3A_1534, %add3A_1536 : vector<16xi32>
      %lt3A_1538 = vector.broadcast %sub3A_1508 : i32 to vector<16xi32>
      %lt3A_1539 = arith.cmpi slt, %add3A_1537, %lt3A_1538 : vector<16xi32>
      %select_n3A_1540 = arith.select %lt3A_1539, %broadcast_in_dim3A_1527, %broadcast_in_dim3A_1529 : vector<16xi1>, vector<16xi32>
      %add3A_1541 = arith.addi %broadcast_in_dim3A_1529, %select_n3A_1540 : vector<16xi32>
      %select_n3A_1542 = arith.select %lt3A_1539, %add3A_1537, %broadcast_in_dim3A_1529 : vector<16xi1>, vector<16xi32>
      %max3A_1543 = arith.maxsi %broadcast_in_dim3A_1529, %select_n3A_1542 : vector<16xi32>
      %reduce_sum3A_1544 = arith.constant true
      %reduce_sum3A_1545 = vector.broadcast %reduce_sum3A_1544 : i1 to vector<16xi1>
      %reduce_sum3A_1546 = tpu.scan <sum>, %get3A_1531 masked %reduce_sum3A_1545 : vector<16xi32>, vector<16xi1> -> vector<16xi32>
      %reduce_sum3A_1547 = vector.extract %reduce_sum3A_1546[15] : i32 from vector<16xi32>
      %add3A_1548 = arith.constant 0 : i32
      %add3A_1549 = arith.addi %add3A_1548, %reduce_sum3A_1547 : i32
      %get3A_1550 = arith.constant 16 : index
      %get3A_1551 = tpu.vector_load %arg8[%get3A_1550] {strides = array<i32>} : memref<256xi32, #tpu.memory_space<vmem>>, vector<16xi32>,
      %broadcast_in_dim3A_1552 = arith.constant true
      %broadcast_in_dim3A_1553 = vector.broadcast %broadcast_in_dim3A_1552 : i1 to vector<16xi1>
      %masked_cumsum3A_1554 = tpu.scan <sum>, %get3A_1551 masked %broadcast_in_dim3A_1553 : vector<16xi32>, vector<16xi1> -> vector<16xi32>
      %add3A_1555 = vector.broadcast %add3A_1549 : i32 to vector<16xi32>
      %add3A_1556 = arith.addi %masked_cumsum3A_1554, %add3A_1555 : vector<16xi32>
      %lt3A_1557 = vector.broadcast %sub3A_1508 : i32 to vector<16xi32>
      %lt3A_1558 = arith.cmpi slt, %add3A_1556, %lt3A_1557 : vector<16xi32>
      %select_n3A_1559 = arith.select %lt3A_1558, %broadcast_in_dim3A_1527, %broadcast_in_dim3A_1529 : vector<16xi1>, vector<16xi32>
      %add3A_1560 = arith.addi %add3A_1541, %select_n3A_1559 : vector<16xi32>
      %select_n3A_1561 = arith.select %lt3A_1558, %add3A_1556, %broadcast_in_dim3A_1529 : vector<16xi1>, vector<16xi32>
      %max3A_1562 = arith.maxsi %max3A_1543, %select_n3A_1561 : vector<16xi32>
      %reduce_sum3A_1563 = arith.constant true
      %reduce_sum3A_1564 = vector.broadcast %reduce_sum3A_1563 : i1 to vector<16xi1>
      %reduce_sum3A_1565 = tpu.scan <sum>, %get3A_1551 masked %reduce_sum3A_1564 : vector<16xi32>, vector<16xi1> -> vector<16xi32>
      %reduce_sum3A_1566 = vector.extract %reduce_sum3A_1565[15] : i32 from vector<16xi32>
      %add3A_1567 = arith.addi %add3A_1549, %reduce_sum3A_1566 : i32
      %get3A_1568 = arith.constant 32 : index
      %get3A_1569 = tpu.vector_load %arg8[%get3A_1568] {strides = array<i32>} : memref<256xi32, #tpu.memory_space<vmem>>, vector<16xi32>,
      %broadcast_in_dim3A_1570 = arith.constant true
      %broadcast_in_dim3A_1571 = vector.broadcast %broadcast_in_dim3A_1570 : i1 to vector<16xi1>
      %masked_cumsum3A_1572 = tpu.scan <sum>, %get3A_1569 masked %broadcast_in_dim3A_1571 : vector<16xi32>, vector<16xi1> -> vector<16xi32>
      %add3A_1573 = vector.broadcast %add3A_1567 : i32 to vector<16xi32>
      %add3A_1574 = arith.addi %masked_cumsum3A_1572, %add3A_1573 : vector<16xi32>
      %lt3A_1575 = vector.broadcast %sub3A_1508 : i32 to vector<16xi32>
      %lt3A_1576 = arith.cmpi slt, %add3A_1574, %lt3A_1575 : vector<16xi32>
      %select_n3A_1577 = arith.select %lt3A_1576, %broadcast_in_dim3A_1527, %broadcast_in_dim3A_1529 : vector<16xi1>, vector<16xi32>
      %add3A_1578 = arith.addi %add3A_1560, %select_n3A_1577 : vector<16xi32>
      %select_n3A_1579 = arith.select %lt3A_1576, %add3A_1574, %broadcast_in_dim3A_1529 : vector<16xi1>, vector<16xi32>
      %max3A_1580 = arith.maxsi %max3A_1562, %select_n3A_1579 : vector<16xi32>
      %reduce_sum3A_1581 = arith.constant true
      %reduce_sum3A_1582 = vector.broadcast %reduce_sum3A_1581 : i1 to vector<16xi1>
      %reduce_sum3A_1583 = tpu.scan <sum>, %get3A_1569 masked %reduce_sum3A_1582 : vector<16xi32>, vector<16xi1> -> vector<16xi32>
      %reduce_sum3A_1584 = vector.extract %reduce_sum3A_1583[15] : i32 from vector<16xi32>
      %add3A_1585 = arith.addi %add3A_1567, %reduce_sum3A_1584 : i32
      %get3A_1586 = arith.constant 48 : index
      %get3A_1587 = tpu.vector_load %arg8[%get3A_1586] {strides = array<i32>} : memref<256xi32, #tpu.memory_space<vmem>>, vector<16xi32>,
      %broadcast_in_dim3A_1588 = arith.constant true
      %broadcast_in_dim3A_1589 = vector.broadcast %broadcast_in_dim3A_1588 : i1 to vector<16xi1>
      %masked_cumsum3A_1590 = tpu.scan <sum>, %get3A_1587 masked %broadcast_in_dim3A_1589 : vector<16xi32>, vector<16xi1> -> vector<16xi32>
      %add3A_1591 = vector.broadcast %add3A_1585 : i32 to vector<16xi32>
      %add3A_1592 = arith.addi %masked_cumsum3A_1590, %add3A_1591 : vector<16xi32>
      %lt3A_1593 = vector.broadcast %sub3A_1508 : i32 to vector<16xi32>
      %lt3A_1594 = arith.cmpi slt, %add3A_1592, %lt3A_1593 : vector<16xi32>
      %select_n3A_1595 = arith.select %lt3A_1594, %broadcast_in_dim3A_1527, %broadcast_in_dim3A_1529 : vector<16xi1>, vector<16xi32>
      %add3A_1596 = arith.addi %add3A_1578, %select_n3A_1595 : vector<16xi32>
      %select_n3A_1597 = arith.select %lt3A_1594, %add3A_1592, %broadcast_in_dim3A_1529 : vector<16xi1>, vector<16xi32>
      %max3A_1598 = arith.maxsi %max3A_1580, %select_n3A_1597 : vector<16xi32>
      %reduce_sum3A_1599 = arith.constant true
      %reduce_sum3A_1600 = vector.broadcast %reduce_sum3A_1599 : i1 to vector<16xi1>
      %reduce_sum3A_1601 = tpu.scan <sum>, %get3A_1587 masked %reduce_sum3A_1600 : vector<16xi32>, vector<16xi1> -> vector<16xi32>
      %reduce_sum3A_1602 = vector.extract %reduce_sum3A_1601[15] : i32 from vector<16xi32>
      %add3A_1603 = arith.addi %add3A_1585, %reduce_sum3A_1602 : i32
      %reduce_sum3A_1604 = arith.constant true
      %reduce_sum3A_1605 = vector.broadcast %reduce_sum3A_1604 : i1 to vector<16xi1>
      %reduce_sum3A_1606 = tpu.scan <sum>, %add3A_1596 masked %reduce_sum3A_1605 : vector<16xi32>, vector<16xi1> -> vector<16xi32>
      %reduce_sum3A_1607 = vector.extract %reduce_sum3A_1606[15] : i32 from vector<16xi32>
      %reduce_max3A_1608 = arith.constant true
      %reduce_max3A_1609 = vector.broadcast %reduce_max3A_1608 : i1 to vector<16xi1>
      %reduce_max3A_1610 = arith.constant -2147483648 : i32
      %reduce_max3A_1611 = vector.broadcast %reduce_max3A_1610 : i32 to vector<16xi32>
      %reduce_max3A_1612 = arith.xori %max3A_1598, %reduce_max3A_1611 : vector<16xi32>
      %reduce_max3A_1613 = tpu.scan <max>, %reduce_max3A_1612 masked %reduce_max3A_1609 : vector<16xi32>, vector<16xi1> -> vector<16xi32>
      %reduce_max3A_1614 = arith.xori %reduce_max3A_1613, %reduce_max3A_1611 : vector<16xi32>
      %reduce_max3A_1615 = vector.extract %reduce_max3A_1614[15] : i32 from vector<16xi32>
      %sub3A_1616 = arith.subi %sub3A_1508, %reduce_max3A_1615 : i32
      %shift_left3A_1617 = arith.constant 6 : i32
      %shift_left3A_1618 = arith.shli %or3A_1512, %shift_left3A_1617 : i32
      %or3A_1619 = arith.ori %shift_left3A_1618, %reduce_sum3A_1607 : i32
      %broadcast_in_dim3A_1620 = arith.constant 0.000000e+00 : f32
      %broadcast_in_dim3A_1621 = vector.broadcast %broadcast_in_dim3A_1620 : f32 to vector<16xf32>
      %scan3A_1622 = arith.constant 0 : i32
      %scan3A_1623 = arith.constant 224 : i32
      %scan3A_1624 = arith.addi %scan3A_1622, %scan3A_1623 : i32
      %scan3A_1625 = arith.constant 1 : i32
      %scan3A_1626 = scf.for %scan3A_1639 = %scan3A_1622 to %scan3A_1624 step %scan3A_1625 iter_args(%scan3A_1640 = %broadcast_in_dim3A_1621) -> (vector<16xf32>)  : i32 {
        %mul3A_1641 = arith.constant 16 : i32
        %mul3A_1642 = arith.muli %scan3A_1639, %mul3A_1641 : i32
        %get3A_1643 = arith.index_cast %mul3A_1642 : i32 to index
        %get3A_1644 = tpu.vector_load %arg7[%get3A_1643] {strides = array<i32>} : memref<3584xi32, #tpu.memory_space<vmem>>, vector<16xi32>,
        %add3A_1645 = vector.broadcast %mul3A_1642 : i32 to vector<16xi32>
        %add3A_1646 = arith.addi %iota3A, %add3A_1645 : vector<16xi32>
        %lt3A_1647 = vector.broadcast %or3A_1404 : i32 to vector<16xi32>
        %lt3A_1648 = arith.cmpi slt, %get3A_1644, %lt3A_1647 : vector<16xi32>
        %eq3A_1649 = vector.broadcast %or3A_1404 : i32 to vector<16xi32>
        %eq3A_1650 = arith.cmpi eq, %get3A_1644, %eq3A_1649 : vector<16xi32>
        %le3A = vector.broadcast %or3A_1619 : i32 to vector<16xi32>
        %le3A_1651 = arith.cmpi sle, %add3A_1646, %le3A : vector<16xi32>
        %and3A_1652 = arith.andi %eq3A_1650, %le3A_1651 : vector<16xi1>
        %or3A_1653 = arith.ori %lt3A_1648, %and3A_1652 : vector<16xi1>
        %get3A_1654 = arith.index_cast %mul3A_1642 : i32 to index
        %get3A_1655 = tpu.vector_load %arg6[%get3A_1654] {strides = array<i32>} : memref<3584xf32, #tpu.memory_space<vmem>>, vector<16xf32>,
        %broadcast_in_dim3A_1656 = arith.constant 0.000000e+00 : f32
        %broadcast_in_dim3A_1657 = vector.broadcast %broadcast_in_dim3A_1656 : f32 to vector<16xf32>
        %select_n3A_1658 = arith.select %or3A_1653, %get3A_1655, %broadcast_in_dim3A_1657 : vector<16xi1>, vector<16xf32>
        %add3A_1659 = arith.addf %scan3A_1640, %select_n3A_1658 : vector<16xf32>
        scf.yield %add3A_1659 : vector<16xf32>
      }
      %scan3A_1627 = arith.constant 224 : i32
      %reduce_sum3A_1628 = arith.constant true
      %reduce_sum3A_1629 = vector.broadcast %reduce_sum3A_1628 : i1 to vector<16xi1>
      %reduce_sum3A_1630 = tpu.scan <sum>, %scan3A_1626 masked %reduce_sum3A_1629 : vector<16xf32>, vector<16xi1> -> vector<16xf32>
      %reduce_sum3A_1631 = vector.extract %reduce_sum3A_1630[15] : f32 from vector<16xf32>
      %mul3A = arith.constant 2.72478388E-7 : f32
      %mul3A_1632 = arith.mulf %reduce_sum3A_1631, %mul3A : f32
      %broadcast_in_dim3A_1633 = arith.constant 0.000000e+00 : f32
      %broadcast_in_dim3A_1634 = vector.broadcast %broadcast_in_dim3A_1633 : f32 to vector<16xf32>
      %add3A_1635 = vector.broadcast %mul3A_1632 : f32 to vector<16xf32>
      %add3A_1636 = arith.addf %broadcast_in_dim3A_1634, %add3A_1635 : vector<16xf32>
      %swap3A_1637 = arith.constant 0 : index
      %swap3A_1638 = tpu.vector_load %arg9[%swap3A_1637] {strides = array<i32>} : memref<16xf32, #tpu.memory_space<vmem>>, vector<16xf32>,
      tpu.vector_store %arg9[%swap3A_1637], %add3A_1636 {strides = array<i32>} : memref<16xf32, #tpu.memory_space<vmem>>, vector<16xf32>,
      "tpu.region"() ({
        %run_scoped3A = tpu.sem_alloc : memref<!tpu.dma_semaphore, #tpu.memory_space<semaphore_mem>>
        tpu.enqueue_dma source(%arg9 : memref<16xf32, #tpu.memory_space<vmem>>) target(%arg4 : memref<16xf32, #tpu.memory_space<hbm>>) target_semaphore(%run_scoped3A : memref<!tpu.dma_semaphore, #tpu.memory_space<semaphore_mem>>)
        tpu.wait_dma2 semaphore(%run_scoped3A : memref<!tpu.dma_semaphore, #tpu.memory_space<semaphore_mem>>) src(%arg9 : memref<16xf32, #tpu.memory_space<vmem>>) dst(%arg4 : memref<16xf32, #tpu.memory_space<hbm>>)
        tpu.yield
      }) : () -> ()
    } else {
    }
    return
  }
}

module attributes {stable_mosaic.version = 14 : i64} {
  func.func @_colsum_body(%arg0: i32, %arg1: memref<7x256x512xf32, #tpu.memory_space<vmem>>, %arg2: memref<7x256x512xf32, #tpu.memory_space<vmem>>, %arg3: memref<7x512xf32, #tpu.memory_space<vmem>>, %arg4: memref<7x512xf32, #tpu.memory_space<vmem>>) attributes {dimension_semantics = [#tpu.dimension_semantics<arbitrary>], iteration_bounds = array<i64: 4>, scalar_prefetch = 0 : i64, scratch_operands = 0 : i64, tpu.core_type = #tpu.core_type<tc>, window_params = [{transform_indices = @transform_0, window_bounds = array<i64: 7, 256, 512>}, {transform_indices = @transform_1, window_bounds = array<i64: 7, 256, 512>}, {pipeline_mode = #tpu.pipeline_mode<synchronous>, transform_indices = @transform_2, window_bounds = array<i64: 7, 512>}, {pipeline_mode = #tpu.pipeline_mode<synchronous>, transform_indices = @transform_3, window_bounds = array<i64: 7, 512>}]} {
    %get3A = arith.constant 0 : index
    %get3A_0 = arith.constant 0 : index
    %get3A_1 = arith.constant 0 : index
    %get3A_2 = vector.load %arg1[%get3A, %get3A_0, %get3A_1] : memref<7x256x512xf32, #tpu.memory_space<vmem>>, vector<7x256x512xf32>
    %get3A_3 = arith.constant 0 : index
    %get3A_4 = arith.constant 0 : index
    %get3A_5 = arith.constant 0 : index
    %get3A_6 = vector.load %arg2[%get3A_3, %get3A_4, %get3A_5] : memref<7x256x512xf32, #tpu.memory_space<vmem>>, vector<7x256x512xf32>
    %sub3A = arith.subf %get3A_2, %get3A_6 : vector<7x256x512xf32>
    %reduce_sum3A = arith.constant dense<0.000000e+00> : vector<7x512xf32>
    %reduce_sum3A_7 = vector.multi_reduction <add>, %sub3A, %reduce_sum3A [1] : vector<7x256x512xf32> to vector<7x512xf32>
    %abs3A = math.absf %sub3A : vector<7x256x512xf32>
    %reduce_sum3A_8 = arith.constant dense<0.000000e+00> : vector<7x512xf32>
    %reduce_sum3A_9 = vector.multi_reduction <add>, %abs3A, %reduce_sum3A_8 [1] : vector<7x256x512xf32> to vector<7x512xf32>
    %eq3A = arith.constant 0 : i32
    %eq3A_10 = arith.cmpi eq, %arg0, %eq3A : i32
    %convert_element_type3A = arith.extui %eq3A_10 : i1 to i32
    %cond3A = arith.constant 0 : i32
    %cond3A_11 = arith.cmpi ne, %convert_element_type3A, %cond3A : i32
    scf.if %cond3A_11 {
      %swap3A = arith.constant 0 : index
      %swap3A_16 = arith.constant 0 : index
      %swap3A_17 = vector.load %arg3[%swap3A, %swap3A_16] : memref<7x512xf32, #tpu.memory_space<vmem>>, vector<7x512xf32>
      tpu.vector_store %arg3[%swap3A, %swap3A_16], %reduce_sum3A_7 {strides = array<i32>} : memref<7x512xf32, #tpu.memory_space<vmem>>, vector<7x512xf32>,
      %swap3A_18 = arith.constant 0 : index
      %swap3A_19 = arith.constant 0 : index
      %swap3A_20 = vector.load %arg4[%swap3A_18, %swap3A_19] : memref<7x512xf32, #tpu.memory_space<vmem>>, vector<7x512xf32>
      tpu.vector_store %arg4[%swap3A_18, %swap3A_19], %reduce_sum3A_9 {strides = array<i32>} : memref<7x512xf32, #tpu.memory_space<vmem>>, vector<7x512xf32>,
    } else {
    }
    %ne3A = arith.constant 0 : i32
    %ne3A_12 = arith.cmpi ne, %arg0, %ne3A : i32
    %convert_element_type3A_13 = arith.extui %ne3A_12 : i1 to i32
    %cond3A_14 = arith.constant 0 : i32
    %cond3A_15 = arith.cmpi ne, %convert_element_type3A_13, %cond3A_14 : i32
    scf.if %cond3A_15 {
      %get3A_16 = arith.constant 0 : index
      %get3A_17 = arith.constant 0 : index
      %get3A_18 = vector.load %arg3[%get3A_16, %get3A_17] : memref<7x512xf32, #tpu.memory_space<vmem>>, vector<7x512xf32>
      %add3A = arith.addf %get3A_18, %reduce_sum3A_7 : vector<7x512xf32>
      %swap3A = arith.constant 0 : index
      %swap3A_19 = arith.constant 0 : index
      %swap3A_20 = vector.load %arg3[%swap3A, %swap3A_19] : memref<7x512xf32, #tpu.memory_space<vmem>>, vector<7x512xf32>
      tpu.vector_store %arg3[%swap3A, %swap3A_19], %add3A {strides = array<i32>} : memref<7x512xf32, #tpu.memory_space<vmem>>, vector<7x512xf32>,
      %get3A_21 = arith.constant 0 : index
      %get3A_22 = arith.constant 0 : index
      %get3A_23 = vector.load %arg4[%get3A_21, %get3A_22] : memref<7x512xf32, #tpu.memory_space<vmem>>, vector<7x512xf32>
      %add3A_24 = arith.addf %get3A_23, %reduce_sum3A_9 : vector<7x512xf32>
      %swap3A_25 = arith.constant 0 : index
      %swap3A_26 = arith.constant 0 : index
      %swap3A_27 = vector.load %arg4[%swap3A_25, %swap3A_26] : memref<7x512xf32, #tpu.memory_space<vmem>>, vector<7x512xf32>
      tpu.vector_store %arg4[%swap3A_25, %swap3A_26], %add3A_24 {strides = array<i32>} : memref<7x512xf32, #tpu.memory_space<vmem>>, vector<7x512xf32>,
    } else {
    }
    return
  }
  func.func @transform_0(%arg0: i32) -> (i32, i32, i32) {
    %c0_i32 = arith.constant 0 : i32
    %c0_i32_0 = arith.constant 0 : i32
    %c0_i32_1 = arith.constant 0 : i32
    return %c0_i32, %arg0, %c0_i32_0 : i32, i32, i32
  }
  func.func @transform_1(%arg0: i32) -> (i32, i32, i32) {
    %c0_i32 = arith.constant 0 : i32
    %c0_i32_0 = arith.constant 0 : i32
    %c0_i32_1 = arith.constant 0 : i32
    return %c0_i32, %arg0, %c0_i32_0 : i32, i32, i32
  }
  func.func @transform_2(%arg0: i32) -> (i32, i32) {
    %c0_i32 = arith.constant 0 : i32
    %c0_i32_0 = arith.constant 0 : i32
    %c0_i32_1 = arith.constant 0 : i32
    return %c0_i32, %c0_i32_0 : i32, i32
  }
  func.func @transform_3(%arg0: i32) -> (i32, i32) {
    %c0_i32 = arith.constant 0 : i32
    %c0_i32_0 = arith.constant 0 : i32
    %c0_i32_1 = arith.constant 0 : i32
    return %c0_i32, %c0_i32_0 : i32, i32
  }
}

</mosaic_0001>

<sc_bundles>
// kernel: kernel.4.cloned.1.call-start
scs
__scs_entry_jumppad:
0x0: {  	(pc) =	sbr.rel $0x88, $3  }
0x1: {  	(tag) =	ssettag $0x0;
	lr =	simm.s32 $0x1  }
0x2: {  	[smem:$0x3F9E] =	sst lr;
	_ =	strace $0xD0000000  }
0x3: {  	_ = 	snop  }
0x4: {  	_ = 	snop  }
0x5: {  	_ = 	snop  }
0x6: {  	_ = 	snop  }
0x7: {  	_ = 	snop  }
__scs_overlays_trampoline_lowered:
0x8: {  	[smem:$0x3FAD] =	sst s0  }
0x9: {  	[smem:$0x3FAE] =	sst s1  }
0xa: {  	[smem:$0x3FAF] =	sst s2  }
0xb: {  	[smem:$0x3FB0] =	sst s3  }
0xc: {  	[smem:$0x3FB1] =	sst s4  }
0xd: {  	[smem:$0x3FB2] =	sst s5  }
0xe: {  	[smem:$0x3FB3] =	sst s6  }
0xf: {  	[smem:$0x3FB4] =	sst s7  }
0x10: {  	[smem:$0x3FB5] =	sst s8  }
0x11: {  	[smem:$0x3FB6] =	sst s9;
	s0 =	simm.s32 @!p0 $0x0  }
0x12: {  	s1 =	sld [smem:$0x3F9C];
	s0 =	simm.s32 @p0 $0x1  }
0x13: {  	[smem:$0x3FB7] =	sst s0;
	s0 =	simm.s32 @!p1 $0x0  }
0x14: {  	s2 =	sld [smem:$0x3F9B];
	s0 =	simm.s32 @p1 $0x1  }
0x15: {  	[smem:$0x3FB8] =	sst s0;
	s0 =	simm.s32 @!p2 $0x0  }
0x16: {  	s3 =	sld [smem:$0x3FDB];
	s0 =	simm.s32 @p2 $0x1  }
0x17: {  	s4 =	simm.s32 $0x1BF5;
	[smem:$0x3FBA] =	sst s0  }
0x18: {  	s0 =	sld [smem:$0x3F9D];
	_ =	swait.ge [sflag:s4], $0x0  }
0x19: {  	s7 =	sld [smem:$0x3F9E]  }
0x1a: {  	s8 =	sadd.s32 $0xFFFFE003, lr  }
0x1b: {  	s9 =	sadd.s32 $0xFFFFFEF7, lr;
	s5 =	simm.s32 $0xFFFFFFFF;
	p2 =	slt.u32 s8, $0xFFFFF086  }
0x1c: {  	p1 =	slt.u32 s9, $0xF7A;
	s5 =	simm.s32 @!p2 $0x0  }
0x1d: {  	s5 =	simm.s32 @p1 $0x1;
	p0 =	seq.s32 s7, s2  }
0x1e: {  	s7 =	smul.u32 @!p0 $0xF7A, s2;
	p2 =	seq.s32 @!p0 s5, $0x0  }
0x1f: {  	s9 =	smul.u32 $0xF7A, s1;
	s8 =	simm.s32 @!p0 $0x1BF5;
	p2 =	por !p2, p0  }
0x20: {  	[sflag:s8] =	ssyncset.s32 @!p0 $0xFFFFF086;
	s6 =	sadd.s32 @!p0 s3, s7;
	s7 =	simm.s32 @!p0 $0x108  }
0x21: {  	s3 =	sadd.s32 s3, s9;
	s6 =	sadd.s32 @!p0 $0x88, s6;
	s7 =	simm.s32 @p2 $0x1082  }
0x22: {  	[simem:s7], [sflag:s8] =	dma.local @!p0 [hbm:s6], $0xF7A  }
0x23: {  	s9 =	sor.u32 $0xD0000000, s2;
	s6 =	simm.s32 $0x108;
	_ =	swait.ge @!p0 [sflag:s8], $0x0  }
0x24: {  	s3 =	sadd.s32 $0x88, s3;
	s6 =	simm.s32 @!p1 $0x1082;
	[sflag:s4] =	ssyncset.s32 $0xFFFFF086  }
0x25: {  	[simem:s6], [sflag:s4] =	dma.local [hbm:s3], $0xF7A  }
0x26: {  	[smem:$0x3F9E] =	sst s1;
	(tag) =	ssettag s2;
	_ =	strace s9  }
0x27: {  	s1 =	sld [smem:$0x3FAE]  }
0x28: {  	s2 =	sld [smem:$0x3FAF]  }
0x29: {  	s4 =	sld [smem:$0x3FB1]  }
0x2a: {  	p0 =	seq.s32 s5, $0x0;
	s5 =	sld [smem:$0x3FB2]  }
0x2b: {  	s6 =	sld [smem:$0x3FB3]  }
0x2c: {  	s7 =	sld [smem:$0x3FB4]  }
0x2d: {  	s3 =	simm.s32 $0x108;
	s8 =	sld [smem:$0x3FB5]  }
0x2e: {  	s3 =	simm.s32 @!p0 $0x1082;
	s9 =	sld [smem:$0x3FB6]  }
0x2f: {  	lr =	sadd.s32 s0, s3;
	s0 =	sld [smem:$0x3FAD]  }
0x30: {  	s3 =	sld [smem:$0x3FB0]  }
0x31: {  	[smem:$0x3FB9] =	sst s10  }
0x32: {  	s10 =	sld [smem:$0x3FB7];
	_ =	sdelay $0x3  }
0x33: {  	p0 =	seq.s32 s10, $0x1;
	s10 =	sld [smem:$0x3FB9];
	_ =	sdelay $0x3  }
0x34: {  	[smem:$0x3FB9] =	sst s10  }
0x35: {  	s10 =	sld [smem:$0x3FB8];
	_ =	sdelay $0x3  }
0x36: {  	p1 =	seq.s32 s10, $0x1;
	s10 =	sld [smem:$0x3FB9];
	_ =	sdelay $0x3  }
0x37: {  	[smem:$0x3FB9] =	sst s10  }
0x38: {  	s10 =	sld [smem:$0x3FBA]  }
0x39: {  	_ = 	snop;
	(pc) =	sbr.ind lr, $3  }
0x3a: {  	_ = 	snop  }
0x3b: {  	_ = 	snop  }
0x3c: {  	p2 =	seq.s32 s10, $0x1;
	s10 =	sld [smem:$0x3FB9]  }
0x3d: {  	_ =	shalt  }
0x3e: {  	_ =	shalt  }
0x3f: {  	_ =	shalt  }
0x40: {  	_ =	shalt  }
0x41: {  	_ =	shalt  }
0x42: {  	_ =	shalt  }
0x43: {  	_ =	shalt  }
0x44: {  	_ =	shalt  }
0x45: {  	_ =	shalt  }
0x46: {  	_ =	shalt  }
0x47: {  	_ =	shalt  }
0x48: {  	_ =	shalt  }
0x49: {  	_ =	shalt  }
0x4a: {  	_ =	shalt  }
0x4b: {  	_ =	shalt  }
0x4c: {  	_ =	shalt  }
0x4d: {  	_ =	shalt  }
0x4e: {  	_ =	shalt  }
0x4f: {  	_ =	shalt  }
0x50: {  	_ =	shalt  }
0x51: {  	_ =	shalt  }
0x52: {  	_ =	shalt  }
0x53: {  	_ =	shalt  }
0x54: {  	_ =	shalt  }
0x55: {  	_ =	shalt  }
0x56: {  	_ =	shalt  }
0x57: {  	_ =	shalt  }
0x58: {  	_ =	shalt  }
0x59: {  	_ =	shalt  }
0x5a: {  	_ =	shalt  }
0x5b: {  	_ =	shalt  }
0x5c: {  	_ =	shalt  }
0x5d: {  	_ =	shalt  }
0x5e: {  	_ =	shalt  }
0x5f: {  	_ =	shalt  }
0x60: {  	_ =	shalt  }
0x61: {  	_ =	shalt  }
0x62: {  	_ =	shalt  }
0x63: {  	_ =	shalt  }
0x64: {  	_ =	shalt  }
0x65: {  	_ =	shalt  }
0x66: {  	_ =	shalt  }
0x67: {  	_ =	shalt  }
0x68: {  	_ =	shalt  }
0x69: {  	_ =	shalt  }
0x6a: {  	_ =	shalt  }
0x6b: {  	_ =	shalt  }
0x6c: {  	_ =	shalt  }
0x6d: {  	_ =	shalt  }
0x6e: {  	_ =	shalt  }
0x6f: {  	_ =	shalt  }
0x70: {  	_ =	shalt  }
0x71: {  	_ =	shalt  }
0x72: {  	_ =	shalt  }
0x73: {  	_ =	shalt  }
0x74: {  	_ =	shalt  }
0x75: {  	_ =	shalt  }
0x76: {  	_ =	shalt  }
0x77: {  	_ =	shalt  }
0x78: {  	_ =	shalt  }
0x79: {  	_ =	shalt  }
0x7a: {  	_ =	shalt  }
0x7b: {  	_ =	shalt  }
0x7c: {  	_ =	shalt  }
0x7d: {  	_ =	shalt  }
0x7e: {  	_ =	shalt  }
0x7f: {  	_ =	shalt  }
0x80: {  	_ =	shalt  }
0x81: {  	_ =	shalt  }
0x82: {  	_ =	shalt  }
0x83: {  	_ =	shalt  }
0x84: {  	_ =	shalt  }
0x85: {  	_ =	shalt  }
0x86: {  	_ =	shalt  }
0x87: {  	_ =	shalt  }
.Lfunc_end0:
.L_simem_size_0:
called_computation_lowered:
.L_overlay_start_0:
0x88: {  	s0 =	sld [smem:$0x3FD9]  }
0x89: {  	s1 =	sld [smem:$0x3FFE];
	_ =	sdelay $0x3  }
0x8a: {  	s0 =	sadd.s32 s1, s0  }
0x8b: {  	[smem:$0x3FC5] =	sst s0  }
0x8c: {  	_ = 	snop  }
0x8d: {  	s0 =	sld [smem:$0x3FD0];
	(tm) =	ssettm $0x1  }
0x8e: {  	s16 =	sld [smem:$0x3FFB];
	_ =	sdelay $0x3  }
0x8f: {  	_ =	strace s16  }
0x90: {  	s1 =	sld [smem:$0x3FFC];
	_ =	sdelay $0x3  }
0x91: {  	_ =	strace s1  }
0x92: {  	s1 =	sld [smem:$0x3FFD];
	_ =	sdelay $0x3  }
0x93: {  	_ =	strace s1  }
0x94: {  	_ =	strace $0x8FFFFFFF  }
0x95: {  	s17 =	sld [smem:$0x3FDB];
	_ =	sdelay $0x1  }
0x96: {  	s2 =	simm.s32 $_scs_section_size  }
0x97: {  	s3 =	simm.s32 $_size__tile_overlayer_lowered;
	s4 =	simm.s32 $_tile_overlayer_lowered  }
0x98: {  	s20 =	simm.s32 $0x1BFF;
	s19 =	sshll.u32 s4, $0x1;
	s1 =	sadd.s32 s2, s17  }
0x99: {  	s5 =	simm.s32 $0x0;
	s18 =	sshll.u32 s3, $0x1;
	s3 =	sadd.s32 s19, s1  }
0x9a: {  	[timem:s5], [sflag:s20] =	dma.local [hbm:s3], s18  }
0x9b: {  	_ =	swait.ge [sflag:s20], s18  }
0x9c: {  	s2 =	ssub.s32 $0x0, s18;
	[sflag:s20] =	ssyncset.done $0x0  }
0x9d: {  	[sflag:s20] =	ssyncadd.s32 s2;
	_ =	sdelay $0x1  }
0x9e: {  	s21 =	simm.s32 $0x1B8B  }
0x9f: {  	_ =	swait.ge [sflag:s21], $0x1  }
0xa0: {  	[sflag:s21] =	ssyncset.done $0x0  }
0xa1: {  	s23 =	simm.s32 $0x1B8E;
	s22 =	sld [smem:$0x3FFE];
	[sflag:s21] =	ssyncadd.s32 $0xFFFFFFFF  }
0xa2: {  	s24 =	simm.s32 $execute0_lowered;
	[smem:$0x3FD2] =	sst s23  }
0xa3: {  	s3 =	sshll.u32 s24, $0x1;
	_ =	strace $0x80000046;
	[dreg:$0x1] =	wrdreg $0xFFFFFFFF  }
0xa4: {  	s25 =	simm.s32 $_size_execute0_lowered;
	s1 =	sadd.s32 s1, s3;
	[dreg:$0x0] =	wrdreg $0x0  }
0xa5: {  	s3 =	sshll.u32 s25, $0x1;
	[dreg:$0x2] =	wrdreg s1  }
0xa6: {  	[dreg:$0x3] =	wrdreg s3  }
0xa7: {  	[dreg:$0x4] =	wrdreg $0xC0  }
0xa8: {  	_ =	task [dreg:s5], $0x5FFFF  }
0xa9: {  	[dreg:$0x1] =	wrdreg $0xFFFFFFFF  }
0xaa: {  	[dreg:$0x0] =	wrdreg $0x60  }
0xab: {  	[dreg:$0x2] =	wrdreg s22  }
0xac: {  	[dreg:$0x3] =	wrdreg s0  }
0xad: {  	[dreg:$0x4] =	wrdreg $0x9  }
0xae: {  	_ =	task.clear_ibuf [dreg:s5], $0x5FFFF;
	_ =	strace $0x90000046  }
0xaf: {  	s26 =	simm.s32 $0x9;
	_ =	strace $0x80000048  }
0xb0: {  	_ =	swait.ge [sflag:s26], $0x1  }
0xb1: {  	[sflag:s26] =	ssyncadd.s32 $0xFFFFFFFF  }
0xb2: {  	_ =	strace $0x90000048  }
0xb3: {  	_ =	sfence  }
0xb4: {  	s28 =	sld [smem:$0x0];
	_ =	sdelay $0x1  }
0xb5: {  	s29 =	srdreg.scid  }
0xb6: {  	s30 =	sshll.u32 s29, $0xD;
	s31 =	sshrl.u32 s29, $0x2  }
0xb7: {  	s2 =	sand.u32 $0x4000, s30;
	s1 =	sand.u32 $0x1, s29;
	s0 =	sadd.s32 s31, s28  }
0xb8: {  	s1 =	sor.u32 s2, s1;
	s0 =	sshll.u32 s0, $0x11  }
0xb9: {  	s0 =	sor.u32 s0, s1  }
0xba: {  	s0 =	sadd.s32 $0x8F2B, s0  }
0xbb: {  	[sflag:s0] =	ssyncadd.remote.s32 $0x1  }
0xbc: {  	_ =	sfence.sel $0xFFFF  }
0xbd: {  	[dreg:$0x0] =	wrdreg $0xFFFFFFFF;
	(pc) =	sbr.abs _section_cstart, $3  }
0xbe: {  	[dreg:$0x1] =	wrdreg $0xFFFFFFFF  }
0xbf: {  	_ =	task.clear_ibuf [dreg:s5], $0x2FFFF;
	_ =	strace $0x9FFFFFFF  }
0xc0: {  	(tm) =	ssettm $0x7FFFFFFF  }
0xc1: {  	_ =	shalt  }
tec
execute0_lowered:
.L_overlay_start_1:
0x0: {  	(tag) =	ssettag $0x1  }
0x1: {  	s2 =	rddreg [dreg:$0x0]  }
0x2: {  	s1 =	rddreg [dreg:$0x1];
	s3 =	stileid.u32  }
0x3: {  	s0 =	rddreg [dreg:$0x2];
	_ =	strace $0x80000047;
	p0 =	sne.s32 s3, $0x0  }
0x4: {  	_ =	sfence.sel @p0 $0x180000  }
0x5: {  	[bflag:$0x0] =	sbarrier.arrive @p0 $0xFFFF  }
0x6: {  	_ =	strace @p0 $0x90000047  }
0x7: {  	[bflag:$0x2] =	sbarrier.arrive @p0 $0xFFFF  }
0x8: {  	_ =	shalt @p0  }
.LBB2_1:
0x9: {  	s3 =	sadd.s32 $0x600, s2;
	s4 =	simm.s32 $0x0;
	s30 =	simm.s32 $0x1  }
0xa: {  	[tilespmem:s4], [sflag:$0x1] =	stream.linear.gather [hbm4b:s3+s4], $0xE00, $0x38;
	[tilespmem:$0x2B80] =	vst v63  }
0xb: {  	_ =	swait.ge [sflag:s30], $0xE00  }
0xc: {  	[sflag:s30] =	ssyncset.done $0x0  }
0xd: {  	s31 =	sadd.s32 $0x800, s2;
	s5 =	simm.s32 $0xE00;
	[sflag:s30] =	ssyncadd.s32 $0xFFFFF200  }
0xe: {  	[tilespmem:s5], [sflag:$0x1] =	stream.linear.gather [hbm4b:s31+s4], $0xE00, $0x38;
	[tilespmem:$0x2B80] =	vst v63  }
0xf: {  	_ =	swait.ge [sflag:s30], $0xE00  }
0x10: {  	[sflag:s30] =	ssyncset.done $0x0  }
0x11: {  	s2 =	simm.s32 $0x0;
	[sflag:s30] =	ssyncadd.s32 $0xFFFFF200  }
0x12: {  	s3 =	simm.s32 $0x40;
	v0 =	vld [tilespmem:s2+$0x0]  }
.LBB2_2:
0x13: {  	p0 =	sne.s32 s3, $0x37C0  }
.Ltmp0:
0x14: {  	_ = 	snop;
	(pc) =	sbr.rel @p0 .LBB2_2-.Ltmp0, $3  }
0x15: {  	_ =	sdelay $0x1  }
0x16: {  	s4 =	sshra.s32 s3, $0x2;
	s3 =	sadd.s32 $0x40, s3;
	v1 =	vand.u32 $0x7FFFFFFF, v0  }
0x17: {  	v0 =	vld [tilespmem:s4+$0x0];
	[tilespmem:s2+$0x1C00] =	vst v1;
	s2 =	smov.u32 s4  }
0x18: {  	_ =	sdelay $0x3  }
0x19: {  	v0 =	vand.u32 $0x7FFFFFFF, v0  }
0x1a: {  	[tilespmem:s2+$0x1C00] =	vst v0;
	v0 =	vimm.s32 $0x0  }
0x1b: {  	[tilespmem:$0x2A00] =	vst v0  }
0x1c: {  	[tilespmem:$0x2A10] =	vst v0  }
0x1d: {  	[tilespmem:$0x2A20] =	vst v0  }
0x1e: {  	[tilespmem:$0x2A30] =	vst v0  }
0x1f: {  	[tilespmem:$0x2A40] =	vst v0  }
0x20: {  	[tilespmem:$0x2A50] =	vst v0  }
0x21: {  	[tilespmem:$0x2A60] =	vst v0  }
0x22: {  	[tilespmem:$0x2A70] =	vst v0  }
0x23: {  	[tilespmem:$0x2A80] =	vst v0  }
0x24: {  	[tilespmem:$0x2A90] =	vst v0  }
0x25: {  	[tilespmem:$0x2AA0] =	vst v0  }
0x26: {  	[tilespmem:$0x2AB0] =	vst v0  }
0x27: {  	[tilespmem:$0x2AC0] =	vst v0  }
0x28: {  	[tilespmem:$0x2AD0] =	vst v0  }
0x29: {  	[tilespmem:$0x2AE0] =	vst v0  }
0x2a: {  	s4 =	simm.s32 $0x0;
	s3 =	simm.s32 $0x40;
	s2 =	simm.s32 $0x2A00;
	[tilespmem:$0x2AF0] =	vst v0;
	v0 =	vimm.s32 $0x1  }
.LBB2_4:
0x2b: {  	p0 =	sne.s32 s3, $0x37C0;
	v1 =	vld [tilespmem:s4+$0x1C00];
	_ =	sdelay $0x4  }
0x2c: {  	v1 =	vshrl.u32 v1, $0x18  }
.Ltmp1:
0x2d: {  	(pc) =	sbr.rel @p0 .LBB2_4-.Ltmp1, $2  }
0x2e: {  	_ =	sdelay $0x2  }
0x2f: {  	s4 =	sshra.s32 s3, $0x2;
	s3 =	sadd.s32 $0x40, s3;
	[tilespmem:v1+s2+$0x0] =	vst.idx.add.s32.msk $0xffff, v0  }
0x30: {  	v1 =	vld [tilespmem:s4+$0x1C00];
	_ =	sdelay $0x4  }
0x31: {  	v1 =	vshrl.u32 v1, $0x18;
	_ =	sdelay $0x4  }
0x32: {  	[tilespmem:v1+s2+$0x0] =	vst.idx.add.s32.msk $0xffff, v0  }
0x33: {  	v0 =	vld [tilespmem:$0x2A00]  }
0x34: {  	v1 =	vld [tilespmem:$0x2A10]  }
0x35: {  	v2 =	vld [tilespmem:$0x2A20];
	_ =	sdelay $0x1  }
0x36: {  	v3 =	vld [tilespmem:$0x2A30]  }
0x37: {  	(xrf0) =	vadd.scan.msk.s32 $0xffff, v0;
	v0 =	vld [tilespmem:$0x2A40]  }
0x38: {  	(xrf0) =	vadd.scan.msk.s32 $0xffff, v1;
	v1 =	vld [tilespmem:$0x2A50]  }
0x39: {  	(xrf0) =	vadd.scan.msk.s32 $0xffff, v2  }
0x3a: {  	v2 =	vld [tilespmem:$0x2A60]  }
0x3b: {  	(xrf0) =	vadd.scan.msk.s32 $0xffff, v3;
	v3 =	vld [tilespmem:$0x2A70]  }
0x3c: {  	v4 =	vld [tilespmem:$0x2A80];
	(xrf0) =	vadd.scan.msk.s32 $0xffff, v0  }
0x3d: {  	v0, _, _ =	vpop (xrf0);
	(xrf0) =	vadd.scan.msk.s32 $0xffff, v1  }
0x3e: {  	v5 =	vld [tilespmem:$0x2A90];
	(v2sf) =	vpush v0, $0xF;
	v1, _, _ =	vpop (xrf0)  }
0x3f: {  	(xrf0) =	vadd.scan.msk.s32 $0xffff, v2;
	v2 =	vld [tilespmem:$0x2AA0];
	(v2sf) =	vpush v1, $0xF;
	v6, _, _ =	vpop (xrf0)  }
0x40: {  	(xrf0) =	vadd.scan.msk.s32 $0xffff, v3;
	v3 =	vld [tilespmem:$0x2AB0];
	(v2sf) =	vpush v6, $0xF  }
0x41: {  	v7, _, _ =	vpop (xrf0);
	(xrf0) =	vadd.scan.msk.s32 $0xffff, v4  }
0x42: {  	v8 =	vld [tilespmem:$0x2AC0];
	(v2sf) =	vpush v7, $0xF;
	v4, _, _ =	vpop (xrf0)  }
0x43: {  	(v2sf) =	vpush v4, $0xF;
	v9, _, _ =	vpop (xrf0);
	(xrf0) =	vadd.scan.msk.s32 $0xffff, v5;
	v5 =	vld [tilespmem:$0x2AD0]  }
0x44: {  	(v2sf) =	vpush v9, $0xF;
	(xrf0) =	vadd.scan.msk.s32 $0xffff, v2;
	v2 =	vld [tilespmem:$0x2AE0]  }
0x45: {  	v10, _, _ =	vpop (xrf0);
	(xrf0) =	vadd.scan.msk.s32 $0xffff, v3  }
0x46: {  	(v2sf) =	vpush v10, $0xF;
	v11, _, _ =	vpop (xrf0)  }
0x47: {  	(v2sf) =	vpush v11, $0xF;
	v12, _, _ =	vpop (xrf0);
	(xrf0) =	vadd.scan.msk.s32 $0xffff, v8  }
0x48: {  	(v2sf) =	vpush v12, $0xF;
	(xrf0) =	vadd.scan.msk.s32 $0xffff, v5  }
0x49: {  	v13, _, _ =	vpop (xrf0);
	(xrf0) =	vadd.scan.msk.s32 $0xffff, v2  }
0x4a: {  	v14, _, _ =	vpop (xrf0);
	(v2sf) =	vpush v13, $0xF  }
0x4b: {  	v15, _, _ =	vpop (xrf0);
	(v2sf) =	vpush v14, $0xF  }
0x4c: {  	(v2sf) =	vpush v15, $0xF  }
0x4d: {  	vm0 =	vlt.s32 v0, $0x866;
	v3 =	vimm.s32 $0x0;
	v2 =	vbroadcast v0, $0xF;
	v16, _, _ =	vpop (xrf0);
	s17 =	spop (v2sf)  }
0x4e: {  	v18 =	vimm.s32 $0x0;
	v3 =	vsel vm0, $0xFFFFFFFF, v3;
	(v2sf) =	vpush v16, $0xF;
	v17, _, _ =	vpop (xrf0);
	s3 =	spop (v2sf)  }
0x4f: {  	v5 =	vsel vm0, $0x1, v18;
	v1 =	vadd.s32 v2, v1;
	s2 =	sadd.s32 s17, s3;
	s18 =	spop (v2sf);
	(v2sf) =	vpush v17, $0xF;
	v19, _, _ =	vpop (xrf0)  }
0x50: {  	vm1 =	vlt.s32 v1, $0x866;
	v2 =	vadd.s32 s2, v6;
	s2 =	sadd.s32 s18, s2;
	(v2sf) =	vpush v19, $0xF  }
0x51: {  	[tilespmem:$0x1FFF0] =	vst v3;
	s19 =	spop (v2sf);
	v6 =	vsel vm1, $0x1, v18;
	vm2 =	vlt.s32 v2, $0x866;
	v3 =	vadd.s32 s2, v7  }
0x52: {  	v5 =	vadd.s32 v5, v6;
	s2 =	sadd.s32 s19, s2;
	s20 =	spop (v2sf);
	v6 =	vsel vm2, $0x1, v18;
	vm3 =	vlt.s32 v3, $0x866  }
0x53: {  	v4 =	vadd.s32 s2, v4;
	s21 =	spop (v2sf);
	v5 =	vadd.s32 v6, v5;
	v6 =	vsel vm3, $0x1, v18;
	s2 =	sadd.s32 s20, s2  }
0x54: {  	vm4 =	vlt.s32 v4, $0x866;
	v7 =	vadd.s32 v6, v5;
	v5 =	vadd.s32 s2, v9;
	s2 =	sadd.s32 s21, s2  }
0x55: {  	s22 =	spop (v2sf);
	v8 =	vsel vm4, $0x1, v18;
	vm5 =	vlt.s32 v5, $0x866;
	v6 =	vadd.s32 s2, v10  }
0x56: {  	v10 =	vld [tilespmem:$0x2AF0];
	s23 =	spop (v2sf);
	v7 =	vadd.s32 v8, v7;
	s2 =	sadd.s32 s22, s2;
	v8 =	vsel vm5, $0x1, v18;
	vm6 =	vlt.s32 v6, $0x866  }
0x57: {  	s24 =	spop (v2sf);
	v8 =	vadd.s32 v8, v7;
	v9 =	vsel vm6, $0x1, v18;
	v7 =	vadd.s32 s2, v11;
	s2 =	sadd.s32 s23, s2  }
0x58: {  	v11 =	vadd.s32 v9, v8;
	vm7 =	vlt.s32 v7, $0x866;
	v8 =	vadd.s32 s2, v12;
	s2 =	sadd.s32 s24, s2  }
0x59: {  	s25 =	spop (v2sf);
	v12 =	vsel vm7, $0x1, v18;
	vm8 =	vlt.s32 v8, $0x866;
	v9 =	vadd.s32 s2, v13  }
0x5a: {  	s26 =	spop (v2sf);
	v11 =	vadd.s32 v12, v11;
	v12 =	vsel vm8, $0x1, v18;
	vm9 =	vlt.s32 v9, $0x866;
	s2 =	sadd.s32 s25, s2  }
0x5b: {  	(xrf0) =	vadd.scan.msk.s32 $0xffff, v10;
	s28 =	spop (v2sf);
	v11 =	vadd.s32 v12, v11;
	v12 =	vsel vm9, $0x1, v18;
	v10 =	vadd.s32 s2, v14;
	s2 =	sadd.s32 s26, s2  }
0x5c: {  	v13 =	vadd.s32 v12, v11;
	v12 =	vadd.s32 s2, v15;
	s2 =	sadd.s32 s28, s2  }
0x5d: {  	v11 =	vadd.s32 s2, v16  }
0x5e: {  	vm10 =	vlt.s32 v10, $0x866;
	vm12 =	vlt.s32 v11, $0x866  }
0x5f: {  	[tilespmem:$0x2A00] =	vst v18;
	s29 =	spop (v2sf);
	v14 =	vsel vm10, $0x1, v18;
	vm11 =	vlt.s32 v12, $0x866;
	v15 =	vsel vm12, $0x1, v18  }
0x60: {  	[tilespmem:$0x2A10] =	vst v18;
	s2 =	sadd.s32 s29, s2;
	s30 =	spop (v2sf);
	v13 =	vadd.s32 v14, v13;
	v14 =	vsel vm11, $0x1, v18  }
0x61: {  	[tilespmem:$0x2A20] =	vst v18;
	v14 =	vadd.s32 v14, v13;
	v13 =	vadd.s32 s2, v17;
	s2 =	sadd.s32 s30, s2;
	s31 =	spop (v2sf)  }
0x62: {  	[tilespmem:$0x2A30] =	vst v18;
	v16 =	vadd.s32 v15, v14;
	vm13 =	vlt.s32 v13, $0x866;
	v14 =	vadd.s32 s2, v19;
	s2 =	sadd.s32 s31, s2;
	v15, _, _ =	vpop (xrf0)  }
0x63: {  	[tilespmem:$0x2A80] =	vst v18;
	v17 =	vsel vm13, $0x1, v18;
	vm14 =	vlt.s32 v14, $0x866;
	v15 =	vadd.s32 s2, v15  }
0x64: {  	[tilespmem:$0x2A90] =	vst v18;
	v16 =	vadd.s32 v17, v16;
	v17 =	vsel vm14, $0x1, v18;
	vm15 =	vlt.s32 v15, $0x866  }
0x65: {  	[tilespmem:$0x2AC0] =	vst v18;
	v16 =	vadd.s32 v17, v16;
	v17 =	vsel vm15, $0x1, v18  }
0x66: {  	[tilespmem:$0x2A40] =	vst v18;
	v16 =	vadd.s32 v17, v16  }
0x67: {  	[tilespmem:$0x2A50] =	vst v18;
	(xrf0) =	vadd.scan.msk.s32 $0xffff, v16  }
0x68: {  	[tilespmem:$0x2A60] =	vst v18  }
0x69: {  	[tilespmem:$0x2A70] =	vst v18  }
0x6a: {  	[tilespmem:$0x2AA0] =	vst v18  }
0x6b: {  	[tilespmem:$0x2AB0] =	vst v18  }
0x6c: {  	[tilespmem:$0x2AD0] =	vst v18  }
0x6d: {  	[tilespmem:$0x2AE0] =	vst v18;
	v16, _, _ =	vpop (xrf0)  }
0x6e: {  	s4 =	simm.s32 $0x40;
	s3 =	simm.s32 $0x0;
	[tilespmem:$0x2AF0] =	vst v18;
	s2 =	simm.s32 $0x2A00;
	v17 =	vimm.s32 $0x1;
	v18 =	vbroadcast v16, $0xF  }
.LBB2_6:
0x6f: {  	p0 =	sne.s32 s4, $0x37C0;
	v19 =	vld [tilespmem:s3+$0x1C00];
	_ =	sdelay $0x4  }
0x70: {  	v20 =	vshrl.u32 v19, $0x18  }
0x71: {  	v19 =	vshrl.u32 v19, $0x10;
	vm0 =	veq.s32 v20, v18  }
0x72: {  	v19 =	vand.u32 $0xFF, v19  }
.Ltmp2:
0x73: {  	(pc) =	sbr.rel @p0 .LBB2_6-.Ltmp2, $2  }
0x74: {  	_ =	sdelay $0x2  }
0x75: {  	s3 =	sshra.s32 s4, $0x2;
	s4 =	sadd.s32 $0x40, s4;
	[tilespmem:v19+s2+$0x0] =	vst.idx.add.s32.msk vm0, v17  }
0x76: {  	v19 =	vld [tilespmem:$0x1FFF0];
	_ =	sdelay $0x3  }
0x77: {  	vm0 =	vgt.s32 v0, $0x0  }
0x78: {  	v0 =	vnsel vm0, $0x0, v0;
	vm0 =	vnez.u8 v19  }
0x79: {  	v0 =	vnsel vm0, $0x0, v0  }
0x7a: {  	vm0 =	vgt.s32 v0, v1  }
0x7b: {  	v1 =	vsel vm0, v0, v1  }
0x7c: {  	v0 =	vsel vm1, v1, v0  }
0x7d: {  	vm0 =	vgt.s32 v0, v2  }
0x7e: {  	v1 =	vsel vm0, v0, v2  }
0x7f: {  	v0 =	vsel vm2, v1, v0  }
0x80: {  	vm0 =	vgt.s32 v0, v3  }
0x81: {  	v1 =	vsel vm0, v0, v3  }
0x82: {  	v0 =	vsel vm3, v1, v0;
	v1 =	vnsel vm4, $0x0, v4  }
0x83: {  	vm4 =	vgt.s32 v0, v1  }
0x84: {  	v0 =	vsel vm4, v0, v1;
	v1 =	vnsel vm5, $0x0, v5  }
0x85: {  	vm0 =	vgt.s32 v0, v1  }
0x86: {  	v0 =	vsel vm0, v0, v1;
	v1 =	vnsel vm6, $0x0, v6  }
0x87: {  	vm0 =	vgt.s32 v0, v1  }
0x88: {  	v0 =	vsel vm0, v0, v1;
	v1 =	vnsel vm7, $0x0, v7  }
0x89: {  	vm0 =	vgt.s32 v0, v1  }
0x8a: {  	v0 =	vsel vm0, v0, v1;
	v1 =	vnsel vm8, $0x0, v8  }
0x8b: {  	vm0 =	vgt.s32 v0, v1  }
0x8c: {  	v2 =	vnsel vm9, $0x0, v9;
	v0 =	vsel vm0, v0, v1;
	v1 =	vld [tilespmem:s3+$0x1C00]  }
0x8d: {  	vm0 =	vgt.s32 v0, v2  }
0x8e: {  	v0 =	vsel vm0, v0, v2;
	v2 =	vnsel vm10, $0x0, v10  }
0x8f: {  	vm0 =	vgt.s32 v0, v2  }
0x90: {  	v0 =	vsel vm0, v0, v2;
	v2 =	vnsel vm11, $0x0, v12  }
0x91: {  	v3 =	vshrl.u32 v1, $0x18;
	v1 =	vshrl.u32 v1, $0x10;
	vm0 =	vgt.s32 v0, v2  }
0x92: {  	v0 =	vsel vm0, v0, v2;
	vm9 =	veq.s32 v3, v18;
	v2 =	vnsel vm12, $0x0, v11  }
0x93: {  	v1 =	vand.u32 $0xFF, v1;
	vm10 =	vgt.s32 v0, v2  }
0x94: {  	v0 =	vsel vm10, v0, v2;
	v2 =	vnsel vm13, $0x0, v13  }
0x95: {  	vm1 =	vgt.s32 v0, v2  }
0x96: {  	v0 =	vsel vm1, v0, v2;
	v2 =	vnsel vm14, $0x0, v14  }
0x97: {  	vm1 =	vgt.s32 v0, v2  }
0x98: {  	[tilespmem:v1+s2+$0x0] =	vst.idx.add.s32.msk vm9, v17;
	v0 =	vsel vm1, v0, v2;
	v1 =	vnsel vm15, $0x0, v15  }
0x99: {  	vm11 =	vgt.s32 v0, v1;
	v2 =	vld [tilespmem:$0x2A00]  }
0x9a: {  	v0 =	vsel vm11, v0, v1;
	v1 =	vld [tilespmem:$0x2A10]  }
0x9b: {  	v3 =	vld [tilespmem:$0x2A20];
	v0 =	vxor.u32 $0x80000000, v0  }
0x9c: {  	(xrf0) =	vmax.scan.msk.u32 $0xffff, v0  }
0x9d: {  	v0 =	vld [tilespmem:$0x2A30]  }
0x9e: {  	(xrf0) =	vadd.scan.msk.s32 $0xffff, v2;
	v2 =	vld [tilespmem:$0x2A40]  }
0x9f: {  	(xrf0) =	vadd.scan.msk.s32 $0xffff, v1;
	v1 =	vld [tilespmem:$0x2A50]  }
0xa0: {  	(xrf0) =	vadd.scan.msk.s32 $0xffff, v3  }
0xa1: {  	v3 =	vld [tilespmem:$0x2A60]  }
0xa2: {  	(v2sf) =	vpush v16, $0xF;
	v5 =	vld [tilespmem:$0x2A70];
	v4, _, _ =	vpop (xrf0);
	(xrf0) =	vadd.scan.msk.s32 $0xffff, v0  }
0xa3: {  	(v2sf) =	vpush v4, $0xF;
	(xrf0) =	vadd.scan.msk.s32 $0xffff, v2;
	v2 =	vld [tilespmem:$0x2A80]  }
0xa4: {  	v0, _, _ =	vpop (xrf0);
	(xrf0) =	vadd.scan.msk.s32 $0xffff, v1  }
0xa5: {  	v4 =	vld [tilespmem:$0x2A90];
	(v2sf) =	vpush v0, $0xF;
	v1, _, _ =	vpop (xrf0)  }
0xa6: {  	(xrf0) =	vadd.scan.msk.s32 $0xffff, v3;
	v3 =	vld [tilespmem:$0x2AA0];
	(v2sf) =	vpush v1, $0xF;
	v6, _, _ =	vpop (xrf0)  }
0xa7: {  	(xrf0) =	vadd.scan.msk.s32 $0xffff, v5;
	v5 =	vld [tilespmem:$0x2AB0];
	(v2sf) =	vpush v6, $0xF  }
0xa8: {  	v7, _, _ =	vpop (xrf0);
	(xrf0) =	vadd.scan.msk.s32 $0xffff, v2  }
0xa9: {  	(v2sf) =	vpush v7, $0xF;
	v8, _, _ =	vpop (xrf0)  }
0xaa: {  	v2 =	vld [tilespmem:$0x2AC0];
	(v2sf) =	vpush v8, $0xF;
	v9, _, _ =	vpop (xrf0);
	(xrf0) =	vadd.scan.msk.s32 $0xffff, v4  }
0xab: {  	v4 =	vld [tilespmem:$0x2AD0];
	(v2sf) =	vpush v9, $0xF;
	(xrf0) =	vadd.scan.msk.s32 $0xffff, v3  }
0xac: {  	v3 =	vld [tilespmem:$0x2AE0];
	v10, _, _ =	vpop (xrf0);
	(xrf0) =	vadd.scan.msk.s32 $0xffff, v5  }
0xad: {  	(v2sf) =	vpush v10, $0xF;
	v11, _, _ =	vpop (xrf0)  }
0xae: {  	(v2sf) =	vpush v11, $0xF;
	v12, _, _ =	vpop (xrf0)  }
0xaf: {  	(xrf0) =	vadd.scan.msk.s32 $0xffff, v2;
	(v2sf) =	vpush v12, $0xF  }
0xb0: {  	(xrf0) =	vadd.scan.msk.s32 $0xffff, v4;
	v13, _, _ =	vpop (xrf0)  }
0xb1: {  	s16 =	spop (v2sf);
	(xrf0) =	vadd.scan.msk.s32 $0xffff, v3;
	v14, _, _ =	vpop (xrf0);
	(v2sf) =	vpush v13, $0xF  }
0xb2: {  	v15, _, _ =	vpop (xrf0);
	s17 =	spop (v2sf);
	(v2sf) =	vpush v14, $0xF  }
0xb3: {  	v2 =	vbroadcast v0, $0xF;
	s2 =	sxor.u32 $0x80000000, s17;
	(v2sf) =	vpush v15, $0xF  }
0xb4: {  	s2 =	ssub.s32 $0x866, s2;
	s4 =	spop (v2sf)  }
0xb5: {  	v18 =	vimm.s32 $0x0;
	v1 =	vadd.s32 v2, v1;
	v16, _, _ =	vpop (xrf0);
	vm12 =	vlt.s32 v0, s2;
	s5 =	spop (v2sf)  }
0xb6: {  	v17, _, _ =	vpop (xrf0);
	(v2sf) =	vpush v16, $0xF;
	vm13 =	vlt.s32 v1, s2;
	v4 =	vsel vm12, $0x1, v18;
	s4 =	sadd.s32 s4, s5;
	s18 =	spop (v2sf)  }
0xb7: {  	(v2sf) =	vpush v17, $0xF;
	v19, _, _ =	vpop (xrf0);
	v5 =	vsel vm13, $0x1, v18;
	v2 =	vadd.s32 s4, v6;
	s4 =	sadd.s32 s18, s4  }
0xb8: {  	(v2sf) =	vpush v19, $0xF;
	s19 =	spop (v2sf);
	vm14 =	vlt.s32 v2, s2;
	v3 =	vadd.s32 s4, v7  }
0xb9: {  	v4 =	vadd.s32 v4, v5;
	s6 =	spop (v2sf);
	v5 =	vsel vm14, $0x1, v18;
	vm15 =	vlt.s32 v3, s2;
	s4 =	sadd.s32 s19, s4  }
0xba: {  	s20 =	spop (v2sf);
	v5 =	vadd.s32 v5, v4;
	v6 =	vsel vm15, $0x1, v18;
	v4 =	vadd.s32 s4, v8;
	s4 =	sadd.s32 s6, s4  }
0xbb: {  	v7 =	vadd.s32 v6, v5;
	vm4 =	vlt.s32 v4, s2;
	v5 =	vadd.s32 s4, v9;
	s4 =	sadd.s32 s20, s4  }
0xbc: {  	s21 =	spop (v2sf);
	v8 =	vsel vm4, $0x1, v18;
	vm5 =	vlt.s32 v5, s2;
	v6 =	vadd.s32 s4, v10  }
0xbd: {  	v10 =	vld [tilespmem:$0x2AF0];
	s22 =	spop (v2sf);
	s4 =	sadd.s32 s21, s4;
	v7 =	vadd.s32 v8, v7;
	v8 =	vsel vm5, $0x1, v18;
	vm6 =	vlt.s32 v6, s2  }
0xbe: {  	s23 =	spop (v2sf);
	v8 =	vadd.s32 v8, v7;
	v9 =	vsel vm6, $0x1, v18;
	v7 =	vadd.s32 s4, v11;
	s4 =	sadd.s32 s22, s4  }
0xbf: {  	v11 =	vadd.s32 v9, v8;
	vm7 =	vlt.s32 v7, s2;
	v8 =	vadd.s32 s4, v12;
	s4 =	sadd.s32 s23, s4  }
0xc0: {  	s24 =	spop (v2sf);
	v12 =	vsel vm7, $0x1, v18;
	vm8 =	vlt.s32 v8, s2;
	v9 =	vadd.s32 s4, v13  }
0xc1: {  	s25 =	spop (v2sf);
	v11 =	vadd.s32 v12, v11;
	v12 =	vsel vm8, $0x1, v18;
	vm9 =	vlt.s32 v9, s2;
	s4 =	sadd.s32 s24, s4  }
0xc2: {  	(xrf0) =	vadd.scan.msk.s32 $0xffff, v10;
	s26 =	spop (v2sf);
	v10 =	vadd.s32 v12, v11;
	v11 =	vsel vm9, $0x1, v18;
	v12 =	vadd.s32 s4, v14;
	s4 =	sadd.s32 s25, s4  }
0xc3: {  	v13 =	vadd.s32 v11, v10;
	v11 =	vadd.s32 s4, v15;
	s4 =	sadd.s32 s26, s4  }
0xc4: {  	v10 =	vadd.s32 s4, v16  }
0xc5: {  	vm10 =	vlt.s32 v12, s2;
	vm12 =	vlt.s32 v10, s2  }
0xc6: {  	s28 =	spop (v2sf);
	v14 =	vsel vm10, $0x1, v18;
	vm11 =	vlt.s32 v11, s2;
	v15 =	vsel vm12, $0x1, v18  }
0xc7: {  	s29 =	spop (v2sf);
	v13 =	vadd.s32 v14, v13;
	v14 =	vsel vm11, $0x1, v18;
	s4 =	sadd.s32 s28, s4  }
0xc8: {  	v14 =	vadd.s32 v14, v13;
	v13 =	vadd.s32 s4, v17;
	s4 =	sadd.s32 s29, s4;
	s30 =	spop (v2sf)  }
0xc9: {  	v16 =	vadd.s32 v15, v14;
	vm13 =	vlt.s32 v13, s2;
	v14 =	vadd.s32 s4, v19;
	s4 =	sadd.s32 s30, s4;
	v15, _, _ =	vpop (xrf0)  }
0xca: {  	v17 =	vsel vm13, $0x1, v18;
	vm14 =	vlt.s32 v14, s2;
	v15 =	vadd.s32 s4, v15  }
0xcb: {  	v16 =	vadd.s32 v17, v16;
	v17 =	vsel vm14, $0x1, v18;
	vm15 =	vlt.s32 v15, s2  }
0xcc: {  	v16 =	vadd.s32 v17, v16;
	v19 =	vsel vm15, $0x1, v18  }
0xcd: {  	v16 =	vadd.s32 v19, v16  }
0xce: {  	(xrf0) =	vadd.scan.msk.s32 $0xffff, v16;
	_ =	sdelay $0x5  }
0xcf: {  	v16, _, _ =	vpop (xrf0)  }
0xd0: {  	(v2sf) =	vpush v16, $0xF;
	_ =	sdelay $0x1  }
0xd1: {  	[tilespmem:$0x2A00] =	vst v18  }
0xd2: {  	[tilespmem:$0x2A20] =	vst v18  }
0xd3: {  	[tilespmem:$0x2A70] =	vst v18  }
0xd4: {  	[tilespmem:$0x2A10] =	vst v18  }
0xd5: {  	[tilespmem:$0x2A30] =	vst v18  }
0xd6: {  	[tilespmem:$0x2A40] =	vst v18  }
0xd7: {  	[tilespmem:$0x2A50] =	vst v18  }
0xd8: {  	[tilespmem:$0x2A60] =	vst v18  }
0xd9: {  	[tilespmem:$0x2A80] =	vst v18  }
0xda: {  	[tilespmem:$0x2A90] =	vst v18  }
0xdb: {  	[tilespmem:$0x2AA0] =	vst v18  }
0xdc: {  	[tilespmem:$0x2AB0] =	vst v18  }
0xdd: {  	[tilespmem:$0x2AC0] =	vst v18  }
0xde: {  	s3 =	sshll.u32 s16, $0x8;
	[tilespmem:$0x2AD0] =	vst v18;
	s31 =	spop (v2sf)  }
0xdf: {  	[tilespmem:$0x2AE0] =	vst v18;
	s3 =	sor.u32 s3, s31  }
0xe0: {  	s5 =	simm.s32 $0x0;
	s6 =	simm.s32 $0x40;
	[tilespmem:$0x2AF0] =	vst v18;
	v17 =	vimm.s32 $0x1;
	s4 =	simm.s32 $0x2A00;
	v16 =	vmov s2;
	v18 =	vmov s3  }
.LBB2_8:
0xe1: {  	p0 =	sne.s32 s6, $0x37C0;
	v19 =	vld [tilespmem:s5+$0x1C00];
	_ =	sdelay $0x4  }
0xe2: {  	v20 =	vshrl.u32 v19, $0x10  }
0xe3: {  	v19 =	vshrl.u32 v19, $0x8;
	vm0 =	veq.s32 v20, v18  }
0xe4: {  	v19 =	vand.u32 $0xFF, v19  }
.Ltmp3:
0xe5: {  	(pc) =	sbr.rel @p0 .LBB2_8-.Ltmp3, $2  }
0xe6: {  	_ =	sdelay $0x2  }
0xe7: {  	s5 =	sshra.s32 s6, $0x2;
	s6 =	sadd.s32 $0x40, s6;
	[tilespmem:v19+s4+$0x0] =	vst.idx.add.s32.msk vm0, v17  }
0xe8: {  	vm0 =	vgt.s32 v0, $0x0  }
0xe9: {  	vm1 =	vlt.s32 v0, v16;
	v0 =	vnsel vm0, $0x0, v0  }
0xea: {  	v0 =	vnsel vm1, $0x0, v0  }
0xeb: {  	vm6 =	vgt.s32 v0, v1  }
0xec: {  	vm7 =	vlt.s32 v1, v16;
	v1 =	vsel vm6, v0, v1  }
0xed: {  	v0 =	vsel vm7, v1, v0  }
0xee: {  	vm8 =	vgt.s32 v0, v2  }
0xef: {  	vm9 =	vlt.s32 v2, v16;
	v1 =	vsel vm8, v0, v2  }
0xf0: {  	v0 =	vsel vm9, v1, v0  }
0xf1: {  	vm10 =	vgt.s32 v0, v3  }
0xf2: {  	vm11 =	vlt.s32 v4, v16;
	vm2 =	vlt.s32 v3, v16;
	v1 =	vsel vm10, v0, v3  }
0xf3: {  	v0 =	vsel vm2, v1, v0;
	v1 =	vnsel vm11, $0x0, v4  }
0xf4: {  	vm12 =	vlt.s32 v5, v16;
	vm1 =	vgt.s32 v0, v1  }
0xf5: {  	v0 =	vsel vm1, v0, v1;
	v1 =	vnsel vm12, $0x0, v5  }
0xf6: {  	vm13 =	vlt.s32 v6, v16;
	vm1 =	vgt.s32 v0, v1  }
0xf7: {  	v0 =	vsel vm1, v0, v1;
	v1 =	vnsel vm13, $0x0, v6  }
0xf8: {  	vm14 =	vlt.s32 v7, v16;
	vm1 =	vgt.s32 v0, v1  }
0xf9: {  	v0 =	vsel vm1, v0, v1;
	v1 =	vnsel vm14, $0x0, v7  }
0xfa: {  	vm15 =	vlt.s32 v8, v16;
	vm1 =	vgt.s32 v0, v1  }
0xfb: {  	v0 =	vsel vm1, v0, v1;
	v1 =	vnsel vm15, $0x0, v8  }
0xfc: {  	vm4 =	vlt.s32 v9, v16;
	vm1 =	vgt.s32 v0, v1  }
0xfd: {  	v2 =	vld [tilespmem:s5+$0x1C00];
	v0 =	vsel vm1, v0, v1;
	v1 =	vnsel vm4, $0x0, v9  }
0xfe: {  	vm5 =	vlt.s32 v12, v16;
	vm1 =	vgt.s32 v0, v1  }
0xff: {  	v0 =	vsel vm1, v0, v1;
	v1 =	vnsel vm5, $0x0, v12  }
0x100: {  	vm6 =	vlt.s32 v11, v16;
	vm1 =	vgt.s32 v0, v1  }
0x101: {  	vm7 =	vlt.s32 v10, v16;
	v0 =	vsel vm1, v0, v1;
	v1 =	vnsel vm6, $0x0, v11  }
0x102: {  	v3 =	vshrl.u32 v2, $0x10;
	v2 =	vshrl.u32 v2, $0x8;
	vm1 =	vgt.s32 v0, v1  }
0x103: {  	vm8 =	veq.s32 v3, v18;
	v0 =	vsel vm1, v0, v1;
	v1 =	vnsel vm7, $0x0, v10  }
0x104: {  	vm9 =	vlt.s32 v13, v16;
	v2 =	vand.u32 $0xFF, v2;
	vm1 =	vgt.s32 v0, v1  }
0x105: {  	v0 =	vsel vm1, v0, v1;
	v1 =	vnsel vm9, $0x0, v13  }
0x106: {  	vm10 =	vlt.s32 v14, v16;
	vm1 =	vgt.s32 v0, v1  }
0x107: {  	v0 =	vsel vm1, v0, v1;
	v1 =	vnsel vm10, $0x0, v14  }
0x108: {  	vm11 =	vlt.s32 v15, v16;
	vm1 =	vgt.s32 v0, v1  }
0x109: {  	[tilespmem:v2+s4+$0x0] =	vst.idx.add.s32.msk vm8, v17;
	v0 =	vsel vm1, v0, v1;
	v1 =	vnsel vm11, $0x0, v15  }
0x10a: {  	v2 =	vld [tilespmem:$0x2A00];
	vm0 =	vgt.s32 v0, v1  }
0x10b: {  	v0 =	vsel vm0, v0, v1;
	v1 =	vld [tilespmem:$0x2A10]  }
0x10c: {  	v3 =	vld [tilespmem:$0x2A20];
	v0 =	vxor.u32 $0x80000000, v0  }
0x10d: {  	(xrf0) =	vmax.scan.msk.u32 $0xffff, v0  }
0x10e: {  	v0 =	vld [tilespmem:$0x2A30]  }
0x10f: {  	(xrf0) =	vadd.scan.msk.s32 $0xffff, v2;
	v2 =	vld [tilespmem:$0x2A40]  }
0x110: {  	(xrf0) =	vadd.scan.msk.s32 $0xffff, v1;
	v1 =	vld [tilespmem:$0x2A50]  }
0x111: {  	(xrf0) =	vadd.scan.msk.s32 $0xffff, v3  }
0x112: {  	v3 =	vld [tilespmem:$0x2A60]  }
0x113: {  	v5 =	vld [tilespmem:$0x2A70];
	v4, _, _ =	vpop (xrf0);
	(xrf0) =	vadd.scan.msk.s32 $0xffff, v0  }
0x114: {  	(v2sf) =	vpush v4, $0xF;
	(xrf0) =	vadd.scan.msk.s32 $0xffff, v2;
	v2 =	vld [tilespmem:$0x2A80]  }
0x115: {  	v0, _, _ =	vpop (xrf0);
	(xrf0) =	vadd.scan.msk.s32 $0xffff, v1  }
0x116: {  	v4 =	vld [tilespmem:$0x2A90];
	(v2sf) =	vpush v0, $0xF;
	v1, _, _ =	vpop (xrf0)  }
0x117: {  	(xrf0) =	vadd.scan.msk.s32 $0xffff, v3;
	v3 =	vld [tilespmem:$0x2AA0];
	(v2sf) =	vpush v1, $0xF;
	v6, _, _ =	vpop (xrf0)  }
0x118: {  	(xrf0) =	vadd.scan.msk.s32 $0xffff, v5;
	v5 =	vld [tilespmem:$0x2AB0];
	(v2sf) =	vpush v6, $0xF  }
0x119: {  	v7, _, _ =	vpop (xrf0);
	(xrf0) =	vadd.scan.msk.s32 $0xffff, v2  }
0x11a: {  	(v2sf) =	vpush v7, $0xF;
	v8, _, _ =	vpop (xrf0)  }
0x11b: {  	v2 =	vld [tilespmem:$0x2AC0];
	(v2sf) =	vpush v8, $0xF;
	v9, _, _ =	vpop (xrf0);
	(xrf0) =	vadd.scan.msk.s32 $0xffff, v4  }
0x11c: {  	v4 =	vld [tilespmem:$0x2AD0];
	(v2sf) =	vpush v9, $0xF;
	(xrf0) =	vadd.scan.msk.s32 $0xffff, v3  }
0x11d: {  	v3 =	vld [tilespmem:$0x2AE0];
	v10, _, _ =	vpop (xrf0);
	(xrf0) =	vadd.scan.msk.s32 $0xffff, v5  }
0x11e: {  	(v2sf) =	vpush v10, $0xF;
	v11, _, _ =	vpop (xrf0)  }
0x11f: {  	(v2sf) =	vpush v11, $0xF;
	v12, _, _ =	vpop (xrf0)  }
0x120: {  	(xrf0) =	vadd.scan.msk.s32 $0xffff, v2;
	(v2sf) =	vpush v12, $0xF  }
0x121: {  	(xrf0) =	vadd.scan.msk.s32 $0xffff, v4;
	v13, _, _ =	vpop (xrf0)  }
0x122: {  	(xrf0) =	vadd.scan.msk.s32 $0xffff, v3;
	v14, _, _ =	vpop (xrf0);
	(v2sf) =	vpush v13, $0xF  }
0x123: {  	v15, _, _ =	vpop (xrf0);
	s15 =	spop (v2sf);
	(v2sf) =	vpush v14, $0xF  }
0x124: {  	v2 =	vbroadcast v0, $0xF;
	s4 =	sxor.u32 $0x80000000, s15;
	(v2sf) =	vpush v15, $0xF  }
0x125: {  	s16 =	spop (v2sf);
	s2 =	ssub.s32 s2, s4  }
0x126: {  	v18 =	vimm.s32 $0x0;
	v1 =	vadd.s32 v2, v1;
	v16, _, _ =	vpop (xrf0);
	vm12 =	vlt.s32 v0, s2;
	s17 =	spop (v2sf)  }
0x127: {  	v17, _, _ =	vpop (xrf0);
	(v2sf) =	vpush v16, $0xF;
	vm13 =	vlt.s32 v1, s2;
	v4 =	vsel vm12, $0x1, v18;
	s4 =	sadd.s32 s16, s17;
	s18 =	spop (v2sf)  }
0x128: {  	(v2sf) =	vpush v17, $0xF;
	v19, _, _ =	vpop (xrf0);
	v5 =	vsel vm13, $0x1, v18;
	v2 =	vadd.s32 s4, v6;
	s4 =	sadd.s32 s18, s4  }
0x129: {  	(v2sf) =	vpush v19, $0xF;
	s19 =	spop (v2sf);
	vm14 =	vlt.s32 v2, s2;
	v3 =	vadd.s32 s4, v7  }
0x12a: {  	v4 =	vadd.s32 v4, v5;
	s6 =	spop (v2sf);
	v5 =	vsel vm14, $0x1, v18;
	vm15 =	vlt.s32 v3, s2;
	s4 =	sadd.s32 s19, s4  }
0x12b: {  	s20 =	spop (v2sf);
	v5 =	vadd.s32 v5, v4;
	v6 =	vsel vm15, $0x1, v18;
	v4 =	vadd.s32 s4, v8;
	s4 =	sadd.s32 s6, s4  }
0x12c: {  	v7 =	vadd.s32 v6, v5;
	vm4 =	vlt.s32 v4, s2;
	v5 =	vadd.s32 s4, v9;
	s4 =	sadd.s32 s20, s4  }
0x12d: {  	s21 =	spop (v2sf);
	v8 =	vsel vm4, $0x1, v18;
	vm5 =	vlt.s32 v5, s2;
	v6 =	vadd.s32 s4, v10  }
0x12e: {  	v10 =	vld [tilespmem:$0x2AF0];
	s22 =	spop (v2sf);
	s4 =	sadd.s32 s21, s4;
	v7 =	vadd.s32 v8, v7;
	v8 =	vsel vm5, $0x1, v18;
	vm6 =	vlt.s32 v6, s2  }
0x12f: {  	s23 =	spop (v2sf);
	v8 =	vadd.s32 v8, v7;
	v9 =	vsel vm6, $0x1, v18;
	v7 =	vadd.s32 s4, v11;
	s4 =	sadd.s32 s22, s4  }
0x130: {  	v11 =	vadd.s32 v9, v8;
	vm7 =	vlt.s32 v7, s2;
	v8 =	vadd.s32 s4, v12;
	s4 =	sadd.s32 s23, s4  }
0x131: {  	s24 =	spop (v2sf);
	v12 =	vsel vm7, $0x1, v18;
	vm8 =	vlt.s32 v8, s2;
	v9 =	vadd.s32 s4, v13  }
0x132: {  	s25 =	spop (v2sf);
	v11 =	vadd.s32 v12, v11;
	v12 =	vsel vm8, $0x1, v18;
	vm9 =	vlt.s32 v9, s2;
	s4 =	sadd.s32 s24, s4  }
0x133: {  	(xrf0) =	vadd.scan.msk.s32 $0xffff, v10;
	s26 =	spop (v2sf);
	v10 =	vadd.s32 v12, v11;
	v12 =	vsel vm9, $0x1, v18;
	v11 =	vadd.s32 s4, v14;
	s4 =	sadd.s32 s25, s4  }
0x134: {  	v13 =	vadd.s32 v12, v10;
	v12 =	vadd.s32 s4, v15;
	s4 =	sadd.s32 s26, s4  }
0x135: {  	v10 =	vadd.s32 s4, v16  }
0x136: {  	vm10 =	vlt.s32 v11, s2;
	vm12 =	vlt.s32 v10, s2  }
0x137: {  	s28 =	spop (v2sf);
	v14 =	vsel vm10, $0x1, v18;
	vm11 =	vlt.s32 v12, s2;
	v15 =	vsel vm12, $0x1, v18  }
0x138: {  	s29 =	spop (v2sf);
	v13 =	vadd.s32 v14, v13;
	v14 =	vsel vm11, $0x1, v18;
	s4 =	sadd.s32 s28, s4  }
0x139: {  	v14 =	vadd.s32 v14, v13;
	v13 =	vadd.s32 s4, v17;
	s4 =	sadd.s32 s29, s4;
	s30 =	spop (v2sf)  }
0x13a: {  	v16 =	vadd.s32 v15, v14;
	vm13 =	vlt.s32 v13, s2;
	v14 =	vadd.s32 s4, v19;
	s4 =	sadd.s32 s30, s4;
	v15, _, _ =	vpop (xrf0)  }
0x13b: {  	v17 =	vsel vm13, $0x1, v18;
	vm14 =	vlt.s32 v14, s2;
	v15 =	vadd.s32 s4, v15  }
0x13c: {  	v16 =	vadd.s32 v17, v16;
	v17 =	vsel vm14, $0x1, v18;
	vm15 =	vlt.s32 v15, s2  }
0x13d: {  	v16 =	vadd.s32 v17, v16;
	v19 =	vsel vm15, $0x1, v18  }
0x13e: {  	v16 =	vadd.s32 v19, v16  }
0x13f: {  	(xrf0) =	vadd.scan.msk.s32 $0xffff, v16;
	_ =	sdelay $0x5  }
0x140: {  	v16, _, _ =	vpop (xrf0)  }
0x141: {  	(v2sf) =	vpush v16, $0xF;
	_ =	sdelay $0x1  }
0x142: {  	[tilespmem:$0x2A00] =	vst v18  }
0x143: {  	[tilespmem:$0x2A20] =	vst v18  }
0x144: {  	[tilespmem:$0x2A70] =	vst v18  }
0x145: {  	[tilespmem:$0x2A10] =	vst v18  }
0x146: {  	[tilespmem:$0x2A30] =	vst v18  }
0x147: {  	[tilespmem:$0x2A40] =	vst v18  }
0x148: {  	[tilespmem:$0x2A50] =	vst v18  }
0x149: {  	[tilespmem:$0x2A60] =	vst v18  }
0x14a: {  	[tilespmem:$0x2A80] =	vst v18  }
0x14b: {  	[tilespmem:$0x2A90] =	vst v18  }
0x14c: {  	[tilespmem:$0x2AA0] =	vst v18  }
0x14d: {  	[tilespmem:$0x2AB0] =	vst v18  }
0x14e: {  	[tilespmem:$0x2AC0] =	vst v18  }
0x14f: {  	s3 =	sshll.u32 s3, $0x8;
	[tilespmem:$0x2AD0] =	vst v18;
	s31 =	spop (v2sf)  }
0x150: {  	[tilespmem:$0x2AE0] =	vst v18;
	s3 =	sor.u32 s3, s31  }
0x151: {  	s5 =	simm.s32 $0x0;
	s6 =	simm.s32 $0x40;
	[tilespmem:$0x2AF0] =	vst v18;
	v17 =	vimm.s32 $0x1;
	s4 =	simm.s32 $0x2A00;
	v16 =	vmov s2;
	v18 =	vmov s3  }
.LBB2_10:
0x152: {  	p0 =	sne.s32 s6, $0x37C0;
	v19 =	vld [tilespmem:s5+$0x1C00];
	_ =	sdelay $0x4  }
0x153: {  	v20 =	vshrl.u32 v19, $0x8  }
0x154: {  	vm0 =	veq.s32 v20, v18  }
0x155: {  	v19 =	vand.u32 $0xFF, v19  }
.Ltmp4:
0x156: {  	(pc) =	sbr.rel @p0 .LBB2_10-.Ltmp4, $2  }
0x157: {  	_ =	sdelay $0x2  }
0x158: {  	s5 =	sshra.s32 s6, $0x2;
	s6 =	sadd.s32 $0x40, s6;
	[tilespmem:v19+s4+$0x0] =	vst.idx.add.s32.msk vm0, v17  }
0x159: {  	vm0 =	vgt.s32 v0, $0x0  }
0x15a: {  	vm1 =	vlt.s32 v0, v16;
	v0 =	vnsel vm0, $0x0, v0  }
0x15b: {  	v0 =	vnsel vm1, $0x0, v0  }
0x15c: {  	vm6 =	vgt.s32 v0, v1  }
0x15d: {  	vm7 =	vlt.s32 v1, v16;
	v1 =	vsel vm6, v0, v1  }
0x15e: {  	v0 =	vsel vm7, v1, v0  }
0x15f: {  	vm8 =	vgt.s32 v0, v2  }
0x160: {  	vm9 =	vlt.s32 v2, v16;
	v1 =	vsel vm8, v0, v2  }
0x161: {  	v0 =	vsel vm9, v1, v0  }
0x162: {  	vm10 =	vgt.s32 v0, v3  }
0x163: {  	vm11 =	vlt.s32 v4, v16;
	vm2 =	vlt.s32 v3, v16;
	v1 =	vsel vm10, v0, v3  }
0x164: {  	v0 =	vsel vm2, v1, v0;
	v1 =	vnsel vm11, $0x0, v4  }
0x165: {  	vm12 =	vlt.s32 v5, v16;
	vm1 =	vgt.s32 v0, v1  }
0x166: {  	v0 =	vsel vm1, v0, v1;
	v1 =	vnsel vm12, $0x0, v5  }
0x167: {  	vm13 =	vlt.s32 v6, v16;
	vm1 =	vgt.s32 v0, v1  }
0x168: {  	v0 =	vsel vm1, v0, v1;
	v1 =	vnsel vm13, $0x0, v6  }
0x169: {  	vm14 =	vlt.s32 v7, v16;
	vm1 =	vgt.s32 v0, v1  }
0x16a: {  	v0 =	vsel vm1, v0, v1;
	v1 =	vnsel vm14, $0x0, v7  }
0x16b: {  	vm15 =	vlt.s32 v8, v16;
	vm1 =	vgt.s32 v0, v1  }
0x16c: {  	v0 =	vsel vm1, v0, v1;
	v1 =	vnsel vm15, $0x0, v8  }
0x16d: {  	vm4 =	vlt.s32 v9, v16;
	vm1 =	vgt.s32 v0, v1  }
0x16e: {  	v2 =	vld [tilespmem:s5+$0x1C00];
	v0 =	vsel vm1, v0, v1;
	v1 =	vnsel vm4, $0x0, v9  }
0x16f: {  	vm5 =	vlt.s32 v11, v16;
	vm1 =	vgt.s32 v0, v1  }
0x170: {  	v0 =	vsel vm1, v0, v1;
	v1 =	vnsel vm5, $0x0, v11  }
0x171: {  	vm6 =	vlt.s32 v12, v16;
	vm1 =	vgt.s32 v0, v1  }
0x172: {  	v0 =	vsel vm1, v0, v1;
	v1 =	vnsel vm6, $0x0, v12  }
0x173: {  	vm7 =	vlt.s32 v10, v16;
	v3 =	vshrl.u32 v2, $0x8;
	vm1 =	vgt.s32 v0, v1  }
0x174: {  	vm8 =	veq.s32 v3, v18;
	v0 =	vsel vm1, v0, v1;
	v1 =	vnsel vm7, $0x0, v10  }
0x175: {  	vm9 =	vlt.s32 v13, v16;
	v2 =	vand.u32 $0xFF, v2;
	vm1 =	vgt.s32 v0, v1  }
0x176: {  	v0 =	vsel vm1, v0, v1;
	v1 =	vnsel vm9, $0x0, v13  }
0x177: {  	vm10 =	vlt.s32 v14, v16;
	vm1 =	vgt.s32 v0, v1  }
0x178: {  	v0 =	vsel vm1, v0, v1;
	v1 =	vnsel vm10, $0x0, v14  }
0x179: {  	vm11 =	vlt.s32 v15, v16;
	vm1 =	vgt.s32 v0, v1  }
0x17a: {  	[tilespmem:v2+s4+$0x0] =	vst.idx.add.s32.msk vm8, v17;
	v0 =	vsel vm1, v0, v1;
	v1 =	vnsel vm11, $0x0, v15  }
0x17b: {  	v2 =	vld [tilespmem:$0x2A00];
	vm0 =	vgt.s32 v0, v1  }
0x17c: {  	v0 =	vsel vm0, v0, v1;
	v1 =	vld [tilespmem:$0x2A10]  }
0x17d: {  	v3 =	vld [tilespmem:$0x2A20];
	v0 =	vxor.u32 $0x80000000, v0  }
0x17e: {  	(xrf0) =	vmax.scan.msk.u32 $0xffff, v0  }
0x17f: {  	v0 =	vld [tilespmem:$0x2A30]  }
0x180: {  	(xrf0) =	vadd.scan.msk.s32 $0xffff, v2;
	v2 =	vld [tilespmem:$0x2A40]  }
0x181: {  	v4 =	vld [tilespmem:$0x2A50];
	(xrf0) =	vadd.scan.msk.s32 $0xffff, v1  }
0x182: {  	(xrf0) =	vadd.scan.msk.s32 $0xffff, v3  }
0x183: {  	v3 =	vld [tilespmem:$0x2A60]  }
0x184: {  	v1, _, _ =	vpop (xrf0);
	(xrf0) =	vadd.scan.msk.s32 $0xffff, v0;
	v0 =	vld [tilespmem:$0x2A70]  }
0x185: {  	(v2sf) =	vpush v1, $0xF;
	(xrf0) =	vadd.scan.msk.s32 $0xffff, v2;
	v2 =	vld [tilespmem:$0x2A80]  }
0x186: {  	v1, _, _ =	vpop (xrf0);
	(xrf0) =	vadd.scan.msk.s32 $0xffff, v4  }
0x187: {  	v5 =	vld [tilespmem:$0x2A90];
	(v2sf) =	vpush v1, $0xF;
	v4, _, _ =	vpop (xrf0)  }
0x188: {  	(xrf0) =	vadd.scan.msk.s32 $0xffff, v3;
	v3 =	vld [tilespmem:$0x2AA0];
	(v2sf) =	vpush v4, $0xF;
	v6, _, _ =	vpop (xrf0)  }
0x189: {  	(v2sf) =	vpush v6, $0xF;
	(xrf0) =	vadd.scan.msk.s32 $0xffff, v0;
	v0 =	vld [tilespmem:$0x2AB0]  }
0x18a: {  	v7, _, _ =	vpop (xrf0);
	(xrf0) =	vadd.scan.msk.s32 $0xffff, v2  }
0x18b: {  	v2 =	vld [tilespmem:$0x2AC0];
	(v2sf) =	vpush v7, $0xF;
	v8, _, _ =	vpop (xrf0)  }
0x18c: {  	(v2sf) =	vpush v8, $0xF;
	v9, _, _ =	vpop (xrf0);
	(xrf0) =	vadd.scan.msk.s32 $0xffff, v5;
	v5 =	vld [tilespmem:$0x2AD0]  }
0x18d: {  	(v2sf) =	vpush v9, $0xF;
	(xrf0) =	vadd.scan.msk.s32 $0xffff, v3;
	v3 =	vld [tilespmem:$0x2AE0]  }
0x18e: {  	v10, _, _ =	vpop (xrf0);
	(xrf0) =	vadd.scan.msk.s32 $0xffff, v0  }
0x18f: {  	(v2sf) =	vpush v10, $0xF;
	v0, _, _ =	vpop (xrf0)  }
0x190: {  	(v2sf) =	vpush v0, $0xF;
	v11, _, _ =	vpop (xrf0);
	(xrf0) =	vadd.scan.msk.s32 $0xffff, v2  }
0x191: {  	(v2sf) =	vpush v11, $0xF;
	(xrf0) =	vadd.scan.msk.s32 $0xffff, v5  }
0x192: {  	v12, _, _ =	vpop (xrf0);
	(xrf0) =	vadd.scan.msk.s32 $0xffff, v3  }
0x193: {  	v13, _, _ =	vpop (xrf0);
	(v2sf) =	vpush v12, $0xF  }
0x194: {  	v14, _, _ =	vpop (xrf0);
	s15 =	spop (v2sf);
	(v2sf) =	vpush v13, $0xF  }
0x195: {  	v2 =	vbroadcast v1, $0xF;
	(v2sf) =	vpush v14, $0xF  }
0x196: {  	s4 =	sxor.u32 $0x80000000, s15;
	s16 =	spop (v2sf);
	v15, _, _ =	vpop (xrf0)  }
0x197: {  	v17 =	vimm.s32 $0x0;
	v2 =	vadd.s32 v2, v4;
	s2 =	ssub.s32 s2, s4;
	v16, _, _ =	vpop (xrf0);
	s17 =	spop (v2sf);
	(v2sf) =	vpush v15, $0xF  }
0x198: {  	vm12 =	vlt.s32 v1, s2;
	vm13 =	vlt.s32 v2, s2;
	s4 =	sadd.s32 s16, s17;
	s18 =	spop (v2sf);
	(v2sf) =	vpush v16, $0xF;
	v18, _, _ =	vpop (xrf0)  }
0x199: {  	v5 =	vsel vm12, $0x1, v17;
	v3 =	vadd.s32 s4, v6;
	s4 =	sadd.s32 s18, s4;
	(v2sf) =	vpush v18, $0xF  }
0x19a: {  	v6 =	vsel vm13, $0x1, v17;
	s19 =	spop (v2sf);
	vm14 =	vlt.s32 v3, s2;
	v4 =	vadd.s32 s4, v7  }
0x19b: {  	v5 =	vadd.s32 v5, v6;
	s6 =	spop (v2sf);
	v6 =	vsel vm14, $0x1, v17;
	vm15 =	vlt.s32 v4, s2;
	s4 =	sadd.s32 s19, s4  }
0x19c: {  	s20 =	spop (v2sf);
	v6 =	vadd.s32 v6, v5;
	v7 =	vsel vm15, $0x1, v17;
	v5 =	vadd.s32 s4, v8;
	s4 =	sadd.s32 s6, s4  }
0x19d: {  	v8 =	vadd.s32 v7, v6;
	vm4 =	vlt.s32 v5, s2;
	v6 =	vadd.s32 s4, v9;
	s4 =	sadd.s32 s20, s4  }
0x19e: {  	v19 =	vld [tilespmem:$0x2AF0];
	s21 =	spop (v2sf);
	v9 =	vsel vm4, $0x1, v17;
	vm5 =	vlt.s32 v6, s2;
	v7 =	vadd.s32 s4, v10  }
0x19f: {  	s4 =	sadd.s32 s21, s4;
	s22 =	spop (v2sf);
	v8 =	vadd.s32 v9, v8;
	v9 =	vsel vm5, $0x1, v17;
	vm6 =	vlt.s32 v7, s2  }
0x1a0: {  	s23 =	spop (v2sf);
	v9 =	vadd.s32 v9, v8;
	v10 =	vsel vm6, $0x1, v17;
	v8 =	vadd.s32 s4, v0;
	s4 =	sadd.s32 s22, s4  }
0x1a1: {  	v0 =	vadd.s32 v10, v9;
	vm7 =	vlt.s32 v8, s2;
	v9 =	vadd.s32 s4, v11;
	s4 =	sadd.s32 s23, s4  }
0x1a2: {  	s24 =	spop (v2sf);
	v11 =	vsel vm7, $0x1, v17;
	vm8 =	vlt.s32 v9, s2;
	v10 =	vadd.s32 s4, v12  }
0x1a3: {  	(xrf0) =	vadd.scan.msk.s32 $0xffff, v19;
	s25 =	spop (v2sf);
	v0 =	vadd.s32 v11, v0;
	v11 =	vsel vm8, $0x1, v17;
	vm9 =	vlt.s32 v10, s2;
	s4 =	sadd.s32 s24, s4  }
0x1a4: {  	s26 =	spop (v2sf);
	v0 =	vadd.s32 v11, v0;
	v11 =	vsel vm9, $0x1, v17;
	v13 =	vadd.s32 s4, v13;
	s4 =	sadd.s32 s25, s4  }
0x1a5: {  	v0 =	vadd.s32 v11, v0;
	vm10 =	vlt.s32 v13, s2;
	v11 =	vadd.s32 s4, v14;
	s4 =	sadd.s32 s26, s4  }
0x1a6: {  	s28 =	spop (v2sf);
	v14 =	vsel vm10, $0x1, v17;
	vm11 =	vlt.s32 v11, s2;
	v12 =	vadd.s32 s4, v15  }
0x1a7: {  	s29 =	spop (v2sf);
	v0 =	vadd.s32 v14, v0;
	v14 =	vsel vm11, $0x1, v17;
	vm12 =	vlt.s32 v12, s2;
	s4 =	sadd.s32 s28, s4  }
0x1a8: {  	v0 =	vadd.s32 v14, v0;
	v15 =	vsel vm12, $0x1, v17;
	v14 =	vadd.s32 s4, v16;
	s4 =	sadd.s32 s29, s4;
	s30 =	spop (v2sf)  }
0x1a9: {  	v16, _, _ =	vpop (xrf0);
	v0 =	vadd.s32 v15, v0;
	vm13 =	vlt.s32 v14, s2;
	v15 =	vadd.s32 s4, v18;
	s4 =	sadd.s32 s30, s4  }
0x1aa: {  	v18 =	vsel vm13, $0x1, v17;
	vm14 =	vlt.s32 v15, s2;
	v16 =	vadd.s32 s4, v16  }
0x1ab: {  	v0 =	vadd.s32 v18, v0;
	v18 =	vsel vm14, $0x1, v17;
	vm15 =	vlt.s32 v16, s2  }
0x1ac: {  	v19 =	vsel vm15, $0x1, v17;
	v0 =	vadd.s32 v18, v0  }
0x1ad: {  	v0 =	vadd.s32 v19, v0  }
0x1ae: {  	(xrf0) =	vadd.scan.msk.s32 $0xffff, v0;
	_ =	sdelay $0x5  }
0x1af: {  	v0, _, _ =	vpop (xrf0)  }
0x1b0: {  	(v2sf) =	vpush v0, $0xF;
	_ =	sdelay $0xc  }
0x1b1: {  	[tilespmem:$0x2A00] =	vst v17  }
0x1b2: {  	[tilespmem:$0x2A20] =	vst v17  }
0x1b3: {  	s3 =	sshll.u32 s3, $0x8;
	[tilespmem:$0x2A10] =	vst v17;
	s31 =	spop (v2sf)  }
0x1b4: {  	s5 =	simm.s32 $0x1C00;
	[tilespmem:$0x2A30] =	vst v17;
	s3 =	sor.u32 s3, s31  }
0x1b5: {  	s6 =	simm.s32 $0x10;
	s4 =	simm.s32 $0x0;
	v17 =	vmov s2;
	v18 =	vimm.s32 $0x1;
	v19 =	vld [tilespmem:s5+$0x0];
	v0 =	vmov s3;
	s3 =	simm.s32 $0x2A00  }
.LBB2_12:
0x1b6: {  	p0 =	sne.s32 s6, $0xDF0  }
0x1b7: {  	v20 =	vmov s4;
	s4 =	smov.u32 s6  }
0x1b8: {  	v20 =	vshrl.u32 v20, $0x6  }
0x1b9: {  	v20 =	vand.u32 $0x3F, v20  }
0x1ba: {  	vm0 =	veq.s32 v19, v0;
	v19 =	vbroadcast v20, $0x0;
	_ =	sdelay $0x2  }
.Ltmp5:
0x1bb: {  	(pc) =	sbr.rel @p0 .LBB2_12-.Ltmp5, $3  }
0x1bc: {  	_ =	sdelay $0x1  }
0x1bd: {  	s5 =	sadd.s32 $0x10, s5;
	[tilespmem:v19+s3+$0x0] =	vst.idx.add.s32.msk vm0, v18  }
0x1be: {  	s6 =	sadd.s32 $0x10, s6;
	v19 =	vld [tilespmem:s5+$0x0]  }
0x1bf: {  	vm0 =	vgt.s32 v1, $0x0  }
0x1c0: {  	vm1 =	vlt.s32 v1, v17;
	v1 =	vnsel vm0, $0x0, v1  }
0x1c1: {  	v1 =	vnsel vm1, $0x0, v1  }
0x1c2: {  	vm6 =	vgt.s32 v1, v2  }
0x1c3: {  	vm7 =	vlt.s32 v2, v17;
	v2 =	vsel vm6, v1, v2  }
0x1c4: {  	v1 =	vsel vm7, v2, v1  }
0x1c5: {  	vm8 =	vgt.s32 v1, v3  }
0x1c6: {  	vm9 =	vlt.s32 v3, v17;
	v2 =	vsel vm8, v1, v3  }
0x1c7: {  	v1 =	vsel vm9, v2, v1  }
0x1c8: {  	vm10 =	vgt.s32 v1, v4  }
0x1c9: {  	vm11 =	vlt.s32 v5, v17;
	vm2 =	vlt.s32 v4, v17;
	v2 =	vsel vm10, v1, v4  }
0x1ca: {  	v1 =	vsel vm2, v2, v1;
	v2 =	vnsel vm11, $0x0, v5  }
0x1cb: {  	vm12 =	vlt.s32 v6, v17;
	vm1 =	vgt.s32 v1, v2  }
0x1cc: {  	v1 =	vsel vm1, v1, v2;
	v2 =	vnsel vm12, $0x0, v6  }
0x1cd: {  	vm13 =	vlt.s32 v7, v17;
	vm1 =	vgt.s32 v1, v2  }
0x1ce: {  	v1 =	vsel vm1, v1, v2;
	v2 =	vnsel vm13, $0x0, v7  }
0x1cf: {  	vm14 =	vlt.s32 v8, v17;
	vm1 =	vgt.s32 v1, v2  }
0x1d0: {  	v1 =	vsel vm1, v1, v2;
	v2 =	vnsel vm14, $0x0, v8  }
0x1d1: {  	vm15 =	vlt.s32 v9, v17;
	vm1 =	vgt.s32 v1, v2  }
0x1d2: {  	v1 =	vsel vm1, v1, v2;
	v2 =	vnsel vm15, $0x0, v9  }
0x1d3: {  	vm4 =	vlt.s32 v10, v17;
	vm1 =	vgt.s32 v1, v2  }
0x1d4: {  	v1 =	vsel vm1, v1, v2;
	v2 =	vnsel vm4, $0x0, v10  }
0x1d5: {  	vm5 =	vlt.s32 v13, v17;
	vm6 =	vlt.s32 v11, v17;
	vm1 =	vgt.s32 v1, v2  }
0x1d6: {  	v3 =	vmov s4;
	v1 =	vsel vm1, v1, v2;
	v2 =	vnsel vm5, $0x0, v13  }
0x1d7: {  	vm7 =	veq.s32 v19, v0;
	v3 =	vshrl.u32 v3, $0x6;
	vm1 =	vgt.s32 v1, v2  }
0x1d8: {  	v3 =	vand.u32 $0x3F, v3;
	v1 =	vsel vm1, v1, v2;
	v2 =	vnsel vm6, $0x0, v11  }
0x1d9: {  	vm8 =	vlt.s32 v12, v17;
	v3 =	vbroadcast v3, $0x0;
	vm1 =	vgt.s32 v1, v2  }
0x1da: {  	v1 =	vsel vm1, v1, v2;
	v2 =	vnsel vm8, $0x0, v12  }
0x1db: {  	vm9 =	vlt.s32 v14, v17;
	vm1 =	vgt.s32 v1, v2  }
0x1dc: {  	v1 =	vsel vm1, v1, v2;
	v2 =	vnsel vm9, $0x0, v14  }
0x1dd: {  	vm10 =	vlt.s32 v15, v17;
	vm1 =	vgt.s32 v1, v2  }
0x1de: {  	v1 =	vsel vm1, v1, v2;
	v2 =	vnsel vm10, $0x0, v15  }
0x1df: {  	vm11 =	vlt.s32 v16, v17;
	[tilespmem:v3+s3+$0x0] =	vst.idx.add.s32.msk vm7, v18;
	vm1 =	vgt.s32 v1, v2  }
0x1e0: {  	v3 =	vld [tilespmem:$0x2A00];
	v1 =	vsel vm1, v1, v2;
	v2 =	vnsel vm11, $0x0, v16  }
0x1e1: {  	v4 =	vld [tilespmem:$0x2A10];
	vm0 =	vgt.s32 v1, v2  }
0x1e2: {  	v1 =	vsel vm0, v1, v2;
	v2 =	vld [tilespmem:$0x2A20]  }
0x1e3: {  	v1 =	vxor.u32 $0x80000000, v1  }
0x1e4: {  	(xrf0) =	vmax.scan.msk.u32 $0xffff, v1  }
0x1e5: {  	(xrf0) =	vadd.scan.msk.s32 $0xffff, v3  }
0x1e6: {  	(xrf0) =	vadd.scan.msk.s32 $0xffff, v4  }
0x1e7: {  	(xrf0) =	vadd.scan.msk.s32 $0xffff, v2;
	_ =	sdelay $0x2  }
0x1e8: {  	v2, _, _ =	vpop (xrf0)  }
0x1e9: {  	v1, _, _ =	vpop (xrf0);
	(v2sf) =	vpush v2, $0xF  }
0x1ea: {  	v2, _, _ =	vpop (xrf0);
	(v2sf) =	vpush v1, $0xF  }
0x1eb: {  	(v2sf) =	vpush v2, $0xF;
	v3, _, _ =	vpop (xrf0)  }
0x1ec: {  	(v2sf) =	vpush v3, $0xF;
	_ =	sdelay $0x4  }
0x1ed: {  	v4 =	vld [tilespmem:$0x2A30];
	_ =	sdelay $0x4  }
0x1ee: {  	(xrf0) =	vadd.scan.msk.s32 $0xffff, v4;
	_ =	sdelay $0x1  }
0x1ef: {  	s28 =	spop (v2sf)  }
0x1f0: {  	v4 =	vbroadcast v1, $0xF;
	s29 =	spop (v2sf);
	s3 =	sxor.u32 $0x80000000, s28  }
0x1f1: {  	s5 =	spop (v2sf);
	s2 =	ssub.s32 s2, s3  }
0x1f2: {  	v7 =	vimm.s32 $0x0;
	v2 =	vadd.s32 v4, v2;
	vm12 =	vlt.s32 v1, s2;
	s30 =	sadd.s32 s29, s5;
	s31 =	spop (v2sf)  }
0x1f3: {  	vm13 =	vlt.s32 v2, s2;
	v5 =	vsel vm12, $0x1, v7;
	v4 =	vadd.s32 s30, v3;
	s3 =	sadd.s32 s31, s30;
	v3, _, _ =	vpop (xrf0)  }
0x1f4: {  	v6 =	vsel vm13, $0x1, v7;
	vm14 =	vlt.s32 v4, s2;
	v3 =	vadd.s32 s3, v3  }
0x1f5: {  	v5 =	vadd.s32 v5, v6;
	v6 =	vsel vm14, $0x1, v7;
	vm15 =	vlt.s32 v3, s2  }
0x1f6: {  	v8 =	vsel vm15, $0x1, v7;
	v5 =	vadd.s32 v6, v5  }
0x1f7: {  	v5 =	vadd.s32 v8, v5  }
0x1f8: {  	(xrf0) =	vadd.scan.msk.s32 $0xffff, v5;
	_ =	sdelay $0x2  }
0x1f9: {  	[tilespmem:$0x2A00] =	vst v7  }
0x1fa: {  	[tilespmem:$0x2A10] =	vst v7  }
0x1fb: {  	[tilespmem:$0x2A20] =	vst v7  }
0x1fc: {  	[tilespmem:$0x2A30] =	vst v7;
	s5 =	simm.s32 $0x1C00;
	v6 =	vmov s2;
	v5, _, _ =	vpop (xrf0)  }
0x1fd: {  	s6 =	simm.s32 $0x10;
	s4 =	simm.s32 $0x0;
	v10 =	vld [tilespmem:s5+$0x0];
	s3 =	simm.s32 $0x2A00;
	v7 =	vimm.s32 $0x1;
	v8 =	vlaneseq.u32;
	v9 =	vbroadcast v5, $0xF  }
.LBB2_14:
0x1fe: {  	p0 =	sne.s32 s6, $0xDF0;
	_ =	sdelay $0x1  }
0x1ff: {  	v11 =	vmov s4  }
0x200: {  	v11 =	vshrl.u32 v11, $0x6  }
0x201: {  	vm1 =	veq.s32 v11, v9;
	vm0 =	veq.s32 v10, v0  }
0x202: {  	v10 =	vor.u32 s4, v8;
	s4 =	smov.u32 s6;
	vm0 =	vmand vm1, vm0  }
0x203: {  	v10 =	vand.u32 $0x3F, v10;
	_ =	sdelay $0x1  }
.Ltmp6:
0x204: {  	(pc) =	sbr.rel @p0 .LBB2_14-.Ltmp6, $3  }
0x205: {  	_ =	sdelay $0x1  }
0x206: {  	s5 =	sadd.s32 $0x10, s5;
	[tilespmem:v10+s3+$0x0] =	vst.idx.add.s32.msk vm0, v7  }
0x207: {  	s6 =	sadd.s32 $0x10, s6;
	v10 =	vld [tilespmem:s5+$0x0]  }
0x208: {  	_ =	sdelay $0x1  }
0x209: {  	v11 =	vmov s4;
	vm1 =	vgt.s32 v1, $0x0  }
0x20a: {  	v11 =	vshrl.u32 v11, $0x6;
	v62 =	vnsel vm1, $0x0, v1  }
0x20b: {  	vm1 =	vlt.s32 v1, v6;
	vm0 =	veq.s32 v11, v9;
	vm2 =	veq.s32 v10, v0  }
0x20c: {  	v1 =	vor.u32 s4, v8;
	v63 =	vnsel vm1, $0x0, v62;
	vm0 =	vmand vm0, vm2  }
0x20d: {  	v1 =	vand.u32 $0x3F, v1;
	vm1 =	vgt.s32 v63, v2  }
0x20e: {  	vm2 =	vlt.s32 v2, v6;
	v2 =	vsel vm1, v63, v2  }
0x20f: {  	v2 =	vsel vm2, v2, v63  }
0x210: {  	vm1 =	vgt.s32 v2, v4  }
0x211: {  	vm2 =	vlt.s32 v4, v6;
	v4 =	vsel vm1, v2, v4  }
0x212: {  	[tilespmem:v1+s3+$0x0] =	vst.idx.add.s32.msk vm0, v7;
	v1 =	vsel vm2, v4, v2  }
0x213: {  	vm0 =	vgt.s32 v1, v3;
	v2 =	vld [tilespmem:$0x2A00]  }
0x214: {  	vm1 =	vlt.s32 v3, v6;
	v4 =	vld [tilespmem:$0x2A10];
	v3 =	vsel vm0, v1, v3  }
0x215: {  	v1 =	vsel vm1, v3, v1;
	v3 =	vld [tilespmem:$0x2A20]  }
0x216: {  	v1 =	vxor.u32 $0x80000000, v1  }
0x217: {  	(xrf0) =	vmax.scan.msk.u32 $0xffff, v1  }
0x218: {  	(xrf0) =	vadd.scan.msk.s32 $0xffff, v2  }
0x219: {  	(xrf0) =	vadd.scan.msk.s32 $0xffff, v4  }
0x21a: {  	(xrf0) =	vadd.scan.msk.s32 $0xffff, v3;
	_ =	sdelay $0x2  }
0x21b: {  	(v2sf) =	vpush v5, $0xF;
	v1, _, _ =	vpop (xrf0)  }
0x21c: {  	v2, _, _ =	vpop (xrf0);
	(v2sf) =	vpush v1, $0xF  }
0x21d: {  	v1, _, _ =	vpop (xrf0);
	(v2sf) =	vpush v2, $0xF  }
0x21e: {  	(v2sf) =	vpush v1, $0xF;
	v3, _, _ =	vpop (xrf0)  }
0x21f: {  	(v2sf) =	vpush v3, $0xF;
	_ =	sdelay $0x4  }
0x220: {  	v4 =	vld [tilespmem:$0x2A30];
	_ =	sdelay $0x4  }
0x221: {  	(xrf0) =	vadd.scan.msk.s32 $0xffff, v4  }
0x222: {  	s24 =	spop (v2sf)  }
0x223: {  	s25 =	spop (v2sf)  }
0x224: {  	v4 =	vbroadcast v2, $0xF;
	s5 =	spop (v2sf);
	s4 =	sxor.u32 $0x80000000, s25  }
0x225: {  	s2 =	ssub.s32 s2, s4;
	s26 =	spop (v2sf)  }
0x226: {  	v1 =	vadd.s32 v4, v1;
	vm0 =	vlt.s32 v2, s2;
	v2 =	vimm.s32 $0x0;
	s4 =	sadd.s32 s5, s26;
	s28 =	spop (v2sf)  }
0x227: {  	v4 =	vsel vm0, $0x1, v2;
	vm0 =	vlt.s32 v1, s2;
	v1 =	vadd.s32 s4, v3;
	s4 =	sadd.s32 s28, s4;
	v3, _, _ =	vpop (xrf0)  }
0x228: {  	v5 =	vsel vm0, $0x1, v2;
	vm0 =	vlt.s32 v1, s2;
	v1 =	vadd.s32 s4, v3  }
0x229: {  	v3 =	vadd.s32 v4, v5;
	v4 =	vsel vm0, $0x1, v2;
	vm0 =	vlt.s32 v1, s2  }
0x22a: {  	v1 =	vadd.s32 v4, v3;
	v2 =	vsel vm0, $0x1, v2  }
0x22b: {  	v1 =	vadd.s32 v2, v1  }
0x22c: {  	(xrf0) =	vadd.scan.msk.s32 $0xffff, v1;
	_ =	sdelay $0x5  }
0x22d: {  	v1, _, _ =	vpop (xrf0)  }
0x22e: {  	(v2sf) =	vpush v1, $0xF;
	_ =	sdelay $0xd  }
0x22f: {  	s29 =	simm.s32 $0x1C00  }
0x230: {  	s3 =	sshll.u32 s24, $0x6;
	v1 =	vld [tilespmem:s29+$0x0];
	s30 =	spop (v2sf)  }
0x231: {  	s2 =	sor.u32 s3, s30  }
0x232: {  	v4 =	vmov s2;
	s2 =	simm.s32 $0xE00  }
0x233: {  	s31 =	simm.s32 $0x0;
	v3 =	vlaneseq.u32;
	v5 =	vld [tilespmem:s2+$0x0]  }
0x234: {  	v6 =	vor.u32 s31, v3  }
0x235: {  	s4 =	simm.s32 $0x1C10;
	v2 =	vimm.f32 $0.0e+00;
	vm0 =	veq.s32 v1, v0;
	s3 =	simm.s32 $0x10;
	vm1 =	vle.s32 v6, v4  }
.LBB2_16:
0x236: {  	p0 =	sne.s32 s3, $0xDF0;
	vm2 =	vlt.s32 v1, v0;
	v1 =	vld [tilespmem:s4+$0x0];
	vm0 =	vmand vm1, vm0;
	s5 =	smov.u32 s3;
	s3 =	sadd.s32 $0x10, s3  }
.Ltmp7:
0x237: {  	vm0 =	vmor vm2, vm0;
	(pc) =	sbr.rel @p0 .LBB2_16-.Ltmp7, $4  }
0x238: {  	s2 =	sadd.s32 $0x10, s2;
	v6 =	vnsel vm0, $0x0, v5  }
0x239: {  	v5 =	vld [tilespmem:s2+$0x0];
	v2 =	vadd.f32 v6, v2  }
0x23a: {  	v6 =	vor.u32 s5, v3  }
0x23b: {  	s4 =	sadd.s32 $0x10, s4;
	vm1 =	vle.s32 v6, v4;
	vm0 =	veq.s32 v1, v0  }
0x23c: {  	vm2 =	vlt.s32 v1, v0;
	vm0 =	vmand vm1, vm0  }
0x23d: {  	vm0 =	vmor vm2, vm0  }
0x23e: {  	v62 =	vnsel vm0, $0x0, v5  }
0x23f: {  	v0 =	vadd.f32 v62, v2;
	_ =	sdelay $0x1  }
0x240: {  	(xrf2) =	vadd.scan.msk.f32 $0xffff, v0;
	_ =	sdelay $0x9  }
0x241: {  	v0, _, _ =	vpop (xrf2)  }
0x242: {  	(v2sf) =	vpush v0, $0xF;
	_ =	sdelay $0xe  }
0x243: {  	s2 =	spop (v2sf)  }
0x244: {  	s2 =	smul.f32 $2.724783880e-07, s2;
	_ =	sdelay $0x1  }
0x245: {  	v63 =	vmov s2  }
0x246: {  	v0 =	vadd.f32 $0.0e+00, v63;
	_ =	sdelay $0x1  }
0x247: {  	v0 =	vbroadcast v0, $0x0;
	_ =	sdelay $0x1  }
0x248: {  	s30 =	simm.s32 $0x0;
	s3 =	simm.s32 $0x2B00;
	s31 =	simm.s32 $0x1;
	[tilespmem:$0x2B00] =	vst v0  }
0x249: {  	[hbm4b:s1+s30] =	stream.linear.scatter [tilespmem:s3], [sflag:$0x1], $0x80, $0x38;
	[tilespmem:$0x2B80] =	vst v63  }
0x24a: {  	_ =	swait.ge [sflag:s31], $0x80  }
0x24b: {  	[sflag:s31] =	ssyncset.done $0x0  }
0x24c: {  	[sflag:s31] =	ssyncadd.s32 $0xFFFFFF80  }
0x24d: {  	_ =	sfence.sel $0x180000  }
0x24e: {  	[bflag:$0x0] =	sbarrier.arrive $0xFFFF  }
0x24f: {  	_ =	strace $0x90000047  }
0x250: {  	s0 =	sadd.s32 $0x100000, s0;
	[bflag:$0x2] =	sbarrier.arrive $0xFFFF  }
0x251: {  	[sflag:s0] =	ssyncadd.tile.s32 $0x1;
	_ =	shalt  }
.Lfunc_end2:
_tile_overlayer_lowered:
.L_overlay_start_2:
0x252: {  	(tag) =	ssettag $0x2  }
0x253: {  	s0 =	rddreg [dreg:$0x0];
	s2 =	stileid.u32  }
0x254: {  	s1 =	rddreg [dreg:$0x1];
	p0 =	sne.s32 s2, $0x0  }
0x255: {  	s3 =	rddreg [dreg:$0x2];
	[bflag:$0x3] =	sbarrier.arrive $0xFFFF;
	s2 =	simm.s32 @!p0 $0x1C01  }
0x256: {  	[timem:s3], [sflag:s2] =	dma.local @!p0 [hbm:s0], s1  }
0x257: {  	s0 =	simm.s32 @!p0 $0x1  }
0x258: {  	_ =	swait.ge @!p0 [sflag:s0], s1  }
0x259: {  	s1 =	ssub.s32 @!p0 $0x0, s1;
	[sflag:s0] =	ssyncset.done @!p0 $0x0  }
0x25a: {  	[sflag:s0] =	ssyncadd.s32 @!p0 s1  }
0x25b: {  	[bflag:$0x3] =	sbarrier.arrive $0xFFFF  }
0x25c: {  	_ =	shalt  }

</sc_bundles>
